<compile_context>
chip_gen: v7x
topology: tpu7x:2x2x1
jax: 0.10.2.dev20260603
libtpu: 0.0.44.dev20260713+nightly
codegen_flags: <defaults>
</compile_context>

<pallas_src>
import functools

import jax
import jax.numpy as jnp
from jax import lax
from jax.experimental import pallas as pl
from jax.experimental.pallas import tpu as pltpu
from jax.experimental.pallas import tpu_sc as plsc

_N = 10000
_NP = 10240
_D = 128
_G = 64
_NC = 2
_NS = 16
_NW = _NC * _NS
_K = 80
_RB = 512


def _sc_aggregate(u, src, dst):
    e = src.shape[0]
    ew = e // _NW
    nch = ew // _K
    assert nch >= 2 and (nch - 2) % 3 == 0
    rpt = _NP // _NS
    mesh = plsc.VectorSubcoreMesh(core_axis_name="c", subcore_axis_name="s")

    @functools.partial(
        pl.kernel,
        out_type=jax.ShapeDtypeStruct((_NC, _NP, _D), jnp.float32),
        mesh=mesh,
        scratch_types=[
            pltpu.VMEM_SHARED((_NP, _D), jnp.float32),
            pltpu.VMEM((ew,), jnp.int32),
            pltpu.VMEM((_K,), jnp.int32),
            pltpu.VMEM((_K,), jnp.int32),
            pltpu.VMEM((_K,), jnp.int32),
            pltpu.VMEM((_K, _D), jnp.float32),
            pltpu.VMEM((_K, _D), jnp.float32),
            pltpu.VMEM((_K, _D), jnp.float32),
            pltpu.VMEM((16, _D), jnp.float32),
            pltpu.SemaphoreType.DMA,
            pltpu.SemaphoreType.DMA,
            pltpu.SemaphoreType.DMA,
            pltpu.SemaphoreType.DMA,
            pltpu.SemaphoreType.DMA,
            pltpu.SemaphoreType.DMA,
        ],
    )
    def agg_kernel(u_hbm, src_hbm, dst_hbm, out_hbm, acc, sidx,
                   di0, di1, di2, rows0, rows1, rows2, zb,
                   sem0, sem1, sem2, dm0, dm1, dm2):
        c = lax.axis_index("c")
        s = lax.axis_index("s")
        wid = c * _NS + s
        base = wid * ew
        z16 = jnp.zeros((16,), jnp.float32)

        def _fill(i, _):
            for j in range(_D // 16):
                zb[i, pl.ds(j * 16, 16)] = z16
            return 0

        lax.fori_loop(0, 16, _fill, 0)

        pltpu.sync_copy(src_hbm.at[pl.ds(base, ew)], sidx)

        def _zcp(j, _):
            pltpu.sync_copy(zb, acc.at[pl.ds(s * rpt + j * 16, 16)])
            return 0

        lax.fori_loop(0, rpt // 16, _zcp, 0)
        plsc.subcore_barrier()

        di = (di0, di1, di2)
        dm = (dm0, dm1, dm2)
        rows = (rows0, rows1, rows2)
        sem = (sem0, sem1, sem2)

        def _issue(ch, b):
            pltpu.async_copy(dst_hbm.at[pl.ds(base + ch * _K, _K)],
                             di[b], dm[b])
            pltpu.async_copy(u_hbm.at[sidx.at[pl.ds(ch * _K, _K)]],
                             rows[b], sem[b])

        def _retire(ch, b):
            pltpu.make_async_copy(dst_hbm.at[pl.ds(base + ch * _K, _K)],
                                  di[b], dm[b]).wait()
            pltpu.make_async_copy(u_hbm.at[sidx.at[pl.ds(ch * _K, _K)]],
                                  rows[b], sem[b]).wait()
            pltpu.sync_copy(rows[b], acc.at[di[b]], add=True)

        _issue(0, 0)
        _issue(1, 1)

        def _trip(k, _):
            c0 = 3 * k
            for j in range(3):
                _issue(c0 + j + 2, (j + 2) % 3)
                _retire(c0 + j, j)
            return 0

        lax.fori_loop(0, (nch - 2) // 3, _trip, 0)

        _retire(nch - 2, (nch - 2) % 3)
        _retire(nch - 1, (nch - 1) % 3)

        plsc.subcore_barrier()
        pltpu.sync_copy(acc.at[pl.ds(s * rpt, rpt)],
                        out_hbm.at[c, pl.ds(s * rpt, rpt)])

    return agg_kernel(u, src, dst)


def _tc_pre(xp, w1, degp):
    nb = _NP // _RB

    def body(x_ref, w_ref, d0_ref, d1_ref, u_ref, dv_ref):
        deg = d0_ref[0, :, 0:1] + d1_ref[0, :, 0:1] + 1.0
        dv = lax.rsqrt(deg)
        dv_ref[...] = dv
        u_ref[...] = jnp.dot(x_ref[...], w_ref[...],
                             preferred_element_type=jnp.float32) * dv

    return pl.pallas_call(
        body,
        grid=(nb,),
        in_specs=[
            pl.BlockSpec((_RB, _D), lambda i: (i, 0)),
            pl.BlockSpec((_D, _D), lambda i: (0, 0)),
            pl.BlockSpec((1, _RB, _D), lambda i: (0, i, 0)),
            pl.BlockSpec((1, _RB, _D), lambda i: (1, i, 0)),
        ],
        out_specs=[
            pl.BlockSpec((_RB, _D), lambda i: (i, 0)),
            pl.BlockSpec((_RB, 1), lambda i: (i, 0)),
        ],
        out_shape=[
            jax.ShapeDtypeStruct((_NP, _D), jnp.float32),
            jax.ShapeDtypeStruct((_NP, 1), jnp.float32),
        ],
    )(xp, w1, degp, degp)


def _tc_mid(u1, p, dinv, b1, w2):
    nb = _NP // _RB

    def body(u_ref, p0_ref, p1_ref, dv_ref, b_ref, w_ref, o_ref):
        dv = dv_ref[...]
        s = (u_ref[...] + p0_ref[0] + p1_ref[0]) * dv + b_ref[...]
        h = jnp.maximum(s, 0.0)
        o_ref[...] = jnp.dot(h, w_ref[...],
                             preferred_element_type=jnp.float32) * dv

    return pl.pallas_call(
        body,
        grid=(nb,),
        in_specs=[
            pl.BlockSpec((_RB, _D), lambda i: (i, 0)),
            pl.BlockSpec((1, _RB, _D), lambda i: (0, i, 0)),
            pl.BlockSpec((1, _RB, _D), lambda i: (1, i, 0)),
            pl.BlockSpec((_RB, 1), lambda i: (i, 0)),
            pl.BlockSpec((1, _D), lambda i: (0, 0)),
            pl.BlockSpec((_D, _D), lambda i: (0, 0)),
        ],
        out_specs=pl.BlockSpec((_RB, _D), lambda i: (i, 0)),
        out_shape=jax.ShapeDtypeStruct((_NP, _D), jnp.float32),
    )(u1, p, p, dinv, b1, w2)


def _tc_post(u2, q, dinv, b2, batch2d, wlin, blin):
    nb = _NP // _RB
    c_out = wlin.shape[1]

    def body(u_ref, q0_ref, q1_ref, dv_ref, b_ref, bt_ref, wl_ref, bl_ref,
             o_ref, pool_acc, cnt_acc):
        i = pl.program_id(0)
        dv = dv_ref[...]
        s = (u_ref[...] + q0_ref[0] + q1_ref[0]) * dv + b_ref[...]
        h = jnp.maximum(s, 0.0)
        oh = (bt_ref[...] == lax.broadcasted_iota(jnp.int32, (_RB, _G), 1))
        oh = oh.astype(jnp.float32)
        pp = lax.dot_general(oh, h, (((0,), (0,)), ((), ())),
                             preferred_element_type=jnp.float32)
        cp = lax.dot_general(oh, jnp.ones((_RB, 1), jnp.float32),
                             (((0,), (0,)), ((), ())),
                             preferred_element_type=jnp.float32)

        @pl.when(i == 0)
        def _():
            pool_acc[...] = pp
            cnt_acc[...] = cp

        @pl.when(i > 0)
        def _():
            pool_acc[...] += pp
            cnt_acc[...] += cp

        @pl.when(i == nb - 1)
        def _():
            pooled = pool_acc[...] / jnp.maximum(cnt_acc[...], 1.0)
            o_ref[...] = jnp.dot(pooled, wl_ref[...],
                                 preferred_element_type=jnp.float32) + bl_ref[...]

    return pl.pallas_call(
        body,
        grid=(nb,),
        in_specs=[
            pl.BlockSpec((_RB, _D), lambda i: (i, 0)),
            pl.BlockSpec((1, _RB, _D), lambda i: (0, i, 0)),
            pl.BlockSpec((1, _RB, _D), lambda i: (1, i, 0)),
            pl.BlockSpec((_RB, 1), lambda i: (i, 0)),
            pl.BlockSpec((1, _D), lambda i: (0, 0)),
            pl.BlockSpec((_RB, 1), lambda i: (i, 0)),
            pl.BlockSpec((_D, c_out), lambda i: (0, 0)),
            pl.BlockSpec((1, c_out), lambda i: (0, 0)),
        ],
        out_specs=pl.BlockSpec((_G, c_out), lambda i: (0, 0)),
        out_shape=jax.ShapeDtypeStruct((_G, c_out), jnp.float32),
        scratch_shapes=[
            pltpu.VMEM((_G, _D), jnp.float32),
            pltpu.VMEM((_G, 1), jnp.float32),
        ],
    )(u2, q, q, dinv, b2, batch2d, wlin, blin)


def kernel(x, edge_index, batch, W1, b1, W2, b2, Wlin, blin):
    src = edge_index[0]
    dst = edge_index[1]
    xp = jnp.pad(x, ((0, _NP - _N), (0, 0)))
    batchp = jnp.pad(batch, (0, _NP - _N), constant_values=_G)
    ones = jnp.ones((_NP, _D), jnp.float32)
    degp = _sc_aggregate(ones, dst, dst)
    u1, dinv = _tc_pre(xp, W1, degp)
    p = _sc_aggregate(u1, src, dst)
    u2 = _tc_mid(u1, p, dinv, b1.reshape(1, _D), W2)
    q = _sc_aggregate(u2, src, dst)
    return _tc_post(u2, q, dinv, b2.reshape(1, _D),
                    batchp.reshape(_NP, 1), Wlin, blin.reshape(1, -1))

# --- scband reference (transcript-rebuilt; emitter-appended) ---
"""Pipeline reference for scband-gcn-54150947668272 (READ-ONLY COPY).

The authoritative reference and input builder live on the scoring server;
editing this copy changes nothing except your own understanding.
"""

import jax, jax.numpy as jnp
import numpy as np

N = 10000      # n_nodes
E = 320000     # n_edges
D = 128        # num_node_features (dataset.num_node_features)
H = 128        # hidden_channels
C = 10         # num_classes (dataset.num_classes)
G = 64         # number of graphs in the batch


def setup_inputs(seed: int = 0) -> dict:
    key = jax.random.key(seed)
    ks = jax.random.split(key, 10)
    x = jax.random.normal(ks[0], (N, D), dtype=jnp.float32)
    edge_index = jax.random.randint(ks[1], (2, E), 0, N, dtype=jnp.int32)
    batch = jnp.sort(jax.random.randint(ks[2], (N,), 0, G, dtype=jnp.int32))
    W1 = jax.random.normal(ks[3], (D, H), dtype=jnp.float32) * 0.05
    b1 = jnp.zeros((H,), dtype=jnp.float32)
    W2 = jax.random.normal(ks[4], (H, H), dtype=jnp.float32) * 0.05
    b2 = jnp.zeros((H,), dtype=jnp.float32)
    Wlin = jax.random.normal(ks[5], (H, C), dtype=jnp.float32) * 0.05
    blin = jnp.zeros((C,), dtype=jnp.float32)
    return {"x": x, "edge_index": edge_index, "batch": batch,
            "W1": W1, "b1": b1, "W2": W2, "b2": b2,
            "Wlin": Wlin, "blin": blin}


def _gcn_conv(x, src, dst, W, b, num_nodes):
    # GCNConv: x' = D^{-1/2} (A + I) D^{-1/2} (x W) + b
    loop = jnp.arange(num_nodes, dtype=src.dtype)
    s = jnp.concatenate([src, loop])
    d = jnp.concatenate([dst, loop])
    deg = jnp.zeros((num_nodes,), dtype=x.dtype).at[d].add(1.0)
    dinv = jnp.where(deg > 0, deg ** -0.5, 0.0)
    norm = dinv[s] * dinv[d]
    h = x @ W
    msg = h[s] * norm[:, None]
    out = jnp.zeros_like(h).at[d].add(msg)
    return out + b


def reference(x, edge_index, batch, W1, b1, W2, b2, Wlin, blin):
    src = edge_index[0]
    dst = edge_index[1]
    h = jax.nn.relu(_gcn_conv(x, src, dst, W1, b1, N))
    h = jax.nn.relu(_gcn_conv(h, src, dst, W2, b2, N))
    # global_mean_pool over batch assignment
    summed = jax.ops.segment_sum(h, batch, num_segments=G)
    counts = jax.ops.segment_sum(jnp.ones((N,), dtype=h.dtype), batch, num_segments=G)
    pooled = summed / jnp.clip(counts, 1.0)[:, None]
    out = pooled @ Wlin + blin
    return out

if __name__ == "__main__":
    import jax
    _d = setup_inputs()
    print(jax.jit(kernel)(*tuple(_d.values())))

</pallas_src>

<mosaic_0001>
#map = affine_map<(d0, d1) -> (0, 0)>
#map1 = affine_map<(d0, d1) -> (0)>
#map2 = affine_map<(d0, d1) -> (0, 0, 0)>
module attributes {stable_mosaic.version = 14 : i64} {
  func.func @agg_kernel(%arg0: i32, %arg1: i32, %arg2: memref<10240x128xf32, #tpu.memory_space<hbm>>, %arg3: memref<320000xi32, #tpu.memory_space<hbm>>, %arg4: memref<320000xi32, #tpu.memory_space<hbm>>, %arg5: memref<2x10240x128xf32, #tpu.memory_space<hbm>>, %arg6: memref<10240x128xf32, #tpu.memory_space<vmem_shared>>, %arg7: memref<10000xi32, #tpu.memory_space<vmem>>, %arg8: memref<80xi32, #tpu.memory_space<vmem>>, %arg9: memref<80xi32, #tpu.memory_space<vmem>>, %arg10: memref<80xi32, #tpu.memory_space<vmem>>, %arg11: memref<80x128xf32, #tpu.memory_space<vmem>>, %arg12: memref<80x128xf32, #tpu.memory_space<vmem>>, %arg13: memref<80x128xf32, #tpu.memory_space<vmem>>, %arg14: memref<16x128xf32, #tpu.memory_space<vmem>>, %arg15: memref<!tpu.dma_semaphore, #tpu.memory_space<semaphore_mem>>, %arg16: memref<!tpu.dma_semaphore, #tpu.memory_space<semaphore_mem>>, %arg17: memref<!tpu.dma_semaphore, #tpu.memory_space<semaphore_mem>>, %arg18: memref<!tpu.dma_semaphore, #tpu.memory_space<semaphore_mem>>, %arg19: memref<!tpu.dma_semaphore, #tpu.memory_space<semaphore_mem>>, %arg20: memref<!tpu.dma_semaphore, #tpu.memory_space<semaphore_mem>>) attributes {dimension_semantics = [#tpu.dimension_semantics<core_parallel>, #tpu.dimension_semantics<subcore_parallel>], iteration_bounds = array<i64: 2, 16>, scalar_prefetch = 0 : i64, scratch_operands = 15 : i64, tpu.core_type = #tpu.core_type<sc_vector_subcore>, window_params = [{transform_indices = #map}, {transform_indices = #map1}, {transform_indices = #map1}, {transform_indices = #map2}]} {
    %mul3A = arith.constant 16 : i32
    %mul3A_0 = arith.muli %arg0, %mul3A : i32
    %add3A = arith.addi %mul3A_0, %arg1 : i32
    %mul3A_1 = arith.constant 10000 : i32
    %mul3A_2 = arith.muli %add3A, %mul3A_1 : i32
    %broadcast_in_dim3A = arith.constant 0.000000e+00 : f32
    %broadcast_in_dim3A_3 = vector.broadcast %broadcast_in_dim3A : f32 to vector<16xf32>
    %scan3A = arith.constant 0 : i32
    %scan3A_4 = arith.constant 0 : i32
    %scan3A_5 = arith.constant 16 : i32
    %scan3A_6 = arith.addi %scan3A_4, %scan3A_5 : i32
    %scan3A_7 = arith.constant 1 : i32
    %scan3A_8 = scf.for %scan3A_63 = %scan3A_4 to %scan3A_6 step %scan3A_7 iter_args(%scan3A_64 = %scan3A) -> (i32)  : i32 {
      %swap3A = arith.index_cast %scan3A_63 : i32 to index
      %swap3A_65 = arith.constant 0 : index
      %swap3A_66 = tpu.vector_load %arg14[%swap3A, %swap3A_65] {strides = array<i32>} : memref<16x128xf32, #tpu.memory_space<vmem>>, vector<1x16xf32>,
      %swap3A_67 = vector.shape_cast %swap3A_66 : vector<1x16xf32> to vector<16xf32>
      %swap3A_68 = vector.shape_cast %broadcast_in_dim3A_3 : vector<16xf32> to vector<1x16xf32>
      tpu.vector_store %arg14[%swap3A, %swap3A_65], %swap3A_68 {strides = array<i32>} : memref<16x128xf32, #tpu.memory_space<vmem>>, vector<1x16xf32>,
      %swap3A_69 = arith.index_cast %scan3A_63 : i32 to index
      %swap3A_70 = arith.constant 16 : index
      %swap3A_71 = tpu.vector_load %arg14[%swap3A_69, %swap3A_70] {strides = array<i32>} : memref<16x128xf32, #tpu.memory_space<vmem>>, vector<1x16xf32>,
      %swap3A_72 = vector.shape_cast %swap3A_71 : vector<1x16xf32> to vector<16xf32>
      %swap3A_73 = vector.shape_cast %broadcast_in_dim3A_3 : vector<16xf32> to vector<1x16xf32>
      tpu.vector_store %arg14[%swap3A_69, %swap3A_70], %swap3A_73 {strides = array<i32>} : memref<16x128xf32, #tpu.memory_space<vmem>>, vector<1x16xf32>,
      %swap3A_74 = arith.index_cast %scan3A_63 : i32 to index
      %swap3A_75 = arith.constant 32 : index
      %swap3A_76 = tpu.vector_load %arg14[%swap3A_74, %swap3A_75] {strides = array<i32>} : memref<16x128xf32, #tpu.memory_space<vmem>>, vector<1x16xf32>,
      %swap3A_77 = vector.shape_cast %swap3A_76 : vector<1x16xf32> to vector<16xf32>
      %swap3A_78 = vector.shape_cast %broadcast_in_dim3A_3 : vector<16xf32> to vector<1x16xf32>
      tpu.vector_store %arg14[%swap3A_74, %swap3A_75], %swap3A_78 {strides = array<i32>} : memref<16x128xf32, #tpu.memory_space<vmem>>, vector<1x16xf32>,
      %swap3A_79 = arith.index_cast %scan3A_63 : i32 to index
      %swap3A_80 = arith.constant 48 : index
      %swap3A_81 = tpu.vector_load %arg14[%swap3A_79, %swap3A_80] {strides = array<i32>} : memref<16x128xf32, #tpu.memory_space<vmem>>, vector<1x16xf32>,
      %swap3A_82 = vector.shape_cast %swap3A_81 : vector<1x16xf32> to vector<16xf32>
      %swap3A_83 = vector.shape_cast %broadcast_in_dim3A_3 : vector<16xf32> to vector<1x16xf32>
      tpu.vector_store %arg14[%swap3A_79, %swap3A_80], %swap3A_83 {strides = array<i32>} : memref<16x128xf32, #tpu.memory_space<vmem>>, vector<1x16xf32>,
      %swap3A_84 = arith.index_cast %scan3A_63 : i32 to index
      %swap3A_85 = arith.constant 64 : index
      %swap3A_86 = tpu.vector_load %arg14[%swap3A_84, %swap3A_85] {strides = array<i32>} : memref<16x128xf32, #tpu.memory_space<vmem>>, vector<1x16xf32>,
      %swap3A_87 = vector.shape_cast %swap3A_86 : vector<1x16xf32> to vector<16xf32>
      %swap3A_88 = vector.shape_cast %broadcast_in_dim3A_3 : vector<16xf32> to vector<1x16xf32>
      tpu.vector_store %arg14[%swap3A_84, %swap3A_85], %swap3A_88 {strides = array<i32>} : memref<16x128xf32, #tpu.memory_space<vmem>>, vector<1x16xf32>,
      %swap3A_89 = arith.index_cast %scan3A_63 : i32 to index
      %swap3A_90 = arith.constant 80 : index
      %swap3A_91 = tpu.vector_load %arg14[%swap3A_89, %swap3A_90] {strides = array<i32>} : memref<16x128xf32, #tpu.memory_space<vmem>>, vector<1x16xf32>,
      %swap3A_92 = vector.shape_cast %swap3A_91 : vector<1x16xf32> to vector<16xf32>
      %swap3A_93 = vector.shape_cast %broadcast_in_dim3A_3 : vector<16xf32> to vector<1x16xf32>
      tpu.vector_store %arg14[%swap3A_89, %swap3A_90], %swap3A_93 {strides = array<i32>} : memref<16x128xf32, #tpu.memory_space<vmem>>, vector<1x16xf32>,
      %swap3A_94 = arith.index_cast %scan3A_63 : i32 to index
      %swap3A_95 = arith.constant 96 : index
      %swap3A_96 = tpu.vector_load %arg14[%swap3A_94, %swap3A_95] {strides = array<i32>} : memref<16x128xf32, #tpu.memory_space<vmem>>, vector<1x16xf32>,
      %swap3A_97 = vector.shape_cast %swap3A_96 : vector<1x16xf32> to vector<16xf32>
      %swap3A_98 = vector.shape_cast %broadcast_in_dim3A_3 : vector<16xf32> to vector<1x16xf32>
      tpu.vector_store %arg14[%swap3A_94, %swap3A_95], %swap3A_98 {strides = array<i32>} : memref<16x128xf32, #tpu.memory_space<vmem>>, vector<1x16xf32>,
      %swap3A_99 = arith.index_cast %scan3A_63 : i32 to index
      %swap3A_100 = arith.constant 112 : index
      %swap3A_101 = tpu.vector_load %arg14[%swap3A_99, %swap3A_100] {strides = array<i32>} : memref<16x128xf32, #tpu.memory_space<vmem>>, vector<1x16xf32>,
      %swap3A_102 = vector.shape_cast %swap3A_101 : vector<1x16xf32> to vector<16xf32>
      %swap3A_103 = vector.shape_cast %broadcast_in_dim3A_3 : vector<16xf32> to vector<1x16xf32>
      tpu.vector_store %arg14[%swap3A_99, %swap3A_100], %swap3A_103 {strides = array<i32>} : memref<16x128xf32, #tpu.memory_space<vmem>>, vector<1x16xf32>,
      %scan3A_104 = arith.constant 0 : i32
      scf.yield %scan3A_104 : i32
    }
    %scan3A_9 = arith.constant 16 : i32
    "tpu.region"() ({
      %run_scoped3A = tpu.sem_alloc : memref<!tpu.dma_semaphore, #tpu.memory_space<semaphore_mem>>
      %dma_start3A_63 = tpu.memref_slice %arg3[%mul3A_2] : memref<320000xi32, #tpu.memory_space<hbm>> -> memref<10000xi32, #tpu.memory_space<hbm>>
      %dma_start3A_64 = tpu.memref_slice %arg3[%mul3A_2] : memref<320000xi32, #tpu.memory_space<hbm>> -> memref<10000xi32, #tpu.memory_space<hbm>>
      tpu.enqueue_dma source(%dma_start3A_64 : memref<10000xi32, #tpu.memory_space<hbm>>) target(%arg7 : memref<10000xi32, #tpu.memory_space<vmem>>) target_semaphore(%run_scoped3A : memref<!tpu.dma_semaphore, #tpu.memory_space<semaphore_mem>>)
      %dma_wait3A_65 = tpu.memref_slice %arg3[%mul3A_2] : memref<320000xi32, #tpu.memory_space<hbm>> -> memref<10000xi32, #tpu.memory_space<hbm>>
      %dma_wait3A_66 = tpu.memref_slice %arg3[%mul3A_2] : memref<320000xi32, #tpu.memory_space<hbm>> -> memref<10000xi32, #tpu.memory_space<hbm>>
      tpu.wait_dma2 semaphore(%run_scoped3A : memref<!tpu.dma_semaphore, #tpu.memory_space<semaphore_mem>>) src(%dma_wait3A_66 : memref<10000xi32, #tpu.memory_space<hbm>>) dst(%arg7 : memref<10000xi32, #tpu.memory_space<vmem>>)
      tpu.yield
    }) : () -> ()
    %scan3A_10 = arith.constant 0 : i32
    %scan3A_11 = arith.constant 0 : i32
    %scan3A_12 = arith.constant 40 : i32
    %scan3A_13 = arith.addi %scan3A_11, %scan3A_12 : i32
    %scan3A_14 = arith.constant 1 : i32
    %scan3A_15 = scf.for %scan3A_63 = %scan3A_11 to %scan3A_13 step %scan3A_14 iter_args(%scan3A_64 = %scan3A_10) -> (i32)  : i32 {
      %mul3A_65 = arith.constant 640 : i32
      %mul3A_66 = arith.muli %arg1, %mul3A_65 : i32
      %mul3A_67 = arith.constant 16 : i32
      %mul3A_68 = arith.muli %scan3A_63, %mul3A_67 : i32
      %add3A_69 = arith.addi %mul3A_66, %mul3A_68 : i32
      "tpu.region"() ({
        %run_scoped3A = tpu.sem_alloc : memref<!tpu.dma_semaphore, #tpu.memory_space<semaphore_mem>>
        %dma_start3A_71 = arith.constant 0 : i32
        %dma_start3A_72 = tpu.memref_slice %arg6[%add3A_69, %dma_start3A_71] : memref<10240x128xf32, #tpu.memory_space<vmem_shared>> -> memref<16x128xf32, #tpu.memory_space<vmem_shared>>
        %dma_start3A_73 = arith.constant 0 : i32
        %dma_start3A_74 = tpu.memref_slice %arg6[%add3A_69, %dma_start3A_73] : memref<10240x128xf32, #tpu.memory_space<vmem_shared>> -> memref<16x128xf32, #tpu.memory_space<vmem_shared>>
        tpu.enqueue_dma source(%arg14 : memref<16x128xf32, #tpu.memory_space<vmem>>) target(%dma_start3A_74 : memref<16x128xf32, #tpu.memory_space<vmem_shared>>) target_semaphore(%run_scoped3A : memref<!tpu.dma_semaphore, #tpu.memory_space<semaphore_mem>>)
        %dma_wait3A_75 = arith.constant 0 : i32
        %dma_wait3A_76 = tpu.memref_slice %arg6[%add3A_69, %dma_wait3A_75] : memref<10240x128xf32, #tpu.memory_space<vmem_shared>> -> memref<16x128xf32, #tpu.memory_space<vmem_shared>>
        %dma_wait3A_77 = arith.constant 0 : i32
        %dma_wait3A_78 = tpu.memref_slice %arg6[%add3A_69, %dma_wait3A_77] : memref<10240x128xf32, #tpu.memory_space<vmem_shared>> -> memref<16x128xf32, #tpu.memory_space<vmem_shared>>
        tpu.wait_dma2 semaphore(%run_scoped3A : memref<!tpu.dma_semaphore, #tpu.memory_space<semaphore_mem>>) src(%arg14 : memref<16x128xf32, #tpu.memory_space<vmem>>) dst(%dma_wait3A_78 : memref<16x128xf32, #tpu.memory_space<vmem_shared>>)
        tpu.yield
      }) : () -> ()
      %scan3A_70 = arith.constant 0 : i32
      scf.yield %scan3A_70 : i32
    }
    %scan3A_16 = arith.constant 40 : i32
    %barrier3A = arith.constant 0 : index
    tpu.barrier barrier_id(%barrier3A)
    %add3A_17 = arith.constant 0 : i32
    %add3A_18 = arith.addi %mul3A_2, %add3A_17 : i32
    %dma_start3A = tpu.memref_slice %arg4[%add3A_18] : memref<320000xi32, #tpu.memory_space<hbm>> -> memref<80xi32, #tpu.memory_space<hbm>>
    %dma_start3A_19 = tpu.memref_slice %arg4[%add3A_18] : memref<320000xi32, #tpu.memory_space<hbm>> -> memref<80xi32, #tpu.memory_space<hbm>>
    tpu.enqueue_dma source(%dma_start3A_19 : memref<80xi32, #tpu.memory_space<hbm>>) target(%arg8 : memref<80xi32, #tpu.memory_space<vmem>>) target_semaphore(%arg18 : memref<!tpu.dma_semaphore, #tpu.memory_space<semaphore_mem>>)
    %dma_start3A_20 = arith.constant 0 : i32
    %dma_start3A_21 = tpu.memref_slice %arg7[%dma_start3A_20] : memref<10000xi32, #tpu.memory_space<vmem>> -> memref<80xi32, #tpu.memory_space<vmem>>
    %dma_start3A_22 = arith.constant 0 : i32
    %dma_start3A_23 = arith.constant 0 : i32
    %dma_start3A_24 = tpu.memref_slice %arg2[%dma_start3A_22, %dma_start3A_23] : memref<10240x128xf32, #tpu.memory_space<hbm>> -> memref<10240x128xf32, #tpu.memory_space<hbm>>
    tpu.enqueue_indirect_dma source(%dma_start3A_24 : memref<10240x128xf32, #tpu.memory_space<hbm>>) target(%arg11 : memref<80x128xf32, #tpu.memory_space<vmem>>) offsets(%dma_start3A_21 : memref<80xi32, #tpu.memory_space<vmem>>) semaphore(%arg15 : memref<!tpu.dma_semaphore, #tpu.memory_space<semaphore_mem>>)
    %add3A_25 = arith.constant 80 : i32
    %add3A_26 = arith.addi %mul3A_2, %add3A_25 : i32
    %dma_start3A_27 = tpu.memref_slice %arg4[%add3A_26] : memref<320000xi32, #tpu.memory_space<hbm>> -> memref<80xi32, #tpu.memory_space<hbm>>
    %dma_start3A_28 = tpu.memref_slice %arg4[%add3A_26] : memref<320000xi32, #tpu.memory_space<hbm>> -> memref<80xi32, #tpu.memory_space<hbm>>
    tpu.enqueue_dma source(%dma_start3A_28 : memref<80xi32, #tpu.memory_space<hbm>>) target(%arg9 : memref<80xi32, #tpu.memory_space<vmem>>) target_semaphore(%arg19 : memref<!tpu.dma_semaphore, #tpu.memory_space<semaphore_mem>>)
    %dma_start3A_29 = arith.constant 80 : i32
    %dma_start3A_30 = tpu.memref_slice %arg7[%dma_start3A_29] : memref<10000xi32, #tpu.memory_space<vmem>> -> memref<80xi32, #tpu.memory_space<vmem>>
    %dma_start3A_31 = arith.constant 0 : i32
    %dma_start3A_32 = arith.constant 0 : i32
    %dma_start3A_33 = tpu.memref_slice %arg2[%dma_start3A_31, %dma_start3A_32] : memref<10240x128xf32, #tpu.memory_space<hbm>> -> memref<10240x128xf32, #tpu.memory_space<hbm>>
    tpu.enqueue_indirect_dma source(%dma_start3A_33 : memref<10240x128xf32, #tpu.memory_space<hbm>>) target(%arg12 : memref<80x128xf32, #tpu.memory_space<vmem>>) offsets(%dma_start3A_30 : memref<80xi32, #tpu.memory_space<vmem>>) semaphore(%arg16 : memref<!tpu.dma_semaphore, #tpu.memory_space<semaphore_mem>>)
    %scan3A_34 = arith.constant 0 : i32
    %scan3A_35 = arith.constant 0 : i32
    %scan3A_36 = arith.constant 41 : i32
    %scan3A_37 = arith.addi %scan3A_35, %scan3A_36 : i32
    %scan3A_38 = arith.constant 1 : i32
    %scan3A_39 = scf.for %scan3A_63 = %scan3A_35 to %scan3A_37 step %scan3A_38 iter_args(%scan3A_64 = %scan3A_34) -> (i32)  : i32 {
      %mul3A_65 = arith.constant 3 : i32
      %mul3A_66 = arith.muli %mul3A_65, %scan3A_63 : i32
      %add3A_67 = arith.constant 0 : i32
      %add3A_68 = arith.addi %mul3A_66, %add3A_67 : i32
      %add3A_69 = arith.constant 2 : i32
      %add3A_70 = arith.addi %add3A_68, %add3A_69 : i32
      %mul3A_71 = arith.constant 80 : i32
      %mul3A_72 = arith.muli %add3A_70, %mul3A_71 : i32
      %add3A_73 = arith.addi %mul3A_2, %mul3A_72 : i32
      %dma_start3A_74 = tpu.memref_slice %arg4[%add3A_73] : memref<320000xi32, #tpu.memory_space<hbm>> -> memref<80xi32, #tpu.memory_space<hbm>>
      %dma_start3A_75 = tpu.memref_slice %arg4[%add3A_73] : memref<320000xi32, #tpu.memory_space<hbm>> -> memref<80xi32, #tpu.memory_space<hbm>>
      tpu.enqueue_dma source(%dma_start3A_75 : memref<80xi32, #tpu.memory_space<hbm>>) target(%arg10 : memref<80xi32, #tpu.memory_space<vmem>>) target_semaphore(%arg20 : memref<!tpu.dma_semaphore, #tpu.memory_space<semaphore_mem>>)
      %mul3A_76 = arith.constant 80 : i32
      %mul3A_77 = arith.muli %add3A_70, %mul3A_76 : i32
      %dma_start3A_78 = tpu.memref_slice %arg7[%mul3A_77] : memref<10000xi32, #tpu.memory_space<vmem>> -> memref<80xi32, #tpu.memory_space<vmem>>
      %dma_start3A_79 = arith.constant 0 : i32
      %dma_start3A_80 = arith.constant 0 : i32
      %dma_start3A_81 = tpu.memref_slice %arg2[%dma_start3A_79, %dma_start3A_80] : memref<10240x128xf32, #tpu.memory_space<hbm>> -> memref<10240x128xf32, #tpu.memory_space<hbm>>
      tpu.enqueue_indirect_dma source(%dma_start3A_81 : memref<10240x128xf32, #tpu.memory_space<hbm>>) target(%arg13 : memref<80x128xf32, #tpu.memory_space<vmem>>) offsets(%dma_start3A_78 : memref<80xi32, #tpu.memory_space<vmem>>) semaphore(%arg17 : memref<!tpu.dma_semaphore, #tpu.memory_space<semaphore_mem>>)
      %add3A_82 = arith.constant 0 : i32
      %add3A_83 = arith.addi %mul3A_66, %add3A_82 : i32
      %mul3A_84 = arith.constant 80 : i32
      %mul3A_85 = arith.muli %add3A_83, %mul3A_84 : i32
      %add3A_86 = arith.addi %mul3A_2, %mul3A_85 : i32
      %dma_wait3A_87 = tpu.memref_slice %arg4[%add3A_86] : memref<320000xi32, #tpu.memory_space<hbm>> -> memref<80xi32, #tpu.memory_space<hbm>>
      %dma_wait3A_88 = tpu.memref_slice %arg4[%add3A_86] : memref<320000xi32, #tpu.memory_space<hbm>> -> memref<80xi32, #tpu.memory_space<hbm>>
      tpu.wait_dma2 semaphore(%arg18 : memref<!tpu.dma_semaphore, #tpu.memory_space<semaphore_mem>>) src(%dma_wait3A_88 : memref<80xi32, #tpu.memory_space<hbm>>) dst(%arg8 : memref<80xi32, #tpu.memory_space<vmem>>)
      %mul3A_89 = arith.constant 80 : i32
      %mul3A_90 = arith.muli %add3A_83, %mul3A_89 : i32
      %dma_wait3A_91 = tpu.memref_slice %arg7[%mul3A_90] : memref<10000xi32, #tpu.memory_space<vmem>> -> memref<80xi32, #tpu.memory_space<vmem>>
      %dma_wait3A_92 = arith.constant 0 : i32
      %dma_wait3A_93 = arith.constant 0 : i32
      %dma_wait3A_94 = tpu.memref_slice %arg2[%dma_wait3A_92, %dma_wait3A_93] : memref<10240x128xf32, #tpu.memory_space<hbm>> -> memref<10240x128xf32, #tpu.memory_space<hbm>>
      tpu.wait_indirect_dma semaphore(%arg15 : memref<!tpu.dma_semaphore, #tpu.memory_space<semaphore_mem>>) src(%dma_wait3A_94 : memref<10240x128xf32, #tpu.memory_space<hbm>>) dst(%arg11 : memref<80x128xf32, #tpu.memory_space<vmem>>)
      "tpu.region"() ({
        %run_scoped3A = tpu.sem_alloc : memref<!tpu.dma_semaphore, #tpu.memory_space<semaphore_mem>>
        %dma_start3A_152 = arith.constant 0 : i32
        %dma_start3A_153 = arith.constant 0 : i32
        %dma_start3A_154 = tpu.memref_slice %arg6[%dma_start3A_152, %dma_start3A_153] : memref<10240x128xf32, #tpu.memory_space<vmem_shared>> -> memref<10240x128xf32, #tpu.memory_space<vmem_shared>>
        tpu.enqueue_indirect_dma source(%arg11 : memref<80x128xf32, #tpu.memory_space<vmem>>) target(%dma_start3A_154 : memref<10240x128xf32, #tpu.memory_space<vmem_shared>>) offsets(%arg8 : memref<80xi32, #tpu.memory_space<vmem>>) semaphore(%run_scoped3A : memref<!tpu.dma_semaphore, #tpu.memory_space<semaphore_mem>>) {add = true}
        %dma_wait3A_155 = arith.constant 0 : i32
        %dma_wait3A_156 = arith.constant 0 : i32
        %dma_wait3A_157 = tpu.memref_slice %arg6[%dma_wait3A_155, %dma_wait3A_156] : memref<10240x128xf32, #tpu.memory_space<vmem_shared>> -> memref<10240x128xf32, #tpu.memory_space<vmem_shared>>
        tpu.wait_indirect_dma semaphore(%run_scoped3A : memref<!tpu.dma_semaphore, #tpu.memory_space<semaphore_mem>>) src(%arg11 : memref<80x128xf32, #tpu.memory_space<vmem>>) dst(%dma_wait3A_157 : memref<10240x128xf32, #tpu.memory_space<vmem_shared>>)
        tpu.yield
      }) : () -> ()
      %add3A_95 = arith.constant 1 : i32
      %add3A_96 = arith.addi %mul3A_66, %add3A_95 : i32
      %add3A_97 = arith.constant 2 : i32
      %add3A_98 = arith.addi %add3A_96, %add3A_97 : i32
      %mul3A_99 = arith.constant 80 : i32
      %mul3A_100 = arith.muli %add3A_98, %mul3A_99 : i32
      %add3A_101 = arith.addi %mul3A_2, %mul3A_100 : i32
      %dma_start3A_102 = tpu.memref_slice %arg4[%add3A_101] : memref<320000xi32, #tpu.memory_space<hbm>> -> memref<80xi32, #tpu.memory_space<hbm>>
      %dma_start3A_103 = tpu.memref_slice %arg4[%add3A_101] : memref<320000xi32, #tpu.memory_space<hbm>> -> memref<80xi32, #tpu.memory_space<hbm>>
      tpu.enqueue_dma source(%dma_start3A_103 : memref<80xi32, #tpu.memory_space<hbm>>) target(%arg8 : memref<80xi32, #tpu.memory_space<vmem>>) target_semaphore(%arg18 : memref<!tpu.dma_semaphore, #tpu.memory_space<semaphore_mem>>)
      %mul3A_104 = arith.constant 80 : i32
      %mul3A_105 = arith.muli %add3A_98, %mul3A_104 : i32
      %dma_start3A_106 = tpu.memref_slice %arg7[%mul3A_105] : memref<10000xi32, #tpu.memory_space<vmem>> -> memref<80xi32, #tpu.memory_space<vmem>>
      %dma_start3A_107 = arith.constant 0 : i32
      %dma_start3A_108 = arith.constant 0 : i32
      %dma_start3A_109 = tpu.memref_slice %arg2[%dma_start3A_107, %dma_start3A_108] : memref<10240x128xf32, #tpu.memory_space<hbm>> -> memref<10240x128xf32, #tpu.memory_space<hbm>>
      tpu.enqueue_indirect_dma source(%dma_start3A_109 : memref<10240x128xf32, #tpu.memory_space<hbm>>) target(%arg11 : memref<80x128xf32, #tpu.memory_space<vmem>>) offsets(%dma_start3A_106 : memref<80xi32, #tpu.memory_space<vmem>>) semaphore(%arg15 : memref<!tpu.dma_semaphore, #tpu.memory_space<semaphore_mem>>)
      %add3A_110 = arith.constant 1 : i32
      %add3A_111 = arith.addi %mul3A_66, %add3A_110 : i32
      %mul3A_112 = arith.constant 80 : i32
      %mul3A_113 = arith.muli %add3A_111, %mul3A_112 : i32
      %add3A_114 = arith.addi %mul3A_2, %mul3A_113 : i32
      %dma_wait3A_115 = tpu.memref_slice %arg4[%add3A_114] : memref<320000xi32, #tpu.memory_space<hbm>> -> memref<80xi32, #tpu.memory_space<hbm>>
      %dma_wait3A_116 = tpu.memref_slice %arg4[%add3A_114] : memref<320000xi32, #tpu.memory_space<hbm>> -> memref<80xi32, #tpu.memory_space<hbm>>
      tpu.wait_dma2 semaphore(%arg19 : memref<!tpu.dma_semaphore, #tpu.memory_space<semaphore_mem>>) src(%dma_wait3A_116 : memref<80xi32, #tpu.memory_space<hbm>>) dst(%arg9 : memref<80xi32, #tpu.memory_space<vmem>>)
      %mul3A_117 = arith.constant 80 : i32
      %mul3A_118 = arith.muli %add3A_111, %mul3A_117 : i32
      %dma_wait3A_119 = tpu.memref_slice %arg7[%mul3A_118] : memref<10000xi32, #tpu.memory_space<vmem>> -> memref<80xi32, #tpu.memory_space<vmem>>
      %dma_wait3A_120 = arith.constant 0 : i32
      %dma_wait3A_121 = arith.constant 0 : i32
      %dma_wait3A_122 = tpu.memref_slice %arg2[%dma_wait3A_120, %dma_wait3A_121] : memref<10240x128xf32, #tpu.memory_space<hbm>> -> memref<10240x128xf32, #tpu.memory_space<hbm>>
      tpu.wait_indirect_dma semaphore(%arg16 : memref<!tpu.dma_semaphore, #tpu.memory_space<semaphore_mem>>) src(%dma_wait3A_122 : memref<10240x128xf32, #tpu.memory_space<hbm>>) dst(%arg12 : memref<80x128xf32, #tpu.memory_space<vmem>>)
      "tpu.region"() ({
        %run_scoped3A = tpu.sem_alloc : memref<!tpu.dma_semaphore, #tpu.memory_space<semaphore_mem>>
        %dma_start3A_152 = arith.constant 0 : i32
        %dma_start3A_153 = arith.constant 0 : i32
        %dma_start3A_154 = tpu.memref_slice %arg6[%dma_start3A_152, %dma_start3A_153] : memref<10240x128xf32, #tpu.memory_space<vmem_shared>> -> memref<10240x128xf32, #tpu.memory_space<vmem_shared>>
        tpu.enqueue_indirect_dma source(%arg12 : memref<80x128xf32, #tpu.memory_space<vmem>>) target(%dma_start3A_154 : memref<10240x128xf32, #tpu.memory_space<vmem_shared>>) offsets(%arg9 : memref<80xi32, #tpu.memory_space<vmem>>) semaphore(%run_scoped3A : memref<!tpu.dma_semaphore, #tpu.memory_space<semaphore_mem>>) {add = true}
        %dma_wait3A_155 = arith.constant 0 : i32
        %dma_wait3A_156 = arith.constant 0 : i32
        %dma_wait3A_157 = tpu.memref_slice %arg6[%dma_wait3A_155, %dma_wait3A_156] : memref<10240x128xf32, #tpu.memory_space<vmem_shared>> -> memref<10240x128xf32, #tpu.memory_space<vmem_shared>>
        tpu.wait_indirect_dma semaphore(%run_scoped3A : memref<!tpu.dma_semaphore, #tpu.memory_space<semaphore_mem>>) src(%arg12 : memref<80x128xf32, #tpu.memory_space<vmem>>) dst(%dma_wait3A_157 : memref<10240x128xf32, #tpu.memory_space<vmem_shared>>)
        tpu.yield
      }) : () -> ()
      %add3A_123 = arith.constant 2 : i32
      %add3A_124 = arith.addi %mul3A_66, %add3A_123 : i32
      %add3A_125 = arith.constant 2 : i32
      %add3A_126 = arith.addi %add3A_124, %add3A_125 : i32
      %mul3A_127 = arith.constant 80 : i32
      %mul3A_128 = arith.muli %add3A_126, %mul3A_127 : i32
      %add3A_129 = arith.addi %mul3A_2, %mul3A_128 : i32
      %dma_start3A_130 = tpu.memref_slice %arg4[%add3A_129] : memref<320000xi32, #tpu.memory_space<hbm>> -> memref<80xi32, #tpu.memory_space<hbm>>
      %dma_start3A_131 = tpu.memref_slice %arg4[%add3A_129] : memref<320000xi32, #tpu.memory_space<hbm>> -> memref<80xi32, #tpu.memory_space<hbm>>
      tpu.enqueue_dma source(%dma_start3A_131 : memref<80xi32, #tpu.memory_space<hbm>>) target(%arg9 : memref<80xi32, #tpu.memory_space<vmem>>) target_semaphore(%arg19 : memref<!tpu.dma_semaphore, #tpu.memory_space<semaphore_mem>>)
      %mul3A_132 = arith.constant 80 : i32
      %mul3A_133 = arith.muli %add3A_126, %mul3A_132 : i32
      %dma_start3A_134 = tpu.memref_slice %arg7[%mul3A_133] : memref<10000xi32, #tpu.memory_space<vmem>> -> memref<80xi32, #tpu.memory_space<vmem>>
      %dma_start3A_135 = arith.constant 0 : i32
      %dma_start3A_136 = arith.constant 0 : i32
      %dma_start3A_137 = tpu.memref_slice %arg2[%dma_start3A_135, %dma_start3A_136] : memref<10240x128xf32, #tpu.memory_space<hbm>> -> memref<10240x128xf32, #tpu.memory_space<hbm>>
      tpu.enqueue_indirect_dma source(%dma_start3A_137 : memref<10240x128xf32, #tpu.memory_space<hbm>>) target(%arg12 : memref<80x128xf32, #tpu.memory_space<vmem>>) offsets(%dma_start3A_134 : memref<80xi32, #tpu.memory_space<vmem>>) semaphore(%arg16 : memref<!tpu.dma_semaphore, #tpu.memory_space<semaphore_mem>>)
      %add3A_138 = arith.constant 2 : i32
      %add3A_139 = arith.addi %mul3A_66, %add3A_138 : i32
      %mul3A_140 = arith.constant 80 : i32
      %mul3A_141 = arith.muli %add3A_139, %mul3A_140 : i32
      %add3A_142 = arith.addi %mul3A_2, %mul3A_141 : i32
      %dma_wait3A_143 = tpu.memref_slice %arg4[%add3A_142] : memref<320000xi32, #tpu.memory_space<hbm>> -> memref<80xi32, #tpu.memory_space<hbm>>
      %dma_wait3A_144 = tpu.memref_slice %arg4[%add3A_142] : memref<320000xi32, #tpu.memory_space<hbm>> -> memref<80xi32, #tpu.memory_space<hbm>>
      tpu.wait_dma2 semaphore(%arg20 : memref<!tpu.dma_semaphore, #tpu.memory_space<semaphore_mem>>) src(%dma_wait3A_144 : memref<80xi32, #tpu.memory_space<hbm>>) dst(%arg10 : memref<80xi32, #tpu.memory_space<vmem>>)
      %mul3A_145 = arith.constant 80 : i32
      %mul3A_146 = arith.muli %add3A_139, %mul3A_145 : i32
      %dma_wait3A_147 = tpu.memref_slice %arg7[%mul3A_146] : memref<10000xi32, #tpu.memory_space<vmem>> -> memref<80xi32, #tpu.memory_space<vmem>>
      %dma_wait3A_148 = arith.constant 0 : i32
      %dma_wait3A_149 = arith.constant 0 : i32
      %dma_wait3A_150 = tpu.memref_slice %arg2[%dma_wait3A_148, %dma_wait3A_149] : memref<10240x128xf32, #tpu.memory_space<hbm>> -> memref<10240x128xf32, #tpu.memory_space<hbm>>
      tpu.wait_indirect_dma semaphore(%arg17 : memref<!tpu.dma_semaphore, #tpu.memory_space<semaphore_mem>>) src(%dma_wait3A_150 : memref<10240x128xf32, #tpu.memory_space<hbm>>) dst(%arg13 : memref<80x128xf32, #tpu.memory_space<vmem>>)
      "tpu.region"() ({
        %run_scoped3A = tpu.sem_alloc : memref<!tpu.dma_semaphore, #tpu.memory_space<semaphore_mem>>
        %dma_start3A_152 = arith.constant 0 : i32
        %dma_start3A_153 = arith.constant 0 : i32
        %dma_start3A_154 = tpu.memref_slice %arg6[%dma_start3A_152, %dma_start3A_153] : memref<10240x128xf32, #tpu.memory_space<vmem_shared>> -> memref<10240x128xf32, #tpu.memory_space<vmem_shared>>
        tpu.enqueue_indirect_dma source(%arg13 : memref<80x128xf32, #tpu.memory_space<vmem>>) target(%dma_start3A_154 : memref<10240x128xf32, #tpu.memory_space<vmem_shared>>) offsets(%arg10 : memref<80xi32, #tpu.memory_space<vmem>>) semaphore(%run_scoped3A : memref<!tpu.dma_semaphore, #tpu.memory_space<semaphore_mem>>) {add = true}
        %dma_wait3A_155 = arith.constant 0 : i32
        %dma_wait3A_156 = arith.constant 0 : i32
        %dma_wait3A_157 = tpu.memref_slice %arg6[%dma_wait3A_155, %dma_wait3A_156] : memref<10240x128xf32, #tpu.memory_space<vmem_shared>> -> memref<10240x128xf32, #tpu.memory_space<vmem_shared>>
        tpu.wait_indirect_dma semaphore(%run_scoped3A : memref<!tpu.dma_semaphore, #tpu.memory_space<semaphore_mem>>) src(%arg13 : memref<80x128xf32, #tpu.memory_space<vmem>>) dst(%dma_wait3A_157 : memref<10240x128xf32, #tpu.memory_space<vmem_shared>>)
        tpu.yield
      }) : () -> ()
      %scan3A_151 = arith.constant 0 : i32
      scf.yield %scan3A_151 : i32
    }
    %scan3A_40 = arith.constant 41 : i32
    %add3A_41 = arith.constant 9840 : i32
    %add3A_42 = arith.addi %mul3A_2, %add3A_41 : i32
    %dma_wait3A = tpu.memref_slice %arg4[%add3A_42] : memref<320000xi32, #tpu.memory_space<hbm>> -> memref<80xi32, #tpu.memory_space<hbm>>
    %dma_wait3A_43 = tpu.memref_slice %arg4[%add3A_42] : memref<320000xi32, #tpu.memory_space<hbm>> -> memref<80xi32, #tpu.memory_space<hbm>>
    tpu.wait_dma2 semaphore(%arg18 : memref<!tpu.dma_semaphore, #tpu.memory_space<semaphore_mem>>) src(%dma_wait3A_43 : memref<80xi32, #tpu.memory_space<hbm>>) dst(%arg8 : memref<80xi32, #tpu.memory_space<vmem>>)
    %dma_wait3A_44 = arith.constant 9840 : i32
    %dma_wait3A_45 = tpu.memref_slice %arg7[%dma_wait3A_44] : memref<10000xi32, #tpu.memory_space<vmem>> -> memref<80xi32, #tpu.memory_space<vmem>>
    %dma_wait3A_46 = arith.constant 0 : i32
    %dma_wait3A_47 = arith.constant 0 : i32
    %dma_wait3A_48 = tpu.memref_slice %arg2[%dma_wait3A_46, %dma_wait3A_47] : memref<10240x128xf32, #tpu.memory_space<hbm>> -> memref<10240x128xf32, #tpu.memory_space<hbm>>
    tpu.wait_indirect_dma semaphore(%arg15 : memref<!tpu.dma_semaphore, #tpu.memory_space<semaphore_mem>>) src(%dma_wait3A_48 : memref<10240x128xf32, #tpu.memory_space<hbm>>) dst(%arg11 : memref<80x128xf32, #tpu.memory_space<vmem>>)
    "tpu.region"() ({
      %run_scoped3A = tpu.sem_alloc : memref<!tpu.dma_semaphore, #tpu.memory_space<semaphore_mem>>
      %dma_start3A_63 = arith.constant 0 : i32
      %dma_start3A_64 = arith.constant 0 : i32
      %dma_start3A_65 = tpu.memref_slice %arg6[%dma_start3A_63, %dma_start3A_64] : memref<10240x128xf32, #tpu.memory_space<vmem_shared>> -> memref<10240x128xf32, #tpu.memory_space<vmem_shared>>
      tpu.enqueue_indirect_dma source(%arg11 : memref<80x128xf32, #tpu.memory_space<vmem>>) target(%dma_start3A_65 : memref<10240x128xf32, #tpu.memory_space<vmem_shared>>) offsets(%arg8 : memref<80xi32, #tpu.memory_space<vmem>>) semaphore(%run_scoped3A : memref<!tpu.dma_semaphore, #tpu.memory_space<semaphore_mem>>) {add = true}
      %dma_wait3A_66 = arith.constant 0 : i32
      %dma_wait3A_67 = arith.constant 0 : i32
      %dma_wait3A_68 = tpu.memref_slice %arg6[%dma_wait3A_66, %dma_wait3A_67] : memref<10240x128xf32, #tpu.memory_space<vmem_shared>> -> memref<10240x128xf32, #tpu.memory_space<vmem_shared>>
      tpu.wait_indirect_dma semaphore(%run_scoped3A : memref<!tpu.dma_semaphore, #tpu.memory_space<semaphore_mem>>) src(%arg11 : memref<80x128xf32, #tpu.memory_space<vmem>>) dst(%dma_wait3A_68 : memref<10240x128xf32, #tpu.memory_space<vmem_shared>>)
      tpu.yield
    }) : () -> ()
    %add3A_49 = arith.constant 9920 : i32
    %add3A_50 = arith.addi %mul3A_2, %add3A_49 : i32
    %dma_wait3A_51 = tpu.memref_slice %arg4[%add3A_50] : memref<320000xi32, #tpu.memory_space<hbm>> -> memref<80xi32, #tpu.memory_space<hbm>>
    %dma_wait3A_52 = tpu.memref_slice %arg4[%add3A_50] : memref<320000xi32, #tpu.memory_space<hbm>> -> memref<80xi32, #tpu.memory_space<hbm>>
    tpu.wait_dma2 semaphore(%arg19 : memref<!tpu.dma_semaphore, #tpu.memory_space<semaphore_mem>>) src(%dma_wait3A_52 : memref<80xi32, #tpu.memory_space<hbm>>) dst(%arg9 : memref<80xi32, #tpu.memory_space<vmem>>)
    %dma_wait3A_53 = arith.constant 9920 : i32
    %dma_wait3A_54 = tpu.memref_slice %arg7[%dma_wait3A_53] : memref<10000xi32, #tpu.memory_space<vmem>> -> memref<80xi32, #tpu.memory_space<vmem>>
    %dma_wait3A_55 = arith.constant 0 : i32
    %dma_wait3A_56 = arith.constant 0 : i32
    %dma_wait3A_57 = tpu.memref_slice %arg2[%dma_wait3A_55, %dma_wait3A_56] : memref<10240x128xf32, #tpu.memory_space<hbm>> -> memref<10240x128xf32, #tpu.memory_space<hbm>>
    tpu.wait_indirect_dma semaphore(%arg16 : memref<!tpu.dma_semaphore, #tpu.memory_space<semaphore_mem>>) src(%dma_wait3A_57 : memref<10240x128xf32, #tpu.memory_space<hbm>>) dst(%arg12 : memref<80x128xf32, #tpu.memory_space<vmem>>)
    "tpu.region"() ({
      %run_scoped3A = tpu.sem_alloc : memref<!tpu.dma_semaphore, #tpu.memory_space<semaphore_mem>>
      %dma_start3A_63 = arith.constant 0 : i32
      %dma_start3A_64 = arith.constant 0 : i32
      %dma_start3A_65 = tpu.memref_slice %arg6[%dma_start3A_63, %dma_start3A_64] : memref<10240x128xf32, #tpu.memory_space<vmem_shared>> -> memref<10240x128xf32, #tpu.memory_space<vmem_shared>>
      tpu.enqueue_indirect_dma source(%arg12 : memref<80x128xf32, #tpu.memory_space<vmem>>) target(%dma_start3A_65 : memref<10240x128xf32, #tpu.memory_space<vmem_shared>>) offsets(%arg9 : memref<80xi32, #tpu.memory_space<vmem>>) semaphore(%run_scoped3A : memref<!tpu.dma_semaphore, #tpu.memory_space<semaphore_mem>>) {add = true}
      %dma_wait3A_66 = arith.constant 0 : i32
      %dma_wait3A_67 = arith.constant 0 : i32
      %dma_wait3A_68 = tpu.memref_slice %arg6[%dma_wait3A_66, %dma_wait3A_67] : memref<10240x128xf32, #tpu.memory_space<vmem_shared>> -> memref<10240x128xf32, #tpu.memory_space<vmem_shared>>
      tpu.wait_indirect_dma semaphore(%run_scoped3A : memref<!tpu.dma_semaphore, #tpu.memory_space<semaphore_mem>>) src(%arg12 : memref<80x128xf32, #tpu.memory_space<vmem>>) dst(%dma_wait3A_68 : memref<10240x128xf32, #tpu.memory_space<vmem_shared>>)
      tpu.yield
    }) : () -> ()
    %barrier3A_58 = arith.constant 0 : index
    tpu.barrier barrier_id(%barrier3A_58)
    %mul3A_59 = arith.constant 640 : i32
    %mul3A_60 = arith.muli %arg1, %mul3A_59 : i32
    %mul3A_61 = arith.constant 640 : i32
    %mul3A_62 = arith.muli %arg1, %mul3A_61 : i32
    "tpu.region"() ({
      %run_scoped3A = tpu.sem_alloc : memref<!tpu.dma_semaphore, #tpu.memory_space<semaphore_mem>>
      %dma_start3A_63 = arith.constant 0 : i32
      %dma_start3A_64 = tpu.memref_slice %arg5[%arg0, %mul3A_62, %dma_start3A_63] : memref<2x10240x128xf32, #tpu.memory_space<hbm>> -> memref<1x640x128xf32, #tpu.memory_space<hbm>>
      %dma_start3A_65 = tpu.memref_squeeze %dma_start3A_64 : memref<1x640x128xf32, #tpu.memory_space<hbm>> -> memref<640x128xf32, #tpu.memory_space<hbm>>
      %dma_start3A_66 = arith.constant 0 : i32
      %dma_start3A_67 = tpu.memref_slice %arg6[%mul3A_60, %dma_start3A_66] : memref<10240x128xf32, #tpu.memory_space<vmem_shared>> -> memref<640x128xf32, #tpu.memory_space<vmem_shared>>
      tpu.enqueue_dma source(%dma_start3A_67 : memref<640x128xf32, #tpu.memory_space<vmem_shared>>) target(%dma_start3A_65 : memref<640x128xf32, #tpu.memory_space<hbm>>) target_semaphore(%run_scoped3A : memref<!tpu.dma_semaphore, #tpu.memory_space<semaphore_mem>>)
      %dma_wait3A_68 = arith.constant 0 : i32
      %dma_wait3A_69 = tpu.memref_slice %arg5[%arg0, %mul3A_62, %dma_wait3A_68] : memref<2x10240x128xf32, #tpu.memory_space<hbm>> -> memref<1x640x128xf32, #tpu.memory_space<hbm>>
      %dma_wait3A_70 = tpu.memref_squeeze %dma_wait3A_69 : memref<1x640x128xf32, #tpu.memory_space<hbm>> -> memref<640x128xf32, #tpu.memory_space<hbm>>
      %dma_wait3A_71 = arith.constant 0 : i32
      %dma_wait3A_72 = tpu.memref_slice %arg6[%mul3A_60, %dma_wait3A_71] : memref<10240x128xf32, #tpu.memory_space<vmem_shared>> -> memref<640x128xf32, #tpu.memory_space<vmem_shared>>
      tpu.wait_dma2 semaphore(%run_scoped3A : memref<!tpu.dma_semaphore, #tpu.memory_space<semaphore_mem>>) src(%dma_wait3A_72 : memref<640x128xf32, #tpu.memory_space<vmem_shared>>) dst(%dma_wait3A_70 : memref<640x128xf32, #tpu.memory_space<hbm>>)
      tpu.yield
    }) : () -> ()
    return
  }
}

#map = affine_map<(d0, d1) -> (0, 0)>
#map1 = affine_map<(d0, d1) -> (0)>
#map2 = affine_map<(d0, d1) -> (0, 0, 0)>
module attributes {stable_mosaic.version = 14 : i64} {
  func.func @agg_kernel(%arg0: i32, %arg1: i32, %arg2: memref<10240x128xf32, #tpu.memory_space<hbm>>, %arg3: memref<320000xi32, #tpu.memory_space<hbm>>, %arg4: memref<320000xi32, #tpu.memory_space<hbm>>, %arg5: memref<2x10240x128xf32, #tpu.memory_space<hbm>>, %arg6: memref<10240x128xf32, #tpu.memory_space<vmem_shared>>, %arg7: memref<10000xi32, #tpu.memory_space<vmem>>, %arg8: memref<80xi32, #tpu.memory_space<vmem>>, %arg9: memref<80xi32, #tpu.memory_space<vmem>>, %arg10: memref<80xi32, #tpu.memory_space<vmem>>, %arg11: memref<80x128xf32, #tpu.memory_space<vmem>>, %arg12: memref<80x128xf32, #tpu.memory_space<vmem>>, %arg13: memref<80x128xf32, #tpu.memory_space<vmem>>, %arg14: memref<16x128xf32, #tpu.memory_space<vmem>>, %arg15: memref<!tpu.dma_semaphore, #tpu.memory_space<semaphore_mem>>, %arg16: memref<!tpu.dma_semaphore, #tpu.memory_space<semaphore_mem>>, %arg17: memref<!tpu.dma_semaphore, #tpu.memory_space<semaphore_mem>>, %arg18: memref<!tpu.dma_semaphore, #tpu.memory_space<semaphore_mem>>, %arg19: memref<!tpu.dma_semaphore, #tpu.memory_space<semaphore_mem>>, %arg20: memref<!tpu.dma_semaphore, #tpu.memory_space<semaphore_mem>>) attributes {dimension_semantics = [#tpu.dimension_semantics<core_parallel>, #tpu.dimension_semantics<subcore_parallel>], iteration_bounds = array<i64: 2, 16>, scalar_prefetch = 0 : i64, scratch_operands = 15 : i64, tpu.core_type = #tpu.core_type<sc_vector_subcore>, window_params = [{transform_indices = #map}, {transform_indices = #map1}, {transform_indices = #map1}, {transform_indices = #map2}]} {
    %mul3A = arith.constant 16 : i32
    %mul3A_0 = arith.muli %arg0, %mul3A : i32
    %add3A = arith.addi %mul3A_0, %arg1 : i32
    %mul3A_1 = arith.constant 10000 : i32
    %mul3A_2 = arith.muli %add3A, %mul3A_1 : i32
    %broadcast_in_dim3A = arith.constant 0.000000e+00 : f32
    %broadcast_in_dim3A_3 = vector.broadcast %broadcast_in_dim3A : f32 to vector<16xf32>
    %scan3A = arith.constant 0 : i32
    %scan3A_4 = arith.constant 0 : i32
    %scan3A_5 = arith.constant 16 : i32
    %scan3A_6 = arith.addi %scan3A_4, %scan3A_5 : i32
    %scan3A_7 = arith.constant 1 : i32
    %scan3A_8 = scf.for %scan3A_63 = %scan3A_4 to %scan3A_6 step %scan3A_7 iter_args(%scan3A_64 = %scan3A) -> (i32)  : i32 {
      %swap3A = arith.index_cast %scan3A_63 : i32 to index
      %swap3A_65 = arith.constant 0 : index
      %swap3A_66 = tpu.vector_load %arg14[%swap3A, %swap3A_65] {strides = array<i32>} : memref<16x128xf32, #tpu.memory_space<vmem>>, vector<1x16xf32>,
      %swap3A_67 = vector.shape_cast %swap3A_66 : vector<1x16xf32> to vector<16xf32>
      %swap3A_68 = vector.shape_cast %broadcast_in_dim3A_3 : vector<16xf32> to vector<1x16xf32>
      tpu.vector_store %arg14[%swap3A, %swap3A_65], %swap3A_68 {strides = array<i32>} : memref<16x128xf32, #tpu.memory_space<vmem>>, vector<1x16xf32>,
      %swap3A_69 = arith.index_cast %scan3A_63 : i32 to index
      %swap3A_70 = arith.constant 16 : index
      %swap3A_71 = tpu.vector_load %arg14[%swap3A_69, %swap3A_70] {strides = array<i32>} : memref<16x128xf32, #tpu.memory_space<vmem>>, vector<1x16xf32>,
      %swap3A_72 = vector.shape_cast %swap3A_71 : vector<1x16xf32> to vector<16xf32>
      %swap3A_73 = vector.shape_cast %broadcast_in_dim3A_3 : vector<16xf32> to vector<1x16xf32>
      tpu.vector_store %arg14[%swap3A_69, %swap3A_70], %swap3A_73 {strides = array<i32>} : memref<16x128xf32, #tpu.memory_space<vmem>>, vector<1x16xf32>,
      %swap3A_74 = arith.index_cast %scan3A_63 : i32 to index
      %swap3A_75 = arith.constant 32 : index
      %swap3A_76 = tpu.vector_load %arg14[%swap3A_74, %swap3A_75] {strides = array<i32>} : memref<16x128xf32, #tpu.memory_space<vmem>>, vector<1x16xf32>,
      %swap3A_77 = vector.shape_cast %swap3A_76 : vector<1x16xf32> to vector<16xf32>
      %swap3A_78 = vector.shape_cast %broadcast_in_dim3A_3 : vector<16xf32> to vector<1x16xf32>
      tpu.vector_store %arg14[%swap3A_74, %swap3A_75], %swap3A_78 {strides = array<i32>} : memref<16x128xf32, #tpu.memory_space<vmem>>, vector<1x16xf32>,
      %swap3A_79 = arith.index_cast %scan3A_63 : i32 to index
      %swap3A_80 = arith.constant 48 : index
      %swap3A_81 = tpu.vector_load %arg14[%swap3A_79, %swap3A_80] {strides = array<i32>} : memref<16x128xf32, #tpu.memory_space<vmem>>, vector<1x16xf32>,
      %swap3A_82 = vector.shape_cast %swap3A_81 : vector<1x16xf32> to vector<16xf32>
      %swap3A_83 = vector.shape_cast %broadcast_in_dim3A_3 : vector<16xf32> to vector<1x16xf32>
      tpu.vector_store %arg14[%swap3A_79, %swap3A_80], %swap3A_83 {strides = array<i32>} : memref<16x128xf32, #tpu.memory_space<vmem>>, vector<1x16xf32>,
      %swap3A_84 = arith.index_cast %scan3A_63 : i32 to index
      %swap3A_85 = arith.constant 64 : index
      %swap3A_86 = tpu.vector_load %arg14[%swap3A_84, %swap3A_85] {strides = array<i32>} : memref<16x128xf32, #tpu.memory_space<vmem>>, vector<1x16xf32>,
      %swap3A_87 = vector.shape_cast %swap3A_86 : vector<1x16xf32> to vector<16xf32>
      %swap3A_88 = vector.shape_cast %broadcast_in_dim3A_3 : vector<16xf32> to vector<1x16xf32>
      tpu.vector_store %arg14[%swap3A_84, %swap3A_85], %swap3A_88 {strides = array<i32>} : memref<16x128xf32, #tpu.memory_space<vmem>>, vector<1x16xf32>,
      %swap3A_89 = arith.index_cast %scan3A_63 : i32 to index
      %swap3A_90 = arith.constant 80 : index
      %swap3A_91 = tpu.vector_load %arg14[%swap3A_89, %swap3A_90] {strides = array<i32>} : memref<16x128xf32, #tpu.memory_space<vmem>>, vector<1x16xf32>,
      %swap3A_92 = vector.shape_cast %swap3A_91 : vector<1x16xf32> to vector<16xf32>
      %swap3A_93 = vector.shape_cast %broadcast_in_dim3A_3 : vector<16xf32> to vector<1x16xf32>
      tpu.vector_store %arg14[%swap3A_89, %swap3A_90], %swap3A_93 {strides = array<i32>} : memref<16x128xf32, #tpu.memory_space<vmem>>, vector<1x16xf32>,
      %swap3A_94 = arith.index_cast %scan3A_63 : i32 to index
      %swap3A_95 = arith.constant 96 : index
      %swap3A_96 = tpu.vector_load %arg14[%swap3A_94, %swap3A_95] {strides = array<i32>} : memref<16x128xf32, #tpu.memory_space<vmem>>, vector<1x16xf32>,
      %swap3A_97 = vector.shape_cast %swap3A_96 : vector<1x16xf32> to vector<16xf32>
      %swap3A_98 = vector.shape_cast %broadcast_in_dim3A_3 : vector<16xf32> to vector<1x16xf32>
      tpu.vector_store %arg14[%swap3A_94, %swap3A_95], %swap3A_98 {strides = array<i32>} : memref<16x128xf32, #tpu.memory_space<vmem>>, vector<1x16xf32>,
      %swap3A_99 = arith.index_cast %scan3A_63 : i32 to index
      %swap3A_100 = arith.constant 112 : index
      %swap3A_101 = tpu.vector_load %arg14[%swap3A_99, %swap3A_100] {strides = array<i32>} : memref<16x128xf32, #tpu.memory_space<vmem>>, vector<1x16xf32>,
      %swap3A_102 = vector.shape_cast %swap3A_101 : vector<1x16xf32> to vector<16xf32>
      %swap3A_103 = vector.shape_cast %broadcast_in_dim3A_3 : vector<16xf32> to vector<1x16xf32>
      tpu.vector_store %arg14[%swap3A_99, %swap3A_100], %swap3A_103 {strides = array<i32>} : memref<16x128xf32, #tpu.memory_space<vmem>>, vector<1x16xf32>,
      %scan3A_104 = arith.constant 0 : i32
      scf.yield %scan3A_104 : i32
    }
    %scan3A_9 = arith.constant 16 : i32
    "tpu.region"() ({
      %run_scoped3A = tpu.sem_alloc : memref<!tpu.dma_semaphore, #tpu.memory_space<semaphore_mem>>
      %dma_start3A_63 = tpu.memref_slice %arg3[%mul3A_2] : memref<320000xi32, #tpu.memory_space<hbm>> -> memref<10000xi32, #tpu.memory_space<hbm>>
      %dma_start3A_64 = tpu.memref_slice %arg3[%mul3A_2] : memref<320000xi32, #tpu.memory_space<hbm>> -> memref<10000xi32, #tpu.memory_space<hbm>>
      tpu.enqueue_dma source(%dma_start3A_64 : memref<10000xi32, #tpu.memory_space<hbm>>) target(%arg7 : memref<10000xi32, #tpu.memory_space<vmem>>) target_semaphore(%run_scoped3A : memref<!tpu.dma_semaphore, #tpu.memory_space<semaphore_mem>>)
      %dma_wait3A_65 = tpu.memref_slice %arg3[%mul3A_2] : memref<320000xi32, #tpu.memory_space<hbm>> -> memref<10000xi32, #tpu.memory_space<hbm>>
      %dma_wait3A_66 = tpu.memref_slice %arg3[%mul3A_2] : memref<320000xi32, #tpu.memory_space<hbm>> -> memref<10000xi32, #tpu.memory_space<hbm>>
      tpu.wait_dma2 semaphore(%run_scoped3A : memref<!tpu.dma_semaphore, #tpu.memory_space<semaphore_mem>>) src(%dma_wait3A_66 : memref<10000xi32, #tpu.memory_space<hbm>>) dst(%arg7 : memref<10000xi32, #tpu.memory_space<vmem>>)
      tpu.yield
    }) : () -> ()
    %scan3A_10 = arith.constant 0 : i32
    %scan3A_11 = arith.constant 0 : i32
    %scan3A_12 = arith.constant 40 : i32
    %scan3A_13 = arith.addi %scan3A_11, %scan3A_12 : i32
    %scan3A_14 = arith.constant 1 : i32
    %scan3A_15 = scf.for %scan3A_63 = %scan3A_11 to %scan3A_13 step %scan3A_14 iter_args(%scan3A_64 = %scan3A_10) -> (i32)  : i32 {
      %mul3A_65 = arith.constant 640 : i32
      %mul3A_66 = arith.muli %arg1, %mul3A_65 : i32
      %mul3A_67 = arith.constant 16 : i32
      %mul3A_68 = arith.muli %scan3A_63, %mul3A_67 : i32
      %add3A_69 = arith.addi %mul3A_66, %mul3A_68 : i32
      "tpu.region"() ({
        %run_scoped3A = tpu.sem_alloc : memref<!tpu.dma_semaphore, #tpu.memory_space<semaphore_mem>>
        %dma_start3A_71 = arith.constant 0 : i32
        %dma_start3A_72 = tpu.memref_slice %arg6[%add3A_69, %dma_start3A_71] : memref<10240x128xf32, #tpu.memory_space<vmem_shared>> -> memref<16x128xf32, #tpu.memory_space<vmem_shared>>
        %dma_start3A_73 = arith.constant 0 : i32
        %dma_start3A_74 = tpu.memref_slice %arg6[%add3A_69, %dma_start3A_73] : memref<10240x128xf32, #tpu.memory_space<vmem_shared>> -> memref<16x128xf32, #tpu.memory_space<vmem_shared>>
        tpu.enqueue_dma source(%arg14 : memref<16x128xf32, #tpu.memory_space<vmem>>) target(%dma_start3A_74 : memref<16x128xf32, #tpu.memory_space<vmem_shared>>) target_semaphore(%run_scoped3A : memref<!tpu.dma_semaphore, #tpu.memory_space<semaphore_mem>>)
        %dma_wait3A_75 = arith.constant 0 : i32
        %dma_wait3A_76 = tpu.memref_slice %arg6[%add3A_69, %dma_wait3A_75] : memref<10240x128xf32, #tpu.memory_space<vmem_shared>> -> memref<16x128xf32, #tpu.memory_space<vmem_shared>>
        %dma_wait3A_77 = arith.constant 0 : i32
        %dma_wait3A_78 = tpu.memref_slice %arg6[%add3A_69, %dma_wait3A_77] : memref<10240x128xf32, #tpu.memory_space<vmem_shared>> -> memref<16x128xf32, #tpu.memory_space<vmem_shared>>
        tpu.wait_dma2 semaphore(%run_scoped3A : memref<!tpu.dma_semaphore, #tpu.memory_space<semaphore_mem>>) src(%arg14 : memref<16x128xf32, #tpu.memory_space<vmem>>) dst(%dma_wait3A_78 : memref<16x128xf32, #tpu.memory_space<vmem_shared>>)
        tpu.yield
      }) : () -> ()
      %scan3A_70 = arith.constant 0 : i32
      scf.yield %scan3A_70 : i32
    }
    %scan3A_16 = arith.constant 40 : i32
    %barrier3A = arith.constant 0 : index
    tpu.barrier barrier_id(%barrier3A)
    %add3A_17 = arith.constant 0 : i32
    %add3A_18 = arith.addi %mul3A_2, %add3A_17 : i32
    %dma_start3A = tpu.memref_slice %arg4[%add3A_18] : memref<320000xi32, #tpu.memory_space<hbm>> -> memref<80xi32, #tpu.memory_space<hbm>>
    %dma_start3A_19 = tpu.memref_slice %arg4[%add3A_18] : memref<320000xi32, #tpu.memory_space<hbm>> -> memref<80xi32, #tpu.memory_space<hbm>>
    tpu.enqueue_dma source(%dma_start3A_19 : memref<80xi32, #tpu.memory_space<hbm>>) target(%arg8 : memref<80xi32, #tpu.memory_space<vmem>>) target_semaphore(%arg18 : memref<!tpu.dma_semaphore, #tpu.memory_space<semaphore_mem>>)
    %dma_start3A_20 = arith.constant 0 : i32
    %dma_start3A_21 = tpu.memref_slice %arg7[%dma_start3A_20] : memref<10000xi32, #tpu.memory_space<vmem>> -> memref<80xi32, #tpu.memory_space<vmem>>
    %dma_start3A_22 = arith.constant 0 : i32
    %dma_start3A_23 = arith.constant 0 : i32
    %dma_start3A_24 = tpu.memref_slice %arg2[%dma_start3A_22, %dma_start3A_23] : memref<10240x128xf32, #tpu.memory_space<hbm>> -> memref<10240x128xf32, #tpu.memory_space<hbm>>
    tpu.enqueue_indirect_dma source(%dma_start3A_24 : memref<10240x128xf32, #tpu.memory_space<hbm>>) target(%arg11 : memref<80x128xf32, #tpu.memory_space<vmem>>) offsets(%dma_start3A_21 : memref<80xi32, #tpu.memory_space<vmem>>) semaphore(%arg15 : memref<!tpu.dma_semaphore, #tpu.memory_space<semaphore_mem>>)
    %add3A_25 = arith.constant 80 : i32
    %add3A_26 = arith.addi %mul3A_2, %add3A_25 : i32
    %dma_start3A_27 = tpu.memref_slice %arg4[%add3A_26] : memref<320000xi32, #tpu.memory_space<hbm>> -> memref<80xi32, #tpu.memory_space<hbm>>
    %dma_start3A_28 = tpu.memref_slice %arg4[%add3A_26] : memref<320000xi32, #tpu.memory_space<hbm>> -> memref<80xi32, #tpu.memory_space<hbm>>
    tpu.enqueue_dma source(%dma_start3A_28 : memref<80xi32, #tpu.memory_space<hbm>>) target(%arg9 : memref<80xi32, #tpu.memory_space<vmem>>) target_semaphore(%arg19 : memref<!tpu.dma_semaphore, #tpu.memory_space<semaphore_mem>>)
    %dma_start3A_29 = arith.constant 80 : i32
    %dma_start3A_30 = tpu.memref_slice %arg7[%dma_start3A_29] : memref<10000xi32, #tpu.memory_space<vmem>> -> memref<80xi32, #tpu.memory_space<vmem>>
    %dma_start3A_31 = arith.constant 0 : i32
    %dma_start3A_32 = arith.constant 0 : i32
    %dma_start3A_33 = tpu.memref_slice %arg2[%dma_start3A_31, %dma_start3A_32] : memref<10240x128xf32, #tpu.memory_space<hbm>> -> memref<10240x128xf32, #tpu.memory_space<hbm>>
    tpu.enqueue_indirect_dma source(%dma_start3A_33 : memref<10240x128xf32, #tpu.memory_space<hbm>>) target(%arg12 : memref<80x128xf32, #tpu.memory_space<vmem>>) offsets(%dma_start3A_30 : memref<80xi32, #tpu.memory_space<vmem>>) semaphore(%arg16 : memref<!tpu.dma_semaphore, #tpu.memory_space<semaphore_mem>>)
    %scan3A_34 = arith.constant 0 : i32
    %scan3A_35 = arith.constant 0 : i32
    %scan3A_36 = arith.constant 41 : i32
    %scan3A_37 = arith.addi %scan3A_35, %scan3A_36 : i32
    %scan3A_38 = arith.constant 1 : i32
    %scan3A_39 = scf.for %scan3A_63 = %scan3A_35 to %scan3A_37 step %scan3A_38 iter_args(%scan3A_64 = %scan3A_34) -> (i32)  : i32 {
      %mul3A_65 = arith.constant 3 : i32
      %mul3A_66 = arith.muli %mul3A_65, %scan3A_63 : i32
      %add3A_67 = arith.constant 0 : i32
      %add3A_68 = arith.addi %mul3A_66, %add3A_67 : i32
      %add3A_69 = arith.constant 2 : i32
      %add3A_70 = arith.addi %add3A_68, %add3A_69 : i32
      %mul3A_71 = arith.constant 80 : i32
      %mul3A_72 = arith.muli %add3A_70, %mul3A_71 : i32
      %add3A_73 = arith.addi %mul3A_2, %mul3A_72 : i32
      %dma_start3A_74 = tpu.memref_slice %arg4[%add3A_73] : memref<320000xi32, #tpu.memory_space<hbm>> -> memref<80xi32, #tpu.memory_space<hbm>>
      %dma_start3A_75 = tpu.memref_slice %arg4[%add3A_73] : memref<320000xi32, #tpu.memory_space<hbm>> -> memref<80xi32, #tpu.memory_space<hbm>>
      tpu.enqueue_dma source(%dma_start3A_75 : memref<80xi32, #tpu.memory_space<hbm>>) target(%arg10 : memref<80xi32, #tpu.memory_space<vmem>>) target_semaphore(%arg20 : memref<!tpu.dma_semaphore, #tpu.memory_space<semaphore_mem>>)
      %mul3A_76 = arith.constant 80 : i32
      %mul3A_77 = arith.muli %add3A_70, %mul3A_76 : i32
      %dma_start3A_78 = tpu.memref_slice %arg7[%mul3A_77] : memref<10000xi32, #tpu.memory_space<vmem>> -> memref<80xi32, #tpu.memory_space<vmem>>
      %dma_start3A_79 = arith.constant 0 : i32
      %dma_start3A_80 = arith.constant 0 : i32
      %dma_start3A_81 = tpu.memref_slice %arg2[%dma_start3A_79, %dma_start3A_80] : memref<10240x128xf32, #tpu.memory_space<hbm>> -> memref<10240x128xf32, #tpu.memory_space<hbm>>
      tpu.enqueue_indirect_dma source(%dma_start3A_81 : memref<10240x128xf32, #tpu.memory_space<hbm>>) target(%arg13 : memref<80x128xf32, #tpu.memory_space<vmem>>) offsets(%dma_start3A_78 : memref<80xi32, #tpu.memory_space<vmem>>) semaphore(%arg17 : memref<!tpu.dma_semaphore, #tpu.memory_space<semaphore_mem>>)
      %add3A_82 = arith.constant 0 : i32
      %add3A_83 = arith.addi %mul3A_66, %add3A_82 : i32
      %mul3A_84 = arith.constant 80 : i32
      %mul3A_85 = arith.muli %add3A_83, %mul3A_84 : i32
      %add3A_86 = arith.addi %mul3A_2, %mul3A_85 : i32
      %dma_wait3A_87 = tpu.memref_slice %arg4[%add3A_86] : memref<320000xi32, #tpu.memory_space<hbm>> -> memref<80xi32, #tpu.memory_space<hbm>>
      %dma_wait3A_88 = tpu.memref_slice %arg4[%add3A_86] : memref<320000xi32, #tpu.memory_space<hbm>> -> memref<80xi32, #tpu.memory_space<hbm>>
      tpu.wait_dma2 semaphore(%arg18 : memref<!tpu.dma_semaphore, #tpu.memory_space<semaphore_mem>>) src(%dma_wait3A_88 : memref<80xi32, #tpu.memory_space<hbm>>) dst(%arg8 : memref<80xi32, #tpu.memory_space<vmem>>)
      %mul3A_89 = arith.constant 80 : i32
      %mul3A_90 = arith.muli %add3A_83, %mul3A_89 : i32
      %dma_wait3A_91 = tpu.memref_slice %arg7[%mul3A_90] : memref<10000xi32, #tpu.memory_space<vmem>> -> memref<80xi32, #tpu.memory_space<vmem>>
      %dma_wait3A_92 = arith.constant 0 : i32
      %dma_wait3A_93 = arith.constant 0 : i32
      %dma_wait3A_94 = tpu.memref_slice %arg2[%dma_wait3A_92, %dma_wait3A_93] : memref<10240x128xf32, #tpu.memory_space<hbm>> -> memref<10240x128xf32, #tpu.memory_space<hbm>>
      tpu.wait_indirect_dma semaphore(%arg15 : memref<!tpu.dma_semaphore, #tpu.memory_space<semaphore_mem>>) src(%dma_wait3A_94 : memref<10240x128xf32, #tpu.memory_space<hbm>>) dst(%arg11 : memref<80x128xf32, #tpu.memory_space<vmem>>)
      "tpu.region"() ({
        %run_scoped3A = tpu.sem_alloc : memref<!tpu.dma_semaphore, #tpu.memory_space<semaphore_mem>>
        %dma_start3A_152 = arith.constant 0 : i32
        %dma_start3A_153 = arith.constant 0 : i32
        %dma_start3A_154 = tpu.memref_slice %arg6[%dma_start3A_152, %dma_start3A_153] : memref<10240x128xf32, #tpu.memory_space<vmem_shared>> -> memref<10240x128xf32, #tpu.memory_space<vmem_shared>>
        tpu.enqueue_indirect_dma source(%arg11 : memref<80x128xf32, #tpu.memory_space<vmem>>) target(%dma_start3A_154 : memref<10240x128xf32, #tpu.memory_space<vmem_shared>>) offsets(%arg8 : memref<80xi32, #tpu.memory_space<vmem>>) semaphore(%run_scoped3A : memref<!tpu.dma_semaphore, #tpu.memory_space<semaphore_mem>>) {add = true}
        %dma_wait3A_155 = arith.constant 0 : i32
        %dma_wait3A_156 = arith.constant 0 : i32
        %dma_wait3A_157 = tpu.memref_slice %arg6[%dma_wait3A_155, %dma_wait3A_156] : memref<10240x128xf32, #tpu.memory_space<vmem_shared>> -> memref<10240x128xf32, #tpu.memory_space<vmem_shared>>
        tpu.wait_indirect_dma semaphore(%run_scoped3A : memref<!tpu.dma_semaphore, #tpu.memory_space<semaphore_mem>>) src(%arg11 : memref<80x128xf32, #tpu.memory_space<vmem>>) dst(%dma_wait3A_157 : memref<10240x128xf32, #tpu.memory_space<vmem_shared>>)
        tpu.yield
      }) : () -> ()
      %add3A_95 = arith.constant 1 : i32
      %add3A_96 = arith.addi %mul3A_66, %add3A_95 : i32
      %add3A_97 = arith.constant 2 : i32
      %add3A_98 = arith.addi %add3A_96, %add3A_97 : i32
      %mul3A_99 = arith.constant 80 : i32
      %mul3A_100 = arith.muli %add3A_98, %mul3A_99 : i32
      %add3A_101 = arith.addi %mul3A_2, %mul3A_100 : i32
      %dma_start3A_102 = tpu.memref_slice %arg4[%add3A_101] : memref<320000xi32, #tpu.memory_space<hbm>> -> memref<80xi32, #tpu.memory_space<hbm>>
      %dma_start3A_103 = tpu.memref_slice %arg4[%add3A_101] : memref<320000xi32, #tpu.memory_space<hbm>> -> memref<80xi32, #tpu.memory_space<hbm>>
      tpu.enqueue_dma source(%dma_start3A_103 : memref<80xi32, #tpu.memory_space<hbm>>) target(%arg8 : memref<80xi32, #tpu.memory_space<vmem>>) target_semaphore(%arg18 : memref<!tpu.dma_semaphore, #tpu.memory_space<semaphore_mem>>)
      %mul3A_104 = arith.constant 80 : i32
      %mul3A_105 = arith.muli %add3A_98, %mul3A_104 : i32
      %dma_start3A_106 = tpu.memref_slice %arg7[%mul3A_105] : memref<10000xi32, #tpu.memory_space<vmem>> -> memref<80xi32, #tpu.memory_space<vmem>>
      %dma_start3A_107 = arith.constant 0 : i32
      %dma_start3A_108 = arith.constant 0 : i32
      %dma_start3A_109 = tpu.memref_slice %arg2[%dma_start3A_107, %dma_start3A_108] : memref<10240x128xf32, #tpu.memory_space<hbm>> -> memref<10240x128xf32, #tpu.memory_space<hbm>>
      tpu.enqueue_indirect_dma source(%dma_start3A_109 : memref<10240x128xf32, #tpu.memory_space<hbm>>) target(%arg11 : memref<80x128xf32, #tpu.memory_space<vmem>>) offsets(%dma_start3A_106 : memref<80xi32, #tpu.memory_space<vmem>>) semaphore(%arg15 : memref<!tpu.dma_semaphore, #tpu.memory_space<semaphore_mem>>)
      %add3A_110 = arith.constant 1 : i32
      %add3A_111 = arith.addi %mul3A_66, %add3A_110 : i32
      %mul3A_112 = arith.constant 80 : i32
      %mul3A_113 = arith.muli %add3A_111, %mul3A_112 : i32
      %add3A_114 = arith.addi %mul3A_2, %mul3A_113 : i32
      %dma_wait3A_115 = tpu.memref_slice %arg4[%add3A_114] : memref<320000xi32, #tpu.memory_space<hbm>> -> memref<80xi32, #tpu.memory_space<hbm>>
      %dma_wait3A_116 = tpu.memref_slice %arg4[%add3A_114] : memref<320000xi32, #tpu.memory_space<hbm>> -> memref<80xi32, #tpu.memory_space<hbm>>
      tpu.wait_dma2 semaphore(%arg19 : memref<!tpu.dma_semaphore, #tpu.memory_space<semaphore_mem>>) src(%dma_wait3A_116 : memref<80xi32, #tpu.memory_space<hbm>>) dst(%arg9 : memref<80xi32, #tpu.memory_space<vmem>>)
      %mul3A_117 = arith.constant 80 : i32
      %mul3A_118 = arith.muli %add3A_111, %mul3A_117 : i32
      %dma_wait3A_119 = tpu.memref_slice %arg7[%mul3A_118] : memref<10000xi32, #tpu.memory_space<vmem>> -> memref<80xi32, #tpu.memory_space<vmem>>
      %dma_wait3A_120 = arith.constant 0 : i32
      %dma_wait3A_121 = arith.constant 0 : i32
      %dma_wait3A_122 = tpu.memref_slice %arg2[%dma_wait3A_120, %dma_wait3A_121] : memref<10240x128xf32, #tpu.memory_space<hbm>> -> memref<10240x128xf32, #tpu.memory_space<hbm>>
      tpu.wait_indirect_dma semaphore(%arg16 : memref<!tpu.dma_semaphore, #tpu.memory_space<semaphore_mem>>) src(%dma_wait3A_122 : memref<10240x128xf32, #tpu.memory_space<hbm>>) dst(%arg12 : memref<80x128xf32, #tpu.memory_space<vmem>>)
      "tpu.region"() ({
        %run_scoped3A = tpu.sem_alloc : memref<!tpu.dma_semaphore, #tpu.memory_space<semaphore_mem>>
        %dma_start3A_152 = arith.constant 0 : i32
        %dma_start3A_153 = arith.constant 0 : i32
        %dma_start3A_154 = tpu.memref_slice %arg6[%dma_start3A_152, %dma_start3A_153] : memref<10240x128xf32, #tpu.memory_space<vmem_shared>> -> memref<10240x128xf32, #tpu.memory_space<vmem_shared>>
        tpu.enqueue_indirect_dma source(%arg12 : memref<80x128xf32, #tpu.memory_space<vmem>>) target(%dma_start3A_154 : memref<10240x128xf32, #tpu.memory_space<vmem_shared>>) offsets(%arg9 : memref<80xi32, #tpu.memory_space<vmem>>) semaphore(%run_scoped3A : memref<!tpu.dma_semaphore, #tpu.memory_space<semaphore_mem>>) {add = true}
        %dma_wait3A_155 = arith.constant 0 : i32
        %dma_wait3A_156 = arith.constant 0 : i32
        %dma_wait3A_157 = tpu.memref_slice %arg6[%dma_wait3A_155, %dma_wait3A_156] : memref<10240x128xf32, #tpu.memory_space<vmem_shared>> -> memref<10240x128xf32, #tpu.memory_space<vmem_shared>>
        tpu.wait_indirect_dma semaphore(%run_scoped3A : memref<!tpu.dma_semaphore, #tpu.memory_space<semaphore_mem>>) src(%arg12 : memref<80x128xf32, #tpu.memory_space<vmem>>) dst(%dma_wait3A_157 : memref<10240x128xf32, #tpu.memory_space<vmem_shared>>)
        tpu.yield
      }) : () -> ()
      %add3A_123 = arith.constant 2 : i32
      %add3A_124 = arith.addi %mul3A_66, %add3A_123 : i32
      %add3A_125 = arith.constant 2 : i32
      %add3A_126 = arith.addi %add3A_124, %add3A_125 : i32
      %mul3A_127 = arith.constant 80 : i32
      %mul3A_128 = arith.muli %add3A_126, %mul3A_127 : i32
      %add3A_129 = arith.addi %mul3A_2, %mul3A_128 : i32
      %dma_start3A_130 = tpu.memref_slice %arg4[%add3A_129] : memref<320000xi32, #tpu.memory_space<hbm>> -> memref<80xi32, #tpu.memory_space<hbm>>
      %dma_start3A_131 = tpu.memref_slice %arg4[%add3A_129] : memref<320000xi32, #tpu.memory_space<hbm>> -> memref<80xi32, #tpu.memory_space<hbm>>
      tpu.enqueue_dma source(%dma_start3A_131 : memref<80xi32, #tpu.memory_space<hbm>>) target(%arg9 : memref<80xi32, #tpu.memory_space<vmem>>) target_semaphore(%arg19 : memref<!tpu.dma_semaphore, #tpu.memory_space<semaphore_mem>>)
      %mul3A_132 = arith.constant 80 : i32
      %mul3A_133 = arith.muli %add3A_126, %mul3A_132 : i32
      %dma_start3A_134 = tpu.memref_slice %arg7[%mul3A_133] : memref<10000xi32, #tpu.memory_space<vmem>> -> memref<80xi32, #tpu.memory_space<vmem>>
      %dma_start3A_135 = arith.constant 0 : i32
      %dma_start3A_136 = arith.constant 0 : i32
      %dma_start3A_137 = tpu.memref_slice %arg2[%dma_start3A_135, %dma_start3A_136] : memref<10240x128xf32, #tpu.memory_space<hbm>> -> memref<10240x128xf32, #tpu.memory_space<hbm>>
      tpu.enqueue_indirect_dma source(%dma_start3A_137 : memref<10240x128xf32, #tpu.memory_space<hbm>>) target(%arg12 : memref<80x128xf32, #tpu.memory_space<vmem>>) offsets(%dma_start3A_134 : memref<80xi32, #tpu.memory_space<vmem>>) semaphore(%arg16 : memref<!tpu.dma_semaphore, #tpu.memory_space<semaphore_mem>>)
      %add3A_138 = arith.constant 2 : i32
      %add3A_139 = arith.addi %mul3A_66, %add3A_138 : i32
      %mul3A_140 = arith.constant 80 : i32
      %mul3A_141 = arith.muli %add3A_139, %mul3A_140 : i32
      %add3A_142 = arith.addi %mul3A_2, %mul3A_141 : i32
      %dma_wait3A_143 = tpu.memref_slice %arg4[%add3A_142] : memref<320000xi32, #tpu.memory_space<hbm>> -> memref<80xi32, #tpu.memory_space<hbm>>
      %dma_wait3A_144 = tpu.memref_slice %arg4[%add3A_142] : memref<320000xi32, #tpu.memory_space<hbm>> -> memref<80xi32, #tpu.memory_space<hbm>>
      tpu.wait_dma2 semaphore(%arg20 : memref<!tpu.dma_semaphore, #tpu.memory_space<semaphore_mem>>) src(%dma_wait3A_144 : memref<80xi32, #tpu.memory_space<hbm>>) dst(%arg10 : memref<80xi32, #tpu.memory_space<vmem>>)
      %mul3A_145 = arith.constant 80 : i32
      %mul3A_146 = arith.muli %add3A_139, %mul3A_145 : i32
      %dma_wait3A_147 = tpu.memref_slice %arg7[%mul3A_146] : memref<10000xi32, #tpu.memory_space<vmem>> -> memref<80xi32, #tpu.memory_space<vmem>>
      %dma_wait3A_148 = arith.constant 0 : i32
      %dma_wait3A_149 = arith.constant 0 : i32
      %dma_wait3A_150 = tpu.memref_slice %arg2[%dma_wait3A_148, %dma_wait3A_149] : memref<10240x128xf32, #tpu.memory_space<hbm>> -> memref<10240x128xf32, #tpu.memory_space<hbm>>
      tpu.wait_indirect_dma semaphore(%arg17 : memref<!tpu.dma_semaphore, #tpu.memory_space<semaphore_mem>>) src(%dma_wait3A_150 : memref<10240x128xf32, #tpu.memory_space<hbm>>) dst(%arg13 : memref<80x128xf32, #tpu.memory_space<vmem>>)
      "tpu.region"() ({
        %run_scoped3A = tpu.sem_alloc : memref<!tpu.dma_semaphore, #tpu.memory_space<semaphore_mem>>
        %dma_start3A_152 = arith.constant 0 : i32
        %dma_start3A_153 = arith.constant 0 : i32
        %dma_start3A_154 = tpu.memref_slice %arg6[%dma_start3A_152, %dma_start3A_153] : memref<10240x128xf32, #tpu.memory_space<vmem_shared>> -> memref<10240x128xf32, #tpu.memory_space<vmem_shared>>
        tpu.enqueue_indirect_dma source(%arg13 : memref<80x128xf32, #tpu.memory_space<vmem>>) target(%dma_start3A_154 : memref<10240x128xf32, #tpu.memory_space<vmem_shared>>) offsets(%arg10 : memref<80xi32, #tpu.memory_space<vmem>>) semaphore(%run_scoped3A : memref<!tpu.dma_semaphore, #tpu.memory_space<semaphore_mem>>) {add = true}
        %dma_wait3A_155 = arith.constant 0 : i32
        %dma_wait3A_156 = arith.constant 0 : i32
        %dma_wait3A_157 = tpu.memref_slice %arg6[%dma_wait3A_155, %dma_wait3A_156] : memref<10240x128xf32, #tpu.memory_space<vmem_shared>> -> memref<10240x128xf32, #tpu.memory_space<vmem_shared>>
        tpu.wait_indirect_dma semaphore(%run_scoped3A : memref<!tpu.dma_semaphore, #tpu.memory_space<semaphore_mem>>) src(%arg13 : memref<80x128xf32, #tpu.memory_space<vmem>>) dst(%dma_wait3A_157 : memref<10240x128xf32, #tpu.memory_space<vmem_shared>>)
        tpu.yield
      }) : () -> ()
      %scan3A_151 = arith.constant 0 : i32
      scf.yield %scan3A_151 : i32
    }
    %scan3A_40 = arith.constant 41 : i32
    %add3A_41 = arith.constant 9840 : i32
    %add3A_42 = arith.addi %mul3A_2, %add3A_41 : i32
    %dma_wait3A = tpu.memref_slice %arg4[%add3A_42] : memref<320000xi32, #tpu.memory_space<hbm>> -> memref<80xi32, #tpu.memory_space<hbm>>
    %dma_wait3A_43 = tpu.memref_slice %arg4[%add3A_42] : memref<320000xi32, #tpu.memory_space<hbm>> -> memref<80xi32, #tpu.memory_space<hbm>>
    tpu.wait_dma2 semaphore(%arg18 : memref<!tpu.dma_semaphore, #tpu.memory_space<semaphore_mem>>) src(%dma_wait3A_43 : memref<80xi32, #tpu.memory_space<hbm>>) dst(%arg8 : memref<80xi32, #tpu.memory_space<vmem>>)
    %dma_wait3A_44 = arith.constant 9840 : i32
    %dma_wait3A_45 = tpu.memref_slice %arg7[%dma_wait3A_44] : memref<10000xi32, #tpu.memory_space<vmem>> -> memref<80xi32, #tpu.memory_space<vmem>>
    %dma_wait3A_46 = arith.constant 0 : i32
    %dma_wait3A_47 = arith.constant 0 : i32
    %dma_wait3A_48 = tpu.memref_slice %arg2[%dma_wait3A_46, %dma_wait3A_47] : memref<10240x128xf32, #tpu.memory_space<hbm>> -> memref<10240x128xf32, #tpu.memory_space<hbm>>
    tpu.wait_indirect_dma semaphore(%arg15 : memref<!tpu.dma_semaphore, #tpu.memory_space<semaphore_mem>>) src(%dma_wait3A_48 : memref<10240x128xf32, #tpu.memory_space<hbm>>) dst(%arg11 : memref<80x128xf32, #tpu.memory_space<vmem>>)
    "tpu.region"() ({
      %run_scoped3A = tpu.sem_alloc : memref<!tpu.dma_semaphore, #tpu.memory_space<semaphore_mem>>
      %dma_start3A_63 = arith.constant 0 : i32
      %dma_start3A_64 = arith.constant 0 : i32
      %dma_start3A_65 = tpu.memref_slice %arg6[%dma_start3A_63, %dma_start3A_64] : memref<10240x128xf32, #tpu.memory_space<vmem_shared>> -> memref<10240x128xf32, #tpu.memory_space<vmem_shared>>
      tpu.enqueue_indirect_dma source(%arg11 : memref<80x128xf32, #tpu.memory_space<vmem>>) target(%dma_start3A_65 : memref<10240x128xf32, #tpu.memory_space<vmem_shared>>) offsets(%arg8 : memref<80xi32, #tpu.memory_space<vmem>>) semaphore(%run_scoped3A : memref<!tpu.dma_semaphore, #tpu.memory_space<semaphore_mem>>) {add = true}
      %dma_wait3A_66 = arith.constant 0 : i32
      %dma_wait3A_67 = arith.constant 0 : i32
      %dma_wait3A_68 = tpu.memref_slice %arg6[%dma_wait3A_66, %dma_wait3A_67] : memref<10240x128xf32, #tpu.memory_space<vmem_shared>> -> memref<10240x128xf32, #tpu.memory_space<vmem_shared>>
      tpu.wait_indirect_dma semaphore(%run_scoped3A : memref<!tpu.dma_semaphore, #tpu.memory_space<semaphore_mem>>) src(%arg11 : memref<80x128xf32, #tpu.memory_space<vmem>>) dst(%dma_wait3A_68 : memref<10240x128xf32, #tpu.memory_space<vmem_shared>>)
      tpu.yield
    }) : () -> ()
    %add3A_49 = arith.constant 9920 : i32
    %add3A_50 = arith.addi %mul3A_2, %add3A_49 : i32
    %dma_wait3A_51 = tpu.memref_slice %arg4[%add3A_50] : memref<320000xi32, #tpu.memory_space<hbm>> -> memref<80xi32, #tpu.memory_space<hbm>>
    %dma_wait3A_52 = tpu.memref_slice %arg4[%add3A_50] : memref<320000xi32, #tpu.memory_space<hbm>> -> memref<80xi32, #tpu.memory_space<hbm>>
    tpu.wait_dma2 semaphore(%arg19 : memref<!tpu.dma_semaphore, #tpu.memory_space<semaphore_mem>>) src(%dma_wait3A_52 : memref<80xi32, #tpu.memory_space<hbm>>) dst(%arg9 : memref<80xi32, #tpu.memory_space<vmem>>)
    %dma_wait3A_53 = arith.constant 9920 : i32
    %dma_wait3A_54 = tpu.memref_slice %arg7[%dma_wait3A_53] : memref<10000xi32, #tpu.memory_space<vmem>> -> memref<80xi32, #tpu.memory_space<vmem>>
    %dma_wait3A_55 = arith.constant 0 : i32
    %dma_wait3A_56 = arith.constant 0 : i32
    %dma_wait3A_57 = tpu.memref_slice %arg2[%dma_wait3A_55, %dma_wait3A_56] : memref<10240x128xf32, #tpu.memory_space<hbm>> -> memref<10240x128xf32, #tpu.memory_space<hbm>>
    tpu.wait_indirect_dma semaphore(%arg16 : memref<!tpu.dma_semaphore, #tpu.memory_space<semaphore_mem>>) src(%dma_wait3A_57 : memref<10240x128xf32, #tpu.memory_space<hbm>>) dst(%arg12 : memref<80x128xf32, #tpu.memory_space<vmem>>)
    "tpu.region"() ({
      %run_scoped3A = tpu.sem_alloc : memref<!tpu.dma_semaphore, #tpu.memory_space<semaphore_mem>>
      %dma_start3A_63 = arith.constant 0 : i32
      %dma_start3A_64 = arith.constant 0 : i32
      %dma_start3A_65 = tpu.memref_slice %arg6[%dma_start3A_63, %dma_start3A_64] : memref<10240x128xf32, #tpu.memory_space<vmem_shared>> -> memref<10240x128xf32, #tpu.memory_space<vmem_shared>>
      tpu.enqueue_indirect_dma source(%arg12 : memref<80x128xf32, #tpu.memory_space<vmem>>) target(%dma_start3A_65 : memref<10240x128xf32, #tpu.memory_space<vmem_shared>>) offsets(%arg9 : memref<80xi32, #tpu.memory_space<vmem>>) semaphore(%run_scoped3A : memref<!tpu.dma_semaphore, #tpu.memory_space<semaphore_mem>>) {add = true}
      %dma_wait3A_66 = arith.constant 0 : i32
      %dma_wait3A_67 = arith.constant 0 : i32
      %dma_wait3A_68 = tpu.memref_slice %arg6[%dma_wait3A_66, %dma_wait3A_67] : memref<10240x128xf32, #tpu.memory_space<vmem_shared>> -> memref<10240x128xf32, #tpu.memory_space<vmem_shared>>
      tpu.wait_indirect_dma semaphore(%run_scoped3A : memref<!tpu.dma_semaphore, #tpu.memory_space<semaphore_mem>>) src(%arg12 : memref<80x128xf32, #tpu.memory_space<vmem>>) dst(%dma_wait3A_68 : memref<10240x128xf32, #tpu.memory_space<vmem_shared>>)
      tpu.yield
    }) : () -> ()
    %barrier3A_58 = arith.constant 0 : index
    tpu.barrier barrier_id(%barrier3A_58)
    %mul3A_59 = arith.constant 640 : i32
    %mul3A_60 = arith.muli %arg1, %mul3A_59 : i32
    %mul3A_61 = arith.constant 640 : i32
    %mul3A_62 = arith.muli %arg1, %mul3A_61 : i32
    "tpu.region"() ({
      %run_scoped3A = tpu.sem_alloc : memref<!tpu.dma_semaphore, #tpu.memory_space<semaphore_mem>>
      %dma_start3A_63 = arith.constant 0 : i32
      %dma_start3A_64 = tpu.memref_slice %arg5[%arg0, %mul3A_62, %dma_start3A_63] : memref<2x10240x128xf32, #tpu.memory_space<hbm>> -> memref<1x640x128xf32, #tpu.memory_space<hbm>>
      %dma_start3A_65 = tpu.memref_squeeze %dma_start3A_64 : memref<1x640x128xf32, #tpu.memory_space<hbm>> -> memref<640x128xf32, #tpu.memory_space<hbm>>
      %dma_start3A_66 = arith.constant 0 : i32
      %dma_start3A_67 = tpu.memref_slice %arg6[%mul3A_60, %dma_start3A_66] : memref<10240x128xf32, #tpu.memory_space<vmem_shared>> -> memref<640x128xf32, #tpu.memory_space<vmem_shared>>
      tpu.enqueue_dma source(%dma_start3A_67 : memref<640x128xf32, #tpu.memory_space<vmem_shared>>) target(%dma_start3A_65 : memref<640x128xf32, #tpu.memory_space<hbm>>) target_semaphore(%run_scoped3A : memref<!tpu.dma_semaphore, #tpu.memory_space<semaphore_mem>>)
      %dma_wait3A_68 = arith.constant 0 : i32
      %dma_wait3A_69 = tpu.memref_slice %arg5[%arg0, %mul3A_62, %dma_wait3A_68] : memref<2x10240x128xf32, #tpu.memory_space<hbm>> -> memref<1x640x128xf32, #tpu.memory_space<hbm>>
      %dma_wait3A_70 = tpu.memref_squeeze %dma_wait3A_69 : memref<1x640x128xf32, #tpu.memory_space<hbm>> -> memref<640x128xf32, #tpu.memory_space<hbm>>
      %dma_wait3A_71 = arith.constant 0 : i32
      %dma_wait3A_72 = tpu.memref_slice %arg6[%mul3A_60, %dma_wait3A_71] : memref<10240x128xf32, #tpu.memory_space<vmem_shared>> -> memref<640x128xf32, #tpu.memory_space<vmem_shared>>
      tpu.wait_dma2 semaphore(%run_scoped3A : memref<!tpu.dma_semaphore, #tpu.memory_space<semaphore_mem>>) src(%dma_wait3A_72 : memref<640x128xf32, #tpu.memory_space<vmem_shared>>) dst(%dma_wait3A_70 : memref<640x128xf32, #tpu.memory_space<hbm>>)
      tpu.yield
    }) : () -> ()
    return
  }
}

#map = affine_map<(d0, d1) -> (0, 0)>
#map1 = affine_map<(d0, d1) -> (0)>
#map2 = affine_map<(d0, d1) -> (0, 0, 0)>
module attributes {stable_mosaic.version = 14 : i64} {
  func.func @agg_kernel(%arg0: i32, %arg1: i32, %arg2: memref<10240x128xf32, #tpu.memory_space<hbm>>, %arg3: memref<320000xi32, #tpu.memory_space<hbm>>, %arg4: memref<320000xi32, #tpu.memory_space<hbm>>, %arg5: memref<2x10240x128xf32, #tpu.memory_space<hbm>>, %arg6: memref<10240x128xf32, #tpu.memory_space<vmem_shared>>, %arg7: memref<10000xi32, #tpu.memory_space<vmem>>, %arg8: memref<80xi32, #tpu.memory_space<vmem>>, %arg9: memref<80xi32, #tpu.memory_space<vmem>>, %arg10: memref<80xi32, #tpu.memory_space<vmem>>, %arg11: memref<80x128xf32, #tpu.memory_space<vmem>>, %arg12: memref<80x128xf32, #tpu.memory_space<vmem>>, %arg13: memref<80x128xf32, #tpu.memory_space<vmem>>, %arg14: memref<16x128xf32, #tpu.memory_space<vmem>>, %arg15: memref<!tpu.dma_semaphore, #tpu.memory_space<semaphore_mem>>, %arg16: memref<!tpu.dma_semaphore, #tpu.memory_space<semaphore_mem>>, %arg17: memref<!tpu.dma_semaphore, #tpu.memory_space<semaphore_mem>>, %arg18: memref<!tpu.dma_semaphore, #tpu.memory_space<semaphore_mem>>, %arg19: memref<!tpu.dma_semaphore, #tpu.memory_space<semaphore_mem>>, %arg20: memref<!tpu.dma_semaphore, #tpu.memory_space<semaphore_mem>>) attributes {dimension_semantics = [#tpu.dimension_semantics<core_parallel>, #tpu.dimension_semantics<subcore_parallel>], iteration_bounds = array<i64: 2, 16>, scalar_prefetch = 0 : i64, scratch_operands = 15 : i64, tpu.core_type = #tpu.core_type<sc_vector_subcore>, window_params = [{transform_indices = #map}, {transform_indices = #map1}, {transform_indices = #map1}, {transform_indices = #map2}]} {
    %mul3A = arith.constant 16 : i32
    %mul3A_0 = arith.muli %arg0, %mul3A : i32
    %add3A = arith.addi %mul3A_0, %arg1 : i32
    %mul3A_1 = arith.constant 10000 : i32
    %mul3A_2 = arith.muli %add3A, %mul3A_1 : i32
    %broadcast_in_dim3A = arith.constant 0.000000e+00 : f32
    %broadcast_in_dim3A_3 = vector.broadcast %broadcast_in_dim3A : f32 to vector<16xf32>
    %scan3A = arith.constant 0 : i32
    %scan3A_4 = arith.constant 0 : i32
    %scan3A_5 = arith.constant 16 : i32
    %scan3A_6 = arith.addi %scan3A_4, %scan3A_5 : i32
    %scan3A_7 = arith.constant 1 : i32
    %scan3A_8 = scf.for %scan3A_63 = %scan3A_4 to %scan3A_6 step %scan3A_7 iter_args(%scan3A_64 = %scan3A) -> (i32)  : i32 {
      %swap3A = arith.index_cast %scan3A_63 : i32 to index
      %swap3A_65 = arith.constant 0 : index
      %swap3A_66 = tpu.vector_load %arg14[%swap3A, %swap3A_65] {strides = array<i32>} : memref<16x128xf32, #tpu.memory_space<vmem>>, vector<1x16xf32>,
      %swap3A_67 = vector.shape_cast %swap3A_66 : vector<1x16xf32> to vector<16xf32>
      %swap3A_68 = vector.shape_cast %broadcast_in_dim3A_3 : vector<16xf32> to vector<1x16xf32>
      tpu.vector_store %arg14[%swap3A, %swap3A_65], %swap3A_68 {strides = array<i32>} : memref<16x128xf32, #tpu.memory_space<vmem>>, vector<1x16xf32>,
      %swap3A_69 = arith.index_cast %scan3A_63 : i32 to index
      %swap3A_70 = arith.constant 16 : index
      %swap3A_71 = tpu.vector_load %arg14[%swap3A_69, %swap3A_70] {strides = array<i32>} : memref<16x128xf32, #tpu.memory_space<vmem>>, vector<1x16xf32>,
      %swap3A_72 = vector.shape_cast %swap3A_71 : vector<1x16xf32> to vector<16xf32>
      %swap3A_73 = vector.shape_cast %broadcast_in_dim3A_3 : vector<16xf32> to vector<1x16xf32>
      tpu.vector_store %arg14[%swap3A_69, %swap3A_70], %swap3A_73 {strides = array<i32>} : memref<16x128xf32, #tpu.memory_space<vmem>>, vector<1x16xf32>,
      %swap3A_74 = arith.index_cast %scan3A_63 : i32 to index
      %swap3A_75 = arith.constant 32 : index
      %swap3A_76 = tpu.vector_load %arg14[%swap3A_74, %swap3A_75] {strides = array<i32>} : memref<16x128xf32, #tpu.memory_space<vmem>>, vector<1x16xf32>,
      %swap3A_77 = vector.shape_cast %swap3A_76 : vector<1x16xf32> to vector<16xf32>
      %swap3A_78 = vector.shape_cast %broadcast_in_dim3A_3 : vector<16xf32> to vector<1x16xf32>
      tpu.vector_store %arg14[%swap3A_74, %swap3A_75], %swap3A_78 {strides = array<i32>} : memref<16x128xf32, #tpu.memory_space<vmem>>, vector<1x16xf32>,
      %swap3A_79 = arith.index_cast %scan3A_63 : i32 to index
      %swap3A_80 = arith.constant 48 : index
      %swap3A_81 = tpu.vector_load %arg14[%swap3A_79, %swap3A_80] {strides = array<i32>} : memref<16x128xf32, #tpu.memory_space<vmem>>, vector<1x16xf32>,
      %swap3A_82 = vector.shape_cast %swap3A_81 : vector<1x16xf32> to vector<16xf32>
      %swap3A_83 = vector.shape_cast %broadcast_in_dim3A_3 : vector<16xf32> to vector<1x16xf32>
      tpu.vector_store %arg14[%swap3A_79, %swap3A_80], %swap3A_83 {strides = array<i32>} : memref<16x128xf32, #tpu.memory_space<vmem>>, vector<1x16xf32>,
      %swap3A_84 = arith.index_cast %scan3A_63 : i32 to index
      %swap3A_85 = arith.constant 64 : index
      %swap3A_86 = tpu.vector_load %arg14[%swap3A_84, %swap3A_85] {strides = array<i32>} : memref<16x128xf32, #tpu.memory_space<vmem>>, vector<1x16xf32>,
      %swap3A_87 = vector.shape_cast %swap3A_86 : vector<1x16xf32> to vector<16xf32>
      %swap3A_88 = vector.shape_cast %broadcast_in_dim3A_3 : vector<16xf32> to vector<1x16xf32>
      tpu.vector_store %arg14[%swap3A_84, %swap3A_85], %swap3A_88 {strides = array<i32>} : memref<16x128xf32, #tpu.memory_space<vmem>>, vector<1x16xf32>,
      %swap3A_89 = arith.index_cast %scan3A_63 : i32 to index
      %swap3A_90 = arith.constant 80 : index
      %swap3A_91 = tpu.vector_load %arg14[%swap3A_89, %swap3A_90] {strides = array<i32>} : memref<16x128xf32, #tpu.memory_space<vmem>>, vector<1x16xf32>,
      %swap3A_92 = vector.shape_cast %swap3A_91 : vector<1x16xf32> to vector<16xf32>
      %swap3A_93 = vector.shape_cast %broadcast_in_dim3A_3 : vector<16xf32> to vector<1x16xf32>
      tpu.vector_store %arg14[%swap3A_89, %swap3A_90], %swap3A_93 {strides = array<i32>} : memref<16x128xf32, #tpu.memory_space<vmem>>, vector<1x16xf32>,
      %swap3A_94 = arith.index_cast %scan3A_63 : i32 to index
      %swap3A_95 = arith.constant 96 : index
      %swap3A_96 = tpu.vector_load %arg14[%swap3A_94, %swap3A_95] {strides = array<i32>} : memref<16x128xf32, #tpu.memory_space<vmem>>, vector<1x16xf32>,
      %swap3A_97 = vector.shape_cast %swap3A_96 : vector<1x16xf32> to vector<16xf32>
      %swap3A_98 = vector.shape_cast %broadcast_in_dim3A_3 : vector<16xf32> to vector<1x16xf32>
      tpu.vector_store %arg14[%swap3A_94, %swap3A_95], %swap3A_98 {strides = array<i32>} : memref<16x128xf32, #tpu.memory_space<vmem>>, vector<1x16xf32>,
      %swap3A_99 = arith.index_cast %scan3A_63 : i32 to index
      %swap3A_100 = arith.constant 112 : index
      %swap3A_101 = tpu.vector_load %arg14[%swap3A_99, %swap3A_100] {strides = array<i32>} : memref<16x128xf32, #tpu.memory_space<vmem>>, vector<1x16xf32>,
      %swap3A_102 = vector.shape_cast %swap3A_101 : vector<1x16xf32> to vector<16xf32>
      %swap3A_103 = vector.shape_cast %broadcast_in_dim3A_3 : vector<16xf32> to vector<1x16xf32>
      tpu.vector_store %arg14[%swap3A_99, %swap3A_100], %swap3A_103 {strides = array<i32>} : memref<16x128xf32, #tpu.memory_space<vmem>>, vector<1x16xf32>,
      %scan3A_104 = arith.constant 0 : i32
      scf.yield %scan3A_104 : i32
    }
    %scan3A_9 = arith.constant 16 : i32
    "tpu.region"() ({
      %run_scoped3A = tpu.sem_alloc : memref<!tpu.dma_semaphore, #tpu.memory_space<semaphore_mem>>
      %dma_start3A_63 = tpu.memref_slice %arg3[%mul3A_2] : memref<320000xi32, #tpu.memory_space<hbm>> -> memref<10000xi32, #tpu.memory_space<hbm>>
      %dma_start3A_64 = tpu.memref_slice %arg3[%mul3A_2] : memref<320000xi32, #tpu.memory_space<hbm>> -> memref<10000xi32, #tpu.memory_space<hbm>>
      tpu.enqueue_dma source(%dma_start3A_64 : memref<10000xi32, #tpu.memory_space<hbm>>) target(%arg7 : memref<10000xi32, #tpu.memory_space<vmem>>) target_semaphore(%run_scoped3A : memref<!tpu.dma_semaphore, #tpu.memory_space<semaphore_mem>>)
      %dma_wait3A_65 = tpu.memref_slice %arg3[%mul3A_2] : memref<320000xi32, #tpu.memory_space<hbm>> -> memref<10000xi32, #tpu.memory_space<hbm>>
      %dma_wait3A_66 = tpu.memref_slice %arg3[%mul3A_2] : memref<320000xi32, #tpu.memory_space<hbm>> -> memref<10000xi32, #tpu.memory_space<hbm>>
      tpu.wait_dma2 semaphore(%run_scoped3A : memref<!tpu.dma_semaphore, #tpu.memory_space<semaphore_mem>>) src(%dma_wait3A_66 : memref<10000xi32, #tpu.memory_space<hbm>>) dst(%arg7 : memref<10000xi32, #tpu.memory_space<vmem>>)
      tpu.yield
    }) : () -> ()
    %scan3A_10 = arith.constant 0 : i32
    %scan3A_11 = arith.constant 0 : i32
    %scan3A_12 = arith.constant 40 : i32
    %scan3A_13 = arith.addi %scan3A_11, %scan3A_12 : i32
    %scan3A_14 = arith.constant 1 : i32
    %scan3A_15 = scf.for %scan3A_63 = %scan3A_11 to %scan3A_13 step %scan3A_14 iter_args(%scan3A_64 = %scan3A_10) -> (i32)  : i32 {
      %mul3A_65 = arith.constant 640 : i32
      %mul3A_66 = arith.muli %arg1, %mul3A_65 : i32
      %mul3A_67 = arith.constant 16 : i32
      %mul3A_68 = arith.muli %scan3A_63, %mul3A_67 : i32
      %add3A_69 = arith.addi %mul3A_66, %mul3A_68 : i32
      "tpu.region"() ({
        %run_scoped3A = tpu.sem_alloc : memref<!tpu.dma_semaphore, #tpu.memory_space<semaphore_mem>>
        %dma_start3A_71 = arith.constant 0 : i32
        %dma_start3A_72 = tpu.memref_slice %arg6[%add3A_69, %dma_start3A_71] : memref<10240x128xf32, #tpu.memory_space<vmem_shared>> -> memref<16x128xf32, #tpu.memory_space<vmem_shared>>
        %dma_start3A_73 = arith.constant 0 : i32
        %dma_start3A_74 = tpu.memref_slice %arg6[%add3A_69, %dma_start3A_73] : memref<10240x128xf32, #tpu.memory_space<vmem_shared>> -> memref<16x128xf32, #tpu.memory_space<vmem_shared>>
        tpu.enqueue_dma source(%arg14 : memref<16x128xf32, #tpu.memory_space<vmem>>) target(%dma_start3A_74 : memref<16x128xf32, #tpu.memory_space<vmem_shared>>) target_semaphore(%run_scoped3A : memref<!tpu.dma_semaphore, #tpu.memory_space<semaphore_mem>>)
        %dma_wait3A_75 = arith.constant 0 : i32
        %dma_wait3A_76 = tpu.memref_slice %arg6[%add3A_69, %dma_wait3A_75] : memref<10240x128xf32, #tpu.memory_space<vmem_shared>> -> memref<16x128xf32, #tpu.memory_space<vmem_shared>>
        %dma_wait3A_77 = arith.constant 0 : i32
        %dma_wait3A_78 = tpu.memref_slice %arg6[%add3A_69, %dma_wait3A_77] : memref<10240x128xf32, #tpu.memory_space<vmem_shared>> -> memref<16x128xf32, #tpu.memory_space<vmem_shared>>
        tpu.wait_dma2 semaphore(%run_scoped3A : memref<!tpu.dma_semaphore, #tpu.memory_space<semaphore_mem>>) src(%arg14 : memref<16x128xf32, #tpu.memory_space<vmem>>) dst(%dma_wait3A_78 : memref<16x128xf32, #tpu.memory_space<vmem_shared>>)
        tpu.yield
      }) : () -> ()
      %scan3A_70 = arith.constant 0 : i32
      scf.yield %scan3A_70 : i32
    }
    %scan3A_16 = arith.constant 40 : i32
    %barrier3A = arith.constant 0 : index
    tpu.barrier barrier_id(%barrier3A)
    %add3A_17 = arith.constant 0 : i32
    %add3A_18 = arith.addi %mul3A_2, %add3A_17 : i32
    %dma_start3A = tpu.memref_slice %arg4[%add3A_18] : memref<320000xi32, #tpu.memory_space<hbm>> -> memref<80xi32, #tpu.memory_space<hbm>>
    %dma_start3A_19 = tpu.memref_slice %arg4[%add3A_18] : memref<320000xi32, #tpu.memory_space<hbm>> -> memref<80xi32, #tpu.memory_space<hbm>>
    tpu.enqueue_dma source(%dma_start3A_19 : memref<80xi32, #tpu.memory_space<hbm>>) target(%arg8 : memref<80xi32, #tpu.memory_space<vmem>>) target_semaphore(%arg18 : memref<!tpu.dma_semaphore, #tpu.memory_space<semaphore_mem>>)
    %dma_start3A_20 = arith.constant 0 : i32
    %dma_start3A_21 = tpu.memref_slice %arg7[%dma_start3A_20] : memref<10000xi32, #tpu.memory_space<vmem>> -> memref<80xi32, #tpu.memory_space<vmem>>
    %dma_start3A_22 = arith.constant 0 : i32
    %dma_start3A_23 = arith.constant 0 : i32
    %dma_start3A_24 = tpu.memref_slice %arg2[%dma_start3A_22, %dma_start3A_23] : memref<10240x128xf32, #tpu.memory_space<hbm>> -> memref<10240x128xf32, #tpu.memory_space<hbm>>
    tpu.enqueue_indirect_dma source(%dma_start3A_24 : memref<10240x128xf32, #tpu.memory_space<hbm>>) target(%arg11 : memref<80x128xf32, #tpu.memory_space<vmem>>) offsets(%dma_start3A_21 : memref<80xi32, #tpu.memory_space<vmem>>) semaphore(%arg15 : memref<!tpu.dma_semaphore, #tpu.memory_space<semaphore_mem>>)
    %add3A_25 = arith.constant 80 : i32
    %add3A_26 = arith.addi %mul3A_2, %add3A_25 : i32
    %dma_start3A_27 = tpu.memref_slice %arg4[%add3A_26] : memref<320000xi32, #tpu.memory_space<hbm>> -> memref<80xi32, #tpu.memory_space<hbm>>
    %dma_start3A_28 = tpu.memref_slice %arg4[%add3A_26] : memref<320000xi32, #tpu.memory_space<hbm>> -> memref<80xi32, #tpu.memory_space<hbm>>
    tpu.enqueue_dma source(%dma_start3A_28 : memref<80xi32, #tpu.memory_space<hbm>>) target(%arg9 : memref<80xi32, #tpu.memory_space<vmem>>) target_semaphore(%arg19 : memref<!tpu.dma_semaphore, #tpu.memory_space<semaphore_mem>>)
    %dma_start3A_29 = arith.constant 80 : i32
    %dma_start3A_30 = tpu.memref_slice %arg7[%dma_start3A_29] : memref<10000xi32, #tpu.memory_space<vmem>> -> memref<80xi32, #tpu.memory_space<vmem>>
    %dma_start3A_31 = arith.constant 0 : i32
    %dma_start3A_32 = arith.constant 0 : i32
    %dma_start3A_33 = tpu.memref_slice %arg2[%dma_start3A_31, %dma_start3A_32] : memref<10240x128xf32, #tpu.memory_space<hbm>> -> memref<10240x128xf32, #tpu.memory_space<hbm>>
    tpu.enqueue_indirect_dma source(%dma_start3A_33 : memref<10240x128xf32, #tpu.memory_space<hbm>>) target(%arg12 : memref<80x128xf32, #tpu.memory_space<vmem>>) offsets(%dma_start3A_30 : memref<80xi32, #tpu.memory_space<vmem>>) semaphore(%arg16 : memref<!tpu.dma_semaphore, #tpu.memory_space<semaphore_mem>>)
    %scan3A_34 = arith.constant 0 : i32
    %scan3A_35 = arith.constant 0 : i32
    %scan3A_36 = arith.constant 41 : i32
    %scan3A_37 = arith.addi %scan3A_35, %scan3A_36 : i32
    %scan3A_38 = arith.constant 1 : i32
    %scan3A_39 = scf.for %scan3A_63 = %scan3A_35 to %scan3A_37 step %scan3A_38 iter_args(%scan3A_64 = %scan3A_34) -> (i32)  : i32 {
      %mul3A_65 = arith.constant 3 : i32
      %mul3A_66 = arith.muli %mul3A_65, %scan3A_63 : i32
      %add3A_67 = arith.constant 0 : i32
      %add3A_68 = arith.addi %mul3A_66, %add3A_67 : i32
      %add3A_69 = arith.constant 2 : i32
      %add3A_70 = arith.addi %add3A_68, %add3A_69 : i32
      %mul3A_71 = arith.constant 80 : i32
      %mul3A_72 = arith.muli %add3A_70, %mul3A_71 : i32
      %add3A_73 = arith.addi %mul3A_2, %mul3A_72 : i32
      %dma_start3A_74 = tpu.memref_slice %arg4[%add3A_73] : memref<320000xi32, #tpu.memory_space<hbm>> -> memref<80xi32, #tpu.memory_space<hbm>>
      %dma_start3A_75 = tpu.memref_slice %arg4[%add3A_73] : memref<320000xi32, #tpu.memory_space<hbm>> -> memref<80xi32, #tpu.memory_space<hbm>>
      tpu.enqueue_dma source(%dma_start3A_75 : memref<80xi32, #tpu.memory_space<hbm>>) target(%arg10 : memref<80xi32, #tpu.memory_space<vmem>>) target_semaphore(%arg20 : memref<!tpu.dma_semaphore, #tpu.memory_space<semaphore_mem>>)
      %mul3A_76 = arith.constant 80 : i32
      %mul3A_77 = arith.muli %add3A_70, %mul3A_76 : i32
      %dma_start3A_78 = tpu.memref_slice %arg7[%mul3A_77] : memref<10000xi32, #tpu.memory_space<vmem>> -> memref<80xi32, #tpu.memory_space<vmem>>
      %dma_start3A_79 = arith.constant 0 : i32
      %dma_start3A_80 = arith.constant 0 : i32
      %dma_start3A_81 = tpu.memref_slice %arg2[%dma_start3A_79, %dma_start3A_80] : memref<10240x128xf32, #tpu.memory_space<hbm>> -> memref<10240x128xf32, #tpu.memory_space<hbm>>
      tpu.enqueue_indirect_dma source(%dma_start3A_81 : memref<10240x128xf32, #tpu.memory_space<hbm>>) target(%arg13 : memref<80x128xf32, #tpu.memory_space<vmem>>) offsets(%dma_start3A_78 : memref<80xi32, #tpu.memory_space<vmem>>) semaphore(%arg17 : memref<!tpu.dma_semaphore, #tpu.memory_space<semaphore_mem>>)
      %add3A_82 = arith.constant 0 : i32
      %add3A_83 = arith.addi %mul3A_66, %add3A_82 : i32
      %mul3A_84 = arith.constant 80 : i32
      %mul3A_85 = arith.muli %add3A_83, %mul3A_84 : i32
      %add3A_86 = arith.addi %mul3A_2, %mul3A_85 : i32
      %dma_wait3A_87 = tpu.memref_slice %arg4[%add3A_86] : memref<320000xi32, #tpu.memory_space<hbm>> -> memref<80xi32, #tpu.memory_space<hbm>>
      %dma_wait3A_88 = tpu.memref_slice %arg4[%add3A_86] : memref<320000xi32, #tpu.memory_space<hbm>> -> memref<80xi32, #tpu.memory_space<hbm>>
      tpu.wait_dma2 semaphore(%arg18 : memref<!tpu.dma_semaphore, #tpu.memory_space<semaphore_mem>>) src(%dma_wait3A_88 : memref<80xi32, #tpu.memory_space<hbm>>) dst(%arg8 : memref<80xi32, #tpu.memory_space<vmem>>)
      %mul3A_89 = arith.constant 80 : i32
      %mul3A_90 = arith.muli %add3A_83, %mul3A_89 : i32
      %dma_wait3A_91 = tpu.memref_slice %arg7[%mul3A_90] : memref<10000xi32, #tpu.memory_space<vmem>> -> memref<80xi32, #tpu.memory_space<vmem>>
      %dma_wait3A_92 = arith.constant 0 : i32
      %dma_wait3A_93 = arith.constant 0 : i32
      %dma_wait3A_94 = tpu.memref_slice %arg2[%dma_wait3A_92, %dma_wait3A_93] : memref<10240x128xf32, #tpu.memory_space<hbm>> -> memref<10240x128xf32, #tpu.memory_space<hbm>>
      tpu.wait_indirect_dma semaphore(%arg15 : memref<!tpu.dma_semaphore, #tpu.memory_space<semaphore_mem>>) src(%dma_wait3A_94 : memref<10240x128xf32, #tpu.memory_space<hbm>>) dst(%arg11 : memref<80x128xf32, #tpu.memory_space<vmem>>)
      "tpu.region"() ({
        %run_scoped3A = tpu.sem_alloc : memref<!tpu.dma_semaphore, #tpu.memory_space<semaphore_mem>>
        %dma_start3A_152 = arith.constant 0 : i32
        %dma_start3A_153 = arith.constant 0 : i32
        %dma_start3A_154 = tpu.memref_slice %arg6[%dma_start3A_152, %dma_start3A_153] : memref<10240x128xf32, #tpu.memory_space<vmem_shared>> -> memref<10240x128xf32, #tpu.memory_space<vmem_shared>>
        tpu.enqueue_indirect_dma source(%arg11 : memref<80x128xf32, #tpu.memory_space<vmem>>) target(%dma_start3A_154 : memref<10240x128xf32, #tpu.memory_space<vmem_shared>>) offsets(%arg8 : memref<80xi32, #tpu.memory_space<vmem>>) semaphore(%run_scoped3A : memref<!tpu.dma_semaphore, #tpu.memory_space<semaphore_mem>>) {add = true}
        %dma_wait3A_155 = arith.constant 0 : i32
        %dma_wait3A_156 = arith.constant 0 : i32
        %dma_wait3A_157 = tpu.memref_slice %arg6[%dma_wait3A_155, %dma_wait3A_156] : memref<10240x128xf32, #tpu.memory_space<vmem_shared>> -> memref<10240x128xf32, #tpu.memory_space<vmem_shared>>
        tpu.wait_indirect_dma semaphore(%run_scoped3A : memref<!tpu.dma_semaphore, #tpu.memory_space<semaphore_mem>>) src(%arg11 : memref<80x128xf32, #tpu.memory_space<vmem>>) dst(%dma_wait3A_157 : memref<10240x128xf32, #tpu.memory_space<vmem_shared>>)
        tpu.yield
      }) : () -> ()
      %add3A_95 = arith.constant 1 : i32
      %add3A_96 = arith.addi %mul3A_66, %add3A_95 : i32
      %add3A_97 = arith.constant 2 : i32
      %add3A_98 = arith.addi %add3A_96, %add3A_97 : i32
      %mul3A_99 = arith.constant 80 : i32
      %mul3A_100 = arith.muli %add3A_98, %mul3A_99 : i32
      %add3A_101 = arith.addi %mul3A_2, %mul3A_100 : i32
      %dma_start3A_102 = tpu.memref_slice %arg4[%add3A_101] : memref<320000xi32, #tpu.memory_space<hbm>> -> memref<80xi32, #tpu.memory_space<hbm>>
      %dma_start3A_103 = tpu.memref_slice %arg4[%add3A_101] : memref<320000xi32, #tpu.memory_space<hbm>> -> memref<80xi32, #tpu.memory_space<hbm>>
      tpu.enqueue_dma source(%dma_start3A_103 : memref<80xi32, #tpu.memory_space<hbm>>) target(%arg8 : memref<80xi32, #tpu.memory_space<vmem>>) target_semaphore(%arg18 : memref<!tpu.dma_semaphore, #tpu.memory_space<semaphore_mem>>)
      %mul3A_104 = arith.constant 80 : i32
      %mul3A_105 = arith.muli %add3A_98, %mul3A_104 : i32
      %dma_start3A_106 = tpu.memref_slice %arg7[%mul3A_105] : memref<10000xi32, #tpu.memory_space<vmem>> -> memref<80xi32, #tpu.memory_space<vmem>>
      %dma_start3A_107 = arith.constant 0 : i32
      %dma_start3A_108 = arith.constant 0 : i32
      %dma_start3A_109 = tpu.memref_slice %arg2[%dma_start3A_107, %dma_start3A_108] : memref<10240x128xf32, #tpu.memory_space<hbm>> -> memref<10240x128xf32, #tpu.memory_space<hbm>>
      tpu.enqueue_indirect_dma source(%dma_start3A_109 : memref<10240x128xf32, #tpu.memory_space<hbm>>) target(%arg11 : memref<80x128xf32, #tpu.memory_space<vmem>>) offsets(%dma_start3A_106 : memref<80xi32, #tpu.memory_space<vmem>>) semaphore(%arg15 : memref<!tpu.dma_semaphore, #tpu.memory_space<semaphore_mem>>)
      %add3A_110 = arith.constant 1 : i32
      %add3A_111 = arith.addi %mul3A_66, %add3A_110 : i32
      %mul3A_112 = arith.constant 80 : i32
      %mul3A_113 = arith.muli %add3A_111, %mul3A_112 : i32
      %add3A_114 = arith.addi %mul3A_2, %mul3A_113 : i32
      %dma_wait3A_115 = tpu.memref_slice %arg4[%add3A_114] : memref<320000xi32, #tpu.memory_space<hbm>> -> memref<80xi32, #tpu.memory_space<hbm>>
      %dma_wait3A_116 = tpu.memref_slice %arg4[%add3A_114] : memref<320000xi32, #tpu.memory_space<hbm>> -> memref<80xi32, #tpu.memory_space<hbm>>
      tpu.wait_dma2 semaphore(%arg19 : memref<!tpu.dma_semaphore, #tpu.memory_space<semaphore_mem>>) src(%dma_wait3A_116 : memref<80xi32, #tpu.memory_space<hbm>>) dst(%arg9 : memref<80xi32, #tpu.memory_space<vmem>>)
      %mul3A_117 = arith.constant 80 : i32
      %mul3A_118 = arith.muli %add3A_111, %mul3A_117 : i32
      %dma_wait3A_119 = tpu.memref_slice %arg7[%mul3A_118] : memref<10000xi32, #tpu.memory_space<vmem>> -> memref<80xi32, #tpu.memory_space<vmem>>
      %dma_wait3A_120 = arith.constant 0 : i32
      %dma_wait3A_121 = arith.constant 0 : i32
      %dma_wait3A_122 = tpu.memref_slice %arg2[%dma_wait3A_120, %dma_wait3A_121] : memref<10240x128xf32, #tpu.memory_space<hbm>> -> memref<10240x128xf32, #tpu.memory_space<hbm>>
      tpu.wait_indirect_dma semaphore(%arg16 : memref<!tpu.dma_semaphore, #tpu.memory_space<semaphore_mem>>) src(%dma_wait3A_122 : memref<10240x128xf32, #tpu.memory_space<hbm>>) dst(%arg12 : memref<80x128xf32, #tpu.memory_space<vmem>>)
      "tpu.region"() ({
        %run_scoped3A = tpu.sem_alloc : memref<!tpu.dma_semaphore, #tpu.memory_space<semaphore_mem>>
        %dma_start3A_152 = arith.constant 0 : i32
        %dma_start3A_153 = arith.constant 0 : i32
        %dma_start3A_154 = tpu.memref_slice %arg6[%dma_start3A_152, %dma_start3A_153] : memref<10240x128xf32, #tpu.memory_space<vmem_shared>> -> memref<10240x128xf32, #tpu.memory_space<vmem_shared>>
        tpu.enqueue_indirect_dma source(%arg12 : memref<80x128xf32, #tpu.memory_space<vmem>>) target(%dma_start3A_154 : memref<10240x128xf32, #tpu.memory_space<vmem_shared>>) offsets(%arg9 : memref<80xi32, #tpu.memory_space<vmem>>) semaphore(%run_scoped3A : memref<!tpu.dma_semaphore, #tpu.memory_space<semaphore_mem>>) {add = true}
        %dma_wait3A_155 = arith.constant 0 : i32
        %dma_wait3A_156 = arith.constant 0 : i32
        %dma_wait3A_157 = tpu.memref_slice %arg6[%dma_wait3A_155, %dma_wait3A_156] : memref<10240x128xf32, #tpu.memory_space<vmem_shared>> -> memref<10240x128xf32, #tpu.memory_space<vmem_shared>>
        tpu.wait_indirect_dma semaphore(%run_scoped3A : memref<!tpu.dma_semaphore, #tpu.memory_space<semaphore_mem>>) src(%arg12 : memref<80x128xf32, #tpu.memory_space<vmem>>) dst(%dma_wait3A_157 : memref<10240x128xf32, #tpu.memory_space<vmem_shared>>)
        tpu.yield
      }) : () -> ()
      %add3A_123 = arith.constant 2 : i32
      %add3A_124 = arith.addi %mul3A_66, %add3A_123 : i32
      %add3A_125 = arith.constant 2 : i32
      %add3A_126 = arith.addi %add3A_124, %add3A_125 : i32
      %mul3A_127 = arith.constant 80 : i32
      %mul3A_128 = arith.muli %add3A_126, %mul3A_127 : i32
      %add3A_129 = arith.addi %mul3A_2, %mul3A_128 : i32
      %dma_start3A_130 = tpu.memref_slice %arg4[%add3A_129] : memref<320000xi32, #tpu.memory_space<hbm>> -> memref<80xi32, #tpu.memory_space<hbm>>
      %dma_start3A_131 = tpu.memref_slice %arg4[%add3A_129] : memref<320000xi32, #tpu.memory_space<hbm>> -> memref<80xi32, #tpu.memory_space<hbm>>
      tpu.enqueue_dma source(%dma_start3A_131 : memref<80xi32, #tpu.memory_space<hbm>>) target(%arg9 : memref<80xi32, #tpu.memory_space<vmem>>) target_semaphore(%arg19 : memref<!tpu.dma_semaphore, #tpu.memory_space<semaphore_mem>>)
      %mul3A_132 = arith.constant 80 : i32
      %mul3A_133 = arith.muli %add3A_126, %mul3A_132 : i32
      %dma_start3A_134 = tpu.memref_slice %arg7[%mul3A_133] : memref<10000xi32, #tpu.memory_space<vmem>> -> memref<80xi32, #tpu.memory_space<vmem>>
      %dma_start3A_135 = arith.constant 0 : i32
      %dma_start3A_136 = arith.constant 0 : i32
      %dma_start3A_137 = tpu.memref_slice %arg2[%dma_start3A_135, %dma_start3A_136] : memref<10240x128xf32, #tpu.memory_space<hbm>> -> memref<10240x128xf32, #tpu.memory_space<hbm>>
      tpu.enqueue_indirect_dma source(%dma_start3A_137 : memref<10240x128xf32, #tpu.memory_space<hbm>>) target(%arg12 : memref<80x128xf32, #tpu.memory_space<vmem>>) offsets(%dma_start3A_134 : memref<80xi32, #tpu.memory_space<vmem>>) semaphore(%arg16 : memref<!tpu.dma_semaphore, #tpu.memory_space<semaphore_mem>>)
      %add3A_138 = arith.constant 2 : i32
      %add3A_139 = arith.addi %mul3A_66, %add3A_138 : i32
      %mul3A_140 = arith.constant 80 : i32
      %mul3A_141 = arith.muli %add3A_139, %mul3A_140 : i32
      %add3A_142 = arith.addi %mul3A_2, %mul3A_141 : i32
      %dma_wait3A_143 = tpu.memref_slice %arg4[%add3A_142] : memref<320000xi32, #tpu.memory_space<hbm>> -> memref<80xi32, #tpu.memory_space<hbm>>
      %dma_wait3A_144 = tpu.memref_slice %arg4[%add3A_142] : memref<320000xi32, #tpu.memory_space<hbm>> -> memref<80xi32, #tpu.memory_space<hbm>>
      tpu.wait_dma2 semaphore(%arg20 : memref<!tpu.dma_semaphore, #tpu.memory_space<semaphore_mem>>) src(%dma_wait3A_144 : memref<80xi32, #tpu.memory_space<hbm>>) dst(%arg10 : memref<80xi32, #tpu.memory_space<vmem>>)
      %mul3A_145 = arith.constant 80 : i32
      %mul3A_146 = arith.muli %add3A_139, %mul3A_145 : i32
      %dma_wait3A_147 = tpu.memref_slice %arg7[%mul3A_146] : memref<10000xi32, #tpu.memory_space<vmem>> -> memref<80xi32, #tpu.memory_space<vmem>>
      %dma_wait3A_148 = arith.constant 0 : i32
      %dma_wait3A_149 = arith.constant 0 : i32
      %dma_wait3A_150 = tpu.memref_slice %arg2[%dma_wait3A_148, %dma_wait3A_149] : memref<10240x128xf32, #tpu.memory_space<hbm>> -> memref<10240x128xf32, #tpu.memory_space<hbm>>
      tpu.wait_indirect_dma semaphore(%arg17 : memref<!tpu.dma_semaphore, #tpu.memory_space<semaphore_mem>>) src(%dma_wait3A_150 : memref<10240x128xf32, #tpu.memory_space<hbm>>) dst(%arg13 : memref<80x128xf32, #tpu.memory_space<vmem>>)
      "tpu.region"() ({
        %run_scoped3A = tpu.sem_alloc : memref<!tpu.dma_semaphore, #tpu.memory_space<semaphore_mem>>
        %dma_start3A_152 = arith.constant 0 : i32
        %dma_start3A_153 = arith.constant 0 : i32
        %dma_start3A_154 = tpu.memref_slice %arg6[%dma_start3A_152, %dma_start3A_153] : memref<10240x128xf32, #tpu.memory_space<vmem_shared>> -> memref<10240x128xf32, #tpu.memory_space<vmem_shared>>
        tpu.enqueue_indirect_dma source(%arg13 : memref<80x128xf32, #tpu.memory_space<vmem>>) target(%dma_start3A_154 : memref<10240x128xf32, #tpu.memory_space<vmem_shared>>) offsets(%arg10 : memref<80xi32, #tpu.memory_space<vmem>>) semaphore(%run_scoped3A : memref<!tpu.dma_semaphore, #tpu.memory_space<semaphore_mem>>) {add = true}
        %dma_wait3A_155 = arith.constant 0 : i32
        %dma_wait3A_156 = arith.constant 0 : i32
        %dma_wait3A_157 = tpu.memref_slice %arg6[%dma_wait3A_155, %dma_wait3A_156] : memref<10240x128xf32, #tpu.memory_space<vmem_shared>> -> memref<10240x128xf32, #tpu.memory_space<vmem_shared>>
        tpu.wait_indirect_dma semaphore(%run_scoped3A : memref<!tpu.dma_semaphore, #tpu.memory_space<semaphore_mem>>) src(%arg13 : memref<80x128xf32, #tpu.memory_space<vmem>>) dst(%dma_wait3A_157 : memref<10240x128xf32, #tpu.memory_space<vmem_shared>>)
        tpu.yield
      }) : () -> ()
      %scan3A_151 = arith.constant 0 : i32
      scf.yield %scan3A_151 : i32
    }
    %scan3A_40 = arith.constant 41 : i32
    %add3A_41 = arith.constant 9840 : i32
    %add3A_42 = arith.addi %mul3A_2, %add3A_41 : i32
    %dma_wait3A = tpu.memref_slice %arg4[%add3A_42] : memref<320000xi32, #tpu.memory_space<hbm>> -> memref<80xi32, #tpu.memory_space<hbm>>
    %dma_wait3A_43 = tpu.memref_slice %arg4[%add3A_42] : memref<320000xi32, #tpu.memory_space<hbm>> -> memref<80xi32, #tpu.memory_space<hbm>>
    tpu.wait_dma2 semaphore(%arg18 : memref<!tpu.dma_semaphore, #tpu.memory_space<semaphore_mem>>) src(%dma_wait3A_43 : memref<80xi32, #tpu.memory_space<hbm>>) dst(%arg8 : memref<80xi32, #tpu.memory_space<vmem>>)
    %dma_wait3A_44 = arith.constant 9840 : i32
    %dma_wait3A_45 = tpu.memref_slice %arg7[%dma_wait3A_44] : memref<10000xi32, #tpu.memory_space<vmem>> -> memref<80xi32, #tpu.memory_space<vmem>>
    %dma_wait3A_46 = arith.constant 0 : i32
    %dma_wait3A_47 = arith.constant 0 : i32
    %dma_wait3A_48 = tpu.memref_slice %arg2[%dma_wait3A_46, %dma_wait3A_47] : memref<10240x128xf32, #tpu.memory_space<hbm>> -> memref<10240x128xf32, #tpu.memory_space<hbm>>
    tpu.wait_indirect_dma semaphore(%arg15 : memref<!tpu.dma_semaphore, #tpu.memory_space<semaphore_mem>>) src(%dma_wait3A_48 : memref<10240x128xf32, #tpu.memory_space<hbm>>) dst(%arg11 : memref<80x128xf32, #tpu.memory_space<vmem>>)
    "tpu.region"() ({
      %run_scoped3A = tpu.sem_alloc : memref<!tpu.dma_semaphore, #tpu.memory_space<semaphore_mem>>
      %dma_start3A_63 = arith.constant 0 : i32
      %dma_start3A_64 = arith.constant 0 : i32
      %dma_start3A_65 = tpu.memref_slice %arg6[%dma_start3A_63, %dma_start3A_64] : memref<10240x128xf32, #tpu.memory_space<vmem_shared>> -> memref<10240x128xf32, #tpu.memory_space<vmem_shared>>
      tpu.enqueue_indirect_dma source(%arg11 : memref<80x128xf32, #tpu.memory_space<vmem>>) target(%dma_start3A_65 : memref<10240x128xf32, #tpu.memory_space<vmem_shared>>) offsets(%arg8 : memref<80xi32, #tpu.memory_space<vmem>>) semaphore(%run_scoped3A : memref<!tpu.dma_semaphore, #tpu.memory_space<semaphore_mem>>) {add = true}
      %dma_wait3A_66 = arith.constant 0 : i32
      %dma_wait3A_67 = arith.constant 0 : i32
      %dma_wait3A_68 = tpu.memref_slice %arg6[%dma_wait3A_66, %dma_wait3A_67] : memref<10240x128xf32, #tpu.memory_space<vmem_shared>> -> memref<10240x128xf32, #tpu.memory_space<vmem_shared>>
      tpu.wait_indirect_dma semaphore(%run_scoped3A : memref<!tpu.dma_semaphore, #tpu.memory_space<semaphore_mem>>) src(%arg11 : memref<80x128xf32, #tpu.memory_space<vmem>>) dst(%dma_wait3A_68 : memref<10240x128xf32, #tpu.memory_space<vmem_shared>>)
      tpu.yield
    }) : () -> ()
    %add3A_49 = arith.constant 9920 : i32
    %add3A_50 = arith.addi %mul3A_2, %add3A_49 : i32
    %dma_wait3A_51 = tpu.memref_slice %arg4[%add3A_50] : memref<320000xi32, #tpu.memory_space<hbm>> -> memref<80xi32, #tpu.memory_space<hbm>>
    %dma_wait3A_52 = tpu.memref_slice %arg4[%add3A_50] : memref<320000xi32, #tpu.memory_space<hbm>> -> memref<80xi32, #tpu.memory_space<hbm>>
    tpu.wait_dma2 semaphore(%arg19 : memref<!tpu.dma_semaphore, #tpu.memory_space<semaphore_mem>>) src(%dma_wait3A_52 : memref<80xi32, #tpu.memory_space<hbm>>) dst(%arg9 : memref<80xi32, #tpu.memory_space<vmem>>)
    %dma_wait3A_53 = arith.constant 9920 : i32
    %dma_wait3A_54 = tpu.memref_slice %arg7[%dma_wait3A_53] : memref<10000xi32, #tpu.memory_space<vmem>> -> memref<80xi32, #tpu.memory_space<vmem>>
    %dma_wait3A_55 = arith.constant 0 : i32
    %dma_wait3A_56 = arith.constant 0 : i32
    %dma_wait3A_57 = tpu.memref_slice %arg2[%dma_wait3A_55, %dma_wait3A_56] : memref<10240x128xf32, #tpu.memory_space<hbm>> -> memref<10240x128xf32, #tpu.memory_space<hbm>>
    tpu.wait_indirect_dma semaphore(%arg16 : memref<!tpu.dma_semaphore, #tpu.memory_space<semaphore_mem>>) src(%dma_wait3A_57 : memref<10240x128xf32, #tpu.memory_space<hbm>>) dst(%arg12 : memref<80x128xf32, #tpu.memory_space<vmem>>)
    "tpu.region"() ({
      %run_scoped3A = tpu.sem_alloc : memref<!tpu.dma_semaphore, #tpu.memory_space<semaphore_mem>>
      %dma_start3A_63 = arith.constant 0 : i32
      %dma_start3A_64 = arith.constant 0 : i32
      %dma_start3A_65 = tpu.memref_slice %arg6[%dma_start3A_63, %dma_start3A_64] : memref<10240x128xf32, #tpu.memory_space<vmem_shared>> -> memref<10240x128xf32, #tpu.memory_space<vmem_shared>>
      tpu.enqueue_indirect_dma source(%arg12 : memref<80x128xf32, #tpu.memory_space<vmem>>) target(%dma_start3A_65 : memref<10240x128xf32, #tpu.memory_space<vmem_shared>>) offsets(%arg9 : memref<80xi32, #tpu.memory_space<vmem>>) semaphore(%run_scoped3A : memref<!tpu.dma_semaphore, #tpu.memory_space<semaphore_mem>>) {add = true}
      %dma_wait3A_66 = arith.constant 0 : i32
      %dma_wait3A_67 = arith.constant 0 : i32
      %dma_wait3A_68 = tpu.memref_slice %arg6[%dma_wait3A_66, %dma_wait3A_67] : memref<10240x128xf32, #tpu.memory_space<vmem_shared>> -> memref<10240x128xf32, #tpu.memory_space<vmem_shared>>
      tpu.wait_indirect_dma semaphore(%run_scoped3A : memref<!tpu.dma_semaphore, #tpu.memory_space<semaphore_mem>>) src(%arg12 : memref<80x128xf32, #tpu.memory_space<vmem>>) dst(%dma_wait3A_68 : memref<10240x128xf32, #tpu.memory_space<vmem_shared>>)
      tpu.yield
    }) : () -> ()
    %barrier3A_58 = arith.constant 0 : index
    tpu.barrier barrier_id(%barrier3A_58)
    %mul3A_59 = arith.constant 640 : i32
    %mul3A_60 = arith.muli %arg1, %mul3A_59 : i32
    %mul3A_61 = arith.constant 640 : i32
    %mul3A_62 = arith.muli %arg1, %mul3A_61 : i32
    "tpu.region"() ({
      %run_scoped3A = tpu.sem_alloc : memref<!tpu.dma_semaphore, #tpu.memory_space<semaphore_mem>>
      %dma_start3A_63 = arith.constant 0 : i32
      %dma_start3A_64 = tpu.memref_slice %arg5[%arg0, %mul3A_62, %dma_start3A_63] : memref<2x10240x128xf32, #tpu.memory_space<hbm>> -> memref<1x640x128xf32, #tpu.memory_space<hbm>>
      %dma_start3A_65 = tpu.memref_squeeze %dma_start3A_64 : memref<1x640x128xf32, #tpu.memory_space<hbm>> -> memref<640x128xf32, #tpu.memory_space<hbm>>
      %dma_start3A_66 = arith.constant 0 : i32
      %dma_start3A_67 = tpu.memref_slice %arg6[%mul3A_60, %dma_start3A_66] : memref<10240x128xf32, #tpu.memory_space<vmem_shared>> -> memref<640x128xf32, #tpu.memory_space<vmem_shared>>
      tpu.enqueue_dma source(%dma_start3A_67 : memref<640x128xf32, #tpu.memory_space<vmem_shared>>) target(%dma_start3A_65 : memref<640x128xf32, #tpu.memory_space<hbm>>) target_semaphore(%run_scoped3A : memref<!tpu.dma_semaphore, #tpu.memory_space<semaphore_mem>>)
      %dma_wait3A_68 = arith.constant 0 : i32
      %dma_wait3A_69 = tpu.memref_slice %arg5[%arg0, %mul3A_62, %dma_wait3A_68] : memref<2x10240x128xf32, #tpu.memory_space<hbm>> -> memref<1x640x128xf32, #tpu.memory_space<hbm>>
      %dma_wait3A_70 = tpu.memref_squeeze %dma_wait3A_69 : memref<1x640x128xf32, #tpu.memory_space<hbm>> -> memref<640x128xf32, #tpu.memory_space<hbm>>
      %dma_wait3A_71 = arith.constant 0 : i32
      %dma_wait3A_72 = tpu.memref_slice %arg6[%mul3A_60, %dma_wait3A_71] : memref<10240x128xf32, #tpu.memory_space<vmem_shared>> -> memref<640x128xf32, #tpu.memory_space<vmem_shared>>
      tpu.wait_dma2 semaphore(%run_scoped3A : memref<!tpu.dma_semaphore, #tpu.memory_space<semaphore_mem>>) src(%dma_wait3A_72 : memref<640x128xf32, #tpu.memory_space<vmem_shared>>) dst(%dma_wait3A_70 : memref<640x128xf32, #tpu.memory_space<hbm>>)
      tpu.yield
    }) : () -> ()
    return
  }
}

module attributes {stable_mosaic.version = 14 : i64} {
  func.func @body(%arg0: i32, %arg1: memref<512x128xf32, #tpu.memory_space<vmem>>, %arg2: memref<1x512x128xf32, #tpu.memory_space<vmem>>, %arg3: memref<1x512x128xf32, #tpu.memory_space<vmem>>, %arg4: memref<512x1xf32, #tpu.memory_space<vmem>>, %arg5: memref<1x128xf32, #tpu.memory_space<vmem>>, %arg6: memref<128x128xf32, #tpu.memory_space<vmem>>, %arg7: memref<512x128xf32, #tpu.memory_space<vmem>>) attributes {dimension_semantics = [#tpu.dimension_semantics<arbitrary>], iteration_bounds = array<i64: 20>, scalar_prefetch = 0 : i64, scratch_operands = 0 : i64, tpu.core_type = #tpu.core_type<tc>, window_params = [{transform_indices = @transform_0, window_bounds = array<i64: 512, 128>}, {transform_indices = @transform_1, window_bounds = array<i64: 1, 512, 128>}, {transform_indices = @transform_2, window_bounds = array<i64: 1, 512, 128>}, {transform_indices = @transform_3, window_bounds = array<i64: 512, 1>}, {pipeline_mode = #tpu.pipeline_mode<synchronous>, transform_indices = @transform_4, window_bounds = array<i64: 1, 128>}, {pipeline_mode = #tpu.pipeline_mode<synchronous>, transform_indices = @transform_5, window_bounds = array<i64: 128, 128>}, {transform_indices = @transform_6, window_bounds = array<i64: 512, 128>}]} {
    %get3A = arith.constant 0 : index
    %get3A_0 = arith.constant 0 : index
    %get3A_1 = vector.load %arg4[%get3A, %get3A_0] : memref<512x1xf32, #tpu.memory_space<vmem>>, vector<512x1xf32>
    %get3A_2 = arith.constant 0 : index
    %get3A_3 = arith.constant 0 : index
    %get3A_4 = vector.load %arg1[%get3A_2, %get3A_3] : memref<512x128xf32, #tpu.memory_space<vmem>>, vector<512x128xf32>
    %get3A_5 = arith.constant 0 : index
    %get3A_6 = arith.constant 0 : index
    %get3A_7 = arith.constant 0 : index
    %get3A_8 = vector.load %arg2[%get3A_5, %get3A_6, %get3A_7] : memref<1x512x128xf32, #tpu.memory_space<vmem>>, vector<1x512x128xf32>
    %get3A_9 = vector.shape_cast %get3A_8 : vector<1x512x128xf32> to vector<512x128xf32>
    %add3A = arith.addf %get3A_4, %get3A_9 : vector<512x128xf32>
    %get3A_10 = arith.constant 0 : index
    %get3A_11 = arith.constant 0 : index
    %get3A_12 = arith.constant 0 : index
    %get3A_13 = vector.load %arg3[%get3A_10, %get3A_11, %get3A_12] : memref<1x512x128xf32, #tpu.memory_space<vmem>>, vector<1x512x128xf32>
    %get3A_14 = vector.shape_cast %get3A_13 : vector<1x512x128xf32> to vector<512x128xf32>
    %add3A_15 = arith.addf %add3A, %get3A_14 : vector<512x128xf32>
    %mul3A = vector.broadcast %get3A_1 : vector<512x1xf32> to vector<512x128xf32>
    %mul3A_16 = arith.mulf %add3A_15, %mul3A : vector<512x128xf32>
    %get3A_17 = arith.constant 0 : index
    %get3A_18 = arith.constant 0 : index
    %get3A_19 = vector.load %arg5[%get3A_17, %get3A_18] : memref<1x128xf32, #tpu.memory_space<vmem>>, vector<1x128xf32>
    %add3A_20 = vector.broadcast %get3A_19 : vector<1x128xf32> to vector<512x128xf32>
    %add3A_21 = arith.addf %mul3A_16, %add3A_20 : vector<512x128xf32>
    %max3A = arith.constant 0.000000e+00 : f32
    %max3A_22 = vector.broadcast %max3A : f32 to vector<512x128xf32>
    %max3A_23 = arith.maximumf %add3A_21, %max3A_22 : vector<512x128xf32>
    %get3A_24 = arith.constant 0 : index
    %get3A_25 = arith.constant 0 : index
    %get3A_26 = vector.load %arg6[%get3A_24, %get3A_25] : memref<128x128xf32, #tpu.memory_space<vmem>>, vector<128x128xf32>
    %dot_general3A = arith.constant dense<0.000000e+00> : vector<512x128xf32>
    %dot_general3A_27 = tpu.matmul %max3A_23, %get3A_26, %dot_general3A {dimension_numbers = #tpu.dot_dimension_numbers<[1], [0], [0], [1], [0, 0, 1, 1], [], []>, transpose_lhs_hint = false} : vector<512x128xf32>, vector<128x128xf32>, vector<512x128xf32> -> vector<512x128xf32>
    %mul3A_28 = vector.broadcast %get3A_1 : vector<512x1xf32> to vector<512x128xf32>
    %mul3A_29 = arith.mulf %dot_general3A_27, %mul3A_28 : vector<512x128xf32>
    %swap3A = arith.constant 0 : index
    %swap3A_30 = arith.constant 0 : index
    %swap3A_31 = vector.load %arg7[%swap3A, %swap3A_30] : memref<512x128xf32, #tpu.memory_space<vmem>>, vector<512x128xf32>
    tpu.vector_store %arg7[%swap3A, %swap3A_30], %mul3A_29 {strides = array<i32>} : memref<512x128xf32, #tpu.memory_space<vmem>>, vector<512x128xf32>,
    return
  }
  func.func @transform_0(%arg0: i32) -> (i32, i32) {
    %c0_i32 = arith.constant 0 : i32
    %c0_i32_0 = arith.constant 0 : i32
    return %arg0, %c0_i32 : i32, i32
  }
  func.func @transform_1(%arg0: i32) -> (i32, i32, i32) {
    %c0_i32 = arith.constant 0 : i32
    %c0_i32_0 = arith.constant 0 : i32
    %c0_i32_1 = arith.constant 0 : i32
    return %c0_i32, %arg0, %c0_i32_0 : i32, i32, i32
  }
  func.func @transform_2(%arg0: i32) -> (i32, i32, i32) {
    %c1_i32 = arith.constant 1 : i32
    %c0_i32 = arith.constant 0 : i32
    %c0_i32_0 = arith.constant 0 : i32
    return %c1_i32, %arg0, %c0_i32 : i32, i32, i32
  }
  func.func @transform_3(%arg0: i32) -> (i32, i32) {
    %c0_i32 = arith.constant 0 : i32
    %c0_i32_0 = arith.constant 0 : i32
    return %arg0, %c0_i32 : i32, i32
  }
  func.func @transform_4(%arg0: i32) -> (i32, i32) {
    %c0_i32 = arith.constant 0 : i32
    %c0_i32_0 = arith.constant 0 : i32
    %c0_i32_1 = arith.constant 0 : i32
    return %c0_i32, %c0_i32_0 : i32, i32
  }
  func.func @transform_5(%arg0: i32) -> (i32, i32) {
    %c0_i32 = arith.constant 0 : i32
    %c0_i32_0 = arith.constant 0 : i32
    %c0_i32_1 = arith.constant 0 : i32
    return %c0_i32, %c0_i32_0 : i32, i32
  }
  func.func @transform_6(%arg0: i32) -> (i32, i32) {
    %c0_i32 = arith.constant 0 : i32
    %c0_i32_0 = arith.constant 0 : i32
    return %arg0, %c0_i32 : i32, i32
  }
}

module attributes {stable_mosaic.version = 14 : i64} {
  func.func @body(%arg0: i32, %arg1: memref<512x128xf32, #tpu.memory_space<vmem>>, %arg2: memref<128x128xf32, #tpu.memory_space<vmem>>, %arg3: memref<1x512x128xf32, #tpu.memory_space<vmem>>, %arg4: memref<1x512x128xf32, #tpu.memory_space<vmem>>, %arg5: memref<512x128xf32, #tpu.memory_space<vmem>>, %arg6: memref<512x1xf32, #tpu.memory_space<vmem>>) attributes {dimension_semantics = [#tpu.dimension_semantics<arbitrary>], iteration_bounds = array<i64: 20>, scalar_prefetch = 0 : i64, scratch_operands = 0 : i64, tpu.core_type = #tpu.core_type<tc>, window_params = [{transform_indices = @transform_0, window_bounds = array<i64: 512, 128>}, {pipeline_mode = #tpu.pipeline_mode<synchronous>, transform_indices = @transform_1, window_bounds = array<i64: 128, 128>}, {transform_indices = @transform_2, window_bounds = array<i64: 1, 512, 128>}, {transform_indices = @transform_3, window_bounds = array<i64: 1, 512, 128>}, {transform_indices = @transform_4, window_bounds = array<i64: 512, 128>}, {transform_indices = @transform_5, window_bounds = array<i64: 512, 1>}]} {
    %get3A = arith.constant 0 : index
    %get3A_0 = arith.constant 0 : index
    %get3A_1 = arith.constant 0 : index
    %get3A_2 = vector.load %arg3[%get3A, %get3A_0, %get3A_1] : memref<1x512x128xf32, #tpu.memory_space<vmem>>, vector<1x512x1xf32>
    %get3A_3 = vector.shape_cast %get3A_2 : vector<1x512x1xf32> to vector<512x1xf32>
    %get3A_4 = arith.constant 0 : index
    %get3A_5 = arith.constant 0 : index
    %get3A_6 = arith.constant 0 : index
    %get3A_7 = vector.load %arg4[%get3A_4, %get3A_5, %get3A_6] : memref<1x512x128xf32, #tpu.memory_space<vmem>>, vector<1x512x1xf32>
    %get3A_8 = vector.shape_cast %get3A_7 : vector<1x512x1xf32> to vector<512x1xf32>
    %add3A = arith.addf %get3A_3, %get3A_8 : vector<512x1xf32>
    %add3A_9 = arith.constant 1.000000e+00 : f32
    %add3A_10 = vector.broadcast %add3A_9 : f32 to vector<512x1xf32>
    %add3A_11 = arith.addf %add3A, %add3A_10 : vector<512x1xf32>
    %rsqrt3A = math.rsqrt %add3A_11 : vector<512x1xf32>
    %swap3A = arith.constant 0 : index
    %swap3A_12 = arith.constant 0 : index
    %swap3A_13 = vector.load %arg6[%swap3A, %swap3A_12] : memref<512x1xf32, #tpu.memory_space<vmem>>, vector<512x1xf32>
    tpu.vector_store %arg6[%swap3A, %swap3A_12], %rsqrt3A {strides = array<i32>} : memref<512x1xf32, #tpu.memory_space<vmem>>, vector<512x1xf32>,
    %get3A_14 = arith.constant 0 : index
    %get3A_15 = arith.constant 0 : index
    %get3A_16 = vector.load %arg1[%get3A_14, %get3A_15] : memref<512x128xf32, #tpu.memory_space<vmem>>, vector<512x128xf32>
    %get3A_17 = arith.constant 0 : index
    %get3A_18 = arith.constant 0 : index
    %get3A_19 = vector.load %arg2[%get3A_17, %get3A_18] : memref<128x128xf32, #tpu.memory_space<vmem>>, vector<128x128xf32>
    %dot_general3A = arith.constant dense<0.000000e+00> : vector<512x128xf32>
    %dot_general3A_20 = tpu.matmul %get3A_16, %get3A_19, %dot_general3A {dimension_numbers = #tpu.dot_dimension_numbers<[1], [0], [0], [1], [0, 0, 1, 1], [], []>, transpose_lhs_hint = false} : vector<512x128xf32>, vector<128x128xf32>, vector<512x128xf32> -> vector<512x128xf32>
    %mul3A = vector.broadcast %rsqrt3A : vector<512x1xf32> to vector<512x128xf32>
    %mul3A_21 = arith.mulf %dot_general3A_20, %mul3A : vector<512x128xf32>
    %swap3A_22 = arith.constant 0 : index
    %swap3A_23 = arith.constant 0 : index
    %swap3A_24 = vector.load %arg5[%swap3A_22, %swap3A_23] : memref<512x128xf32, #tpu.memory_space<vmem>>, vector<512x128xf32>
    tpu.vector_store %arg5[%swap3A_22, %swap3A_23], %mul3A_21 {strides = array<i32>} : memref<512x128xf32, #tpu.memory_space<vmem>>, vector<512x128xf32>,
    return
  }
  func.func @transform_0(%arg0: i32) -> (i32, i32) {
    %c0_i32 = arith.constant 0 : i32
    %c0_i32_0 = arith.constant 0 : i32
    return %arg0, %c0_i32 : i32, i32
  }
  func.func @transform_1(%arg0: i32) -> (i32, i32) {
    %c0_i32 = arith.constant 0 : i32
    %c0_i32_0 = arith.constant 0 : i32
    %c0_i32_1 = arith.constant 0 : i32
    return %c0_i32, %c0_i32_0 : i32, i32
  }
  func.func @transform_2(%arg0: i32) -> (i32, i32, i32) {
    %c0_i32 = arith.constant 0 : i32
    %c0_i32_0 = arith.constant 0 : i32
    %c0_i32_1 = arith.constant 0 : i32
    return %c0_i32, %arg0, %c0_i32_0 : i32, i32, i32
  }
  func.func @transform_3(%arg0: i32) -> (i32, i32, i32) {
    %c1_i32 = arith.constant 1 : i32
    %c0_i32 = arith.constant 0 : i32
    %c0_i32_0 = arith.constant 0 : i32
    return %c1_i32, %arg0, %c0_i32 : i32, i32, i32
  }
  func.func @transform_4(%arg0: i32) -> (i32, i32) {
    %c0_i32 = arith.constant 0 : i32
    %c0_i32_0 = arith.constant 0 : i32
    return %arg0, %c0_i32 : i32, i32
  }
  func.func @transform_5(%arg0: i32) -> (i32, i32) {
    %c0_i32 = arith.constant 0 : i32
    %c0_i32_0 = arith.constant 0 : i32
    return %arg0, %c0_i32 : i32, i32
  }
}

module attributes {stable_mosaic.version = 14 : i64} {
  func.func @body(%arg0: i32, %arg1: memref<512x128xf32, #tpu.memory_space<vmem>>, %arg2: memref<1x512x128xf32, #tpu.memory_space<vmem>>, %arg3: memref<1x512x128xf32, #tpu.memory_space<vmem>>, %arg4: memref<512x1xf32, #tpu.memory_space<vmem>>, %arg5: memref<1x128xf32, #tpu.memory_space<vmem>>, %arg6: memref<512x1xi32, #tpu.memory_space<vmem>>, %arg7: memref<128x10xf32, #tpu.memory_space<vmem>>, %arg8: memref<1x10xf32, #tpu.memory_space<vmem>>, %arg9: memref<64x10xf32, #tpu.memory_space<vmem>>, %arg10: memref<64x128xf32, #tpu.memory_space<vmem>>, %arg11: memref<64x1xf32, #tpu.memory_space<vmem>>) attributes {dimension_semantics = [#tpu.dimension_semantics<arbitrary>], iteration_bounds = array<i64: 20>, scalar_prefetch = 0 : i64, scratch_operands = 2 : i64, tpu.core_type = #tpu.core_type<tc>, window_params = [{transform_indices = @transform_0, window_bounds = array<i64: 512, 128>}, {transform_indices = @transform_1, window_bounds = array<i64: 1, 512, 128>}, {transform_indices = @transform_2, window_bounds = array<i64: 1, 512, 128>}, {transform_indices = @transform_3, window_bounds = array<i64: 512, 1>}, {pipeline_mode = #tpu.pipeline_mode<synchronous>, transform_indices = @transform_4, window_bounds = array<i64: 1, 128>}, {transform_indices = @transform_5, window_bounds = array<i64: 512, 1>}, {pipeline_mode = #tpu.pipeline_mode<synchronous>, transform_indices = @transform_6, window_bounds = array<i64: 128, 10>}, {pipeline_mode = #tpu.pipeline_mode<synchronous>, transform_indices = @transform_7, window_bounds = array<i64: 1, 10>}, {pipeline_mode = #tpu.pipeline_mode<synchronous>, transform_indices = @transform_8, window_bounds = array<i64: 64, 10>}]} {
    %get3A = arith.constant 0 : index
    %get3A_0 = arith.constant 0 : index
    %get3A_1 = vector.load %arg4[%get3A, %get3A_0] : memref<512x1xf32, #tpu.memory_space<vmem>>, vector<512x1xf32>
    %get3A_2 = arith.constant 0 : index
    %get3A_3 = arith.constant 0 : index
    %get3A_4 = vector.load %arg1[%get3A_2, %get3A_3] : memref<512x128xf32, #tpu.memory_space<vmem>>, vector<512x128xf32>
    %get3A_5 = arith.constant 0 : index
    %get3A_6 = arith.constant 0 : index
    %get3A_7 = arith.constant 0 : index
    %get3A_8 = vector.load %arg2[%get3A_5, %get3A_6, %get3A_7] : memref<1x512x128xf32, #tpu.memory_space<vmem>>, vector<1x512x128xf32>
    %get3A_9 = vector.shape_cast %get3A_8 : vector<1x512x128xf32> to vector<512x128xf32>
    %add3A = arith.addf %get3A_4, %get3A_9 : vector<512x128xf32>
    %get3A_10 = arith.constant 0 : index
    %get3A_11 = arith.constant 0 : index
    %get3A_12 = arith.constant 0 : index
    %get3A_13 = vector.load %arg3[%get3A_10, %get3A_11, %get3A_12] : memref<1x512x128xf32, #tpu.memory_space<vmem>>, vector<1x512x128xf32>
    %get3A_14 = vector.shape_cast %get3A_13 : vector<1x512x128xf32> to vector<512x128xf32>
    %add3A_15 = arith.addf %add3A, %get3A_14 : vector<512x128xf32>
    %mul3A = vector.broadcast %get3A_1 : vector<512x1xf32> to vector<512x128xf32>
    %mul3A_16 = arith.mulf %add3A_15, %mul3A : vector<512x128xf32>
    %get3A_17 = arith.constant 0 : index
    %get3A_18 = arith.constant 0 : index
    %get3A_19 = vector.load %arg5[%get3A_17, %get3A_18] : memref<1x128xf32, #tpu.memory_space<vmem>>, vector<1x128xf32>
    %add3A_20 = vector.broadcast %get3A_19 : vector<1x128xf32> to vector<512x128xf32>
    %add3A_21 = arith.addf %mul3A_16, %add3A_20 : vector<512x128xf32>
    %max3A = arith.constant 0.000000e+00 : f32
    %max3A_22 = vector.broadcast %max3A : f32 to vector<512x128xf32>
    %max3A_23 = arith.maximumf %add3A_21, %max3A_22 : vector<512x128xf32>
    %get3A_24 = arith.constant 0 : index
    %get3A_25 = arith.constant 0 : index
    %get3A_26 = vector.load %arg6[%get3A_24, %get3A_25] : memref<512x1xi32, #tpu.memory_space<vmem>>, vector<512x1xi32>
    %iota3A = tpu.iota {dimensions = array<i32: 1>} : vector<512x64xi32>
    %eq3A = vector.broadcast %get3A_26 : vector<512x1xi32> to vector<512x64xi32>
    %eq3A_27 = arith.cmpi eq, %eq3A, %iota3A : vector<512x64xi32>
    %convert_element_type3A = arith.extui %eq3A_27 : vector<512x64xi1> to vector<512x64xi32>
    %convert_element_type3A_28 = arith.sitofp %convert_element_type3A : vector<512x64xi32> to vector<512x64xf32>
    %dot_general3A = arith.constant dense<0.000000e+00> : vector<64x128xf32>
    %dot_general3A_29 = tpu.matmul %convert_element_type3A_28, %max3A_23, %dot_general3A {dimension_numbers = #tpu.dot_dimension_numbers<[0], [0], [1], [1], [0, 1, 1, 1], [], []>, transpose_lhs_hint = false} : vector<512x64xf32>, vector<512x128xf32>, vector<64x128xf32> -> vector<64x128xf32>
    %broadcast_in_dim3A = arith.constant 1.000000e+00 : f32
    %broadcast_in_dim3A_30 = vector.broadcast %broadcast_in_dim3A : f32 to vector<512x1xf32>
    %dot_general3A_31 = arith.constant dense<0.000000e+00> : vector<64x1xf32>
    %dot_general3A_32 = tpu.matmul %convert_element_type3A_28, %broadcast_in_dim3A_30, %dot_general3A_31 {dimension_numbers = #tpu.dot_dimension_numbers<[0], [0], [1], [1], [0, 1, 1, 1], [], []>, transpose_lhs_hint = false} : vector<512x64xf32>, vector<512x1xf32>, vector<64x1xf32> -> vector<64x1xf32>
    %eq3A_33 = arith.constant 0 : i32
    %eq3A_34 = arith.cmpi eq, %arg0, %eq3A_33 : i32
    %convert_element_type3A_35 = arith.extui %eq3A_34 : i1 to i32
    %cond3A = arith.constant 0 : i32
    %cond3A_36 = arith.cmpi ne, %convert_element_type3A_35, %cond3A : i32
    scf.if %cond3A_36 {
      %swap3A = arith.constant 0 : index
      %swap3A_46 = arith.constant 0 : index
      %swap3A_47 = vector.load %arg10[%swap3A, %swap3A_46] : memref<64x128xf32, #tpu.memory_space<vmem>>, vector<64x128xf32>
      tpu.vector_store %arg10[%swap3A, %swap3A_46], %dot_general3A_29 {strides = array<i32>} : memref<64x128xf32, #tpu.memory_space<vmem>>, vector<64x128xf32>,
      %swap3A_48 = arith.constant 0 : index
      %swap3A_49 = arith.constant 0 : index
      %swap3A_50 = vector.load %arg11[%swap3A_48, %swap3A_49] : memref<64x1xf32, #tpu.memory_space<vmem>>, vector<64x1xf32>
      tpu.vector_store %arg11[%swap3A_48, %swap3A_49], %dot_general3A_32 {strides = array<i32>} : memref<64x1xf32, #tpu.memory_space<vmem>>, vector<64x1xf32>,
    } else {
    }
    %gt3A = arith.constant 0 : i32
    %gt3A_37 = arith.cmpi sgt, %arg0, %gt3A : i32
    %convert_element_type3A_38 = arith.extui %gt3A_37 : i1 to i32
    %cond3A_39 = arith.constant 0 : i32
    %cond3A_40 = arith.cmpi ne, %convert_element_type3A_38, %cond3A_39 : i32
    scf.if %cond3A_40 {
      %get3A_46 = arith.constant 0 : index
      %get3A_47 = arith.constant 0 : index
      %get3A_48 = vector.load %arg10[%get3A_46, %get3A_47] : memref<64x128xf32, #tpu.memory_space<vmem>>, vector<64x128xf32>
      %add3A_49 = arith.addf %get3A_48, %dot_general3A_29 : vector<64x128xf32>
      %swap3A = arith.constant 0 : index
      %swap3A_50 = arith.constant 0 : index
      %swap3A_51 = vector.load %arg10[%swap3A, %swap3A_50] : memref<64x128xf32, #tpu.memory_space<vmem>>, vector<64x128xf32>
      tpu.vector_store %arg10[%swap3A, %swap3A_50], %add3A_49 {strides = array<i32>} : memref<64x128xf32, #tpu.memory_space<vmem>>, vector<64x128xf32>,
      %get3A_52 = arith.constant 0 : index
      %get3A_53 = arith.constant 0 : index
      %get3A_54 = vector.load %arg11[%get3A_52, %get3A_53] : memref<64x1xf32, #tpu.memory_space<vmem>>, vector<64x1xf32>
      %add3A_55 = arith.addf %get3A_54, %dot_general3A_32 : vector<64x1xf32>
      %swap3A_56 = arith.constant 0 : index
      %swap3A_57 = arith.constant 0 : index
      %swap3A_58 = vector.load %arg11[%swap3A_56, %swap3A_57] : memref<64x1xf32, #tpu.memory_space<vmem>>, vector<64x1xf32>
      tpu.vector_store %arg11[%swap3A_56, %swap3A_57], %add3A_55 {strides = array<i32>} : memref<64x1xf32, #tpu.memory_space<vmem>>, vector<64x1xf32>,
    } else {
    }
    %eq3A_41 = arith.constant 19 : i32
    %eq3A_42 = arith.cmpi eq, %arg0, %eq3A_41 : i32
    %convert_element_type3A_43 = arith.extui %eq3A_42 : i1 to i32
    %cond3A_44 = arith.constant 0 : i32
    %cond3A_45 = arith.cmpi ne, %convert_element_type3A_43, %cond3A_44 : i32
    scf.if %cond3A_45 {
      %get3A_46 = arith.constant 0 : index
      %get3A_47 = arith.constant 0 : index
      %get3A_48 = vector.load %arg10[%get3A_46, %get3A_47] : memref<64x128xf32, #tpu.memory_space<vmem>>, vector<64x128xf32>
      %get3A_49 = arith.constant 0 : index
      %get3A_50 = arith.constant 0 : index
      %get3A_51 = vector.load %arg11[%get3A_49, %get3A_50] : memref<64x1xf32, #tpu.memory_space<vmem>>, vector<64x1xf32>
      %max3A_52 = arith.constant 1.000000e+00 : f32
      %max3A_53 = vector.broadcast %max3A_52 : f32 to vector<64x1xf32>
      %max3A_54 = arith.maximumf %get3A_51, %max3A_53 : vector<64x1xf32>
      %div3A = vector.broadcast %max3A_54 : vector<64x1xf32> to vector<64x128xf32>
      %div3A_55 = arith.divf %get3A_48, %div3A : vector<64x128xf32>
      %get3A_56 = arith.constant 0 : index
      %get3A_57 = arith.constant 0 : index
      %get3A_58 = vector.load %arg7[%get3A_56, %get3A_57] : memref<128x10xf32, #tpu.memory_space<vmem>>, vector<128x10xf32>
      %dot_general3A_59 = arith.constant dense<0.000000e+00> : vector<64x10xf32>
      %dot_general3A_60 = tpu.matmul %div3A_55, %get3A_58, %dot_general3A_59 {dimension_numbers = #tpu.dot_dimension_numbers<[1], [0], [0], [1], [0, 0, 1, 1], [], []>, transpose_lhs_hint = false} : vector<64x128xf32>, vector<128x10xf32>, vector<64x10xf32> -> vector<64x10xf32>
      %get3A_61 = arith.constant 0 : index
      %get3A_62 = arith.constant 0 : index
      %get3A_63 = vector.load %arg8[%get3A_61, %get3A_62] : memref<1x10xf32, #tpu.memory_space<vmem>>, vector<1x10xf32>
      %add3A_64 = vector.broadcast %get3A_63 : vector<1x10xf32> to vector<64x10xf32>
      %add3A_65 = arith.addf %dot_general3A_60, %add3A_64 : vector<64x10xf32>
      %swap3A = arith.constant 0 : index
      %swap3A_66 = arith.constant 0 : index
      %swap3A_67 = vector.load %arg9[%swap3A, %swap3A_66] : memref<64x10xf32, #tpu.memory_space<vmem>>, vector<64x10xf32>
      tpu.vector_store %arg9[%swap3A, %swap3A_66], %add3A_65 {strides = array<i32>} : memref<64x10xf32, #tpu.memory_space<vmem>>, vector<64x10xf32>,
    } else {
    }
    return
  }
  func.func @transform_0(%arg0: i32) -> (i32, i32) {
    %c0_i32 = arith.constant 0 : i32
    %c0_i32_0 = arith.constant 0 : i32
    return %arg0, %c0_i32 : i32, i32
  }
  func.func @transform_1(%arg0: i32) -> (i32, i32, i32) {
    %c0_i32 = arith.constant 0 : i32
    %c0_i32_0 = arith.constant 0 : i32
    %c0_i32_1 = arith.constant 0 : i32
    return %c0_i32, %arg0, %c0_i32_0 : i32, i32, i32
  }
  func.func @transform_2(%arg0: i32) -> (i32, i32, i32) {
    %c1_i32 = arith.constant 1 : i32
    %c0_i32 = arith.constant 0 : i32
    %c0_i32_0 = arith.constant 0 : i32
    return %c1_i32, %arg0, %c0_i32 : i32, i32, i32
  }
  func.func @transform_3(%arg0: i32) -> (i32, i32) {
    %c0_i32 = arith.constant 0 : i32
    %c0_i32_0 = arith.constant 0 : i32
    return %arg0, %c0_i32 : i32, i32
  }
  func.func @transform_4(%arg0: i32) -> (i32, i32) {
    %c0_i32 = arith.constant 0 : i32
    %c0_i32_0 = arith.constant 0 : i32
    %c0_i32_1 = arith.constant 0 : i32
    return %c0_i32, %c0_i32_0 : i32, i32
  }
  func.func @transform_5(%arg0: i32) -> (i32, i32) {
    %c0_i32 = arith.constant 0 : i32
    %c0_i32_0 = arith.constant 0 : i32
    return %arg0, %c0_i32 : i32, i32
  }
  func.func @transform_6(%arg0: i32) -> (i32, i32) {
    %c0_i32 = arith.constant 0 : i32
    %c0_i32_0 = arith.constant 0 : i32
    %c0_i32_1 = arith.constant 0 : i32
    return %c0_i32, %c0_i32_0 : i32, i32
  }
  func.func @transform_7(%arg0: i32) -> (i32, i32) {
    %c0_i32 = arith.constant 0 : i32
    %c0_i32_0 = arith.constant 0 : i32
    %c0_i32_1 = arith.constant 0 : i32
    return %c0_i32, %c0_i32_0 : i32, i32
  }
  func.func @transform_8(%arg0: i32) -> (i32, i32) {
    %c0_i32 = arith.constant 0 : i32
    %c0_i32_0 = arith.constant 0 : i32
    %c0_i32_1 = arith.constant 0 : i32
    return %c0_i32, %c0_i32_0 : i32, i32
  }
}

</mosaic_0001>

<sc_bundles>
// kernel: kernel.11.cloned.1.call-start
scs
__scs_entry_jumppad:
0x0: {  	(pc) =	sbr.rel $0x88, $3  }
0x1: {  	(tag) =	ssettag $0x0;
	lr =	simm.s32 $0x1  }
0x2: {  	[smem:$0x3F98] =	sst lr;
	_ =	strace $0xD0000000  }
0x3: {  	_ = 	snop  }
0x4: {  	_ = 	snop  }
0x5: {  	_ = 	snop  }
0x6: {  	_ = 	snop  }
0x7: {  	_ = 	snop  }
__scs_overlays_trampoline_lowered:
0x8: {  	[smem:$0x3FA7] =	sst s0  }
0x9: {  	[smem:$0x3FA8] =	sst s1  }
0xa: {  	[smem:$0x3FA9] =	sst s2  }
0xb: {  	[smem:$0x3FAA] =	sst s3  }
0xc: {  	[smem:$0x3FAB] =	sst s4  }
0xd: {  	[smem:$0x3FAC] =	sst s5  }
0xe: {  	[smem:$0x3FAD] =	sst s6  }
0xf: {  	[smem:$0x3FAE] =	sst s7  }
0x10: {  	[smem:$0x3FAF] =	sst s8  }
0x11: {  	[smem:$0x3FB0] =	sst s9;
	s0 =	simm.s32 @!p0 $0x0  }
0x12: {  	s1 =	sld [smem:$0x3F96];
	s0 =	simm.s32 @p0 $0x1  }
0x13: {  	[smem:$0x3FB1] =	sst s0;
	s0 =	simm.s32 @!p1 $0x0  }
0x14: {  	s2 =	sld [smem:$0x3F95];
	s0 =	simm.s32 @p1 $0x1  }
0x15: {  	[smem:$0x3FB2] =	sst s0;
	s0 =	simm.s32 @!p2 $0x0  }
0x16: {  	s3 =	sld [smem:$0x3FDB];
	s0 =	simm.s32 @p2 $0x1  }
0x17: {  	s4 =	simm.s32 $0x1BF5;
	[smem:$0x3FB4] =	sst s0  }
0x18: {  	s0 =	sld [smem:$0x3F97];
	_ =	swait.ge [sflag:s4], $0x0  }
0x19: {  	s7 =	sld [smem:$0x3F98]  }
0x1a: {  	s8 =	sadd.s32 $0xFFFFE003, lr  }
0x1b: {  	s9 =	sadd.s32 $0xFFFFFEF7, lr;
	s5 =	simm.s32 $0xFFFFFFFF;
	p2 =	slt.u32 s8, $0xFFFFF086  }
0x1c: {  	p1 =	slt.u32 s9, $0xF7A;
	s5 =	simm.s32 @!p2 $0x0  }
0x1d: {  	s5 =	simm.s32 @p1 $0x1;
	p0 =	seq.s32 s7, s2  }
0x1e: {  	s7 =	smul.u32 @!p0 $0xF7A, s2;
	p2 =	seq.s32 @!p0 s5, $0x0  }
0x1f: {  	s9 =	smul.u32 $0xF7A, s1;
	s8 =	simm.s32 @!p0 $0x1BF5;
	p2 =	por !p2, p0  }
0x20: {  	[sflag:s8] =	ssyncset.s32 @!p0 $0xFFFFF086;
	s6 =	sadd.s32 @!p0 s3, s7;
	s7 =	simm.s32 @!p0 $0x108  }
0x21: {  	s3 =	sadd.s32 s3, s9;
	s6 =	sadd.s32 @!p0 $0x88, s6;
	s7 =	simm.s32 @p2 $0x1082  }
0x22: {  	[simem:s7], [sflag:s8] =	dma.local @!p0 [hbm:s6], $0xF7A  }
0x23: {  	s9 =	sor.u32 $0xD0000000, s2;
	s6 =	simm.s32 $0x108;
	_ =	swait.ge @!p0 [sflag:s8], $0x0  }
0x24: {  	s3 =	sadd.s32 $0x88, s3;
	s6 =	simm.s32 @!p1 $0x1082;
	[sflag:s4] =	ssyncset.s32 $0xFFFFF086  }
0x25: {  	[simem:s6], [sflag:s4] =	dma.local [hbm:s3], $0xF7A  }
0x26: {  	[smem:$0x3F98] =	sst s1;
	(tag) =	ssettag s2;
	_ =	strace s9  }
0x27: {  	s1 =	sld [smem:$0x3FA8]  }
0x28: {  	s2 =	sld [smem:$0x3FA9]  }
0x29: {  	s4 =	sld [smem:$0x3FAB]  }
0x2a: {  	p0 =	seq.s32 s5, $0x0;
	s5 =	sld [smem:$0x3FAC]  }
0x2b: {  	s6 =	sld [smem:$0x3FAD]  }
0x2c: {  	s7 =	sld [smem:$0x3FAE]  }
0x2d: {  	s3 =	simm.s32 $0x108;
	s8 =	sld [smem:$0x3FAF]  }
0x2e: {  	s3 =	simm.s32 @!p0 $0x1082;
	s9 =	sld [smem:$0x3FB0]  }
0x2f: {  	lr =	sadd.s32 s0, s3;
	s0 =	sld [smem:$0x3FA7]  }
0x30: {  	s3 =	sld [smem:$0x3FAA]  }
0x31: {  	[smem:$0x3FB3] =	sst s10  }
0x32: {  	s10 =	sld [smem:$0x3FB1];
	_ =	sdelay $0x3  }
0x33: {  	p0 =	seq.s32 s10, $0x1;
	s10 =	sld [smem:$0x3FB3];
	_ =	sdelay $0x3  }
0x34: {  	[smem:$0x3FB3] =	sst s10  }
0x35: {  	s10 =	sld [smem:$0x3FB2];
	_ =	sdelay $0x3  }
0x36: {  	p1 =	seq.s32 s10, $0x1;
	s10 =	sld [smem:$0x3FB3];
	_ =	sdelay $0x3  }
0x37: {  	[smem:$0x3FB3] =	sst s10  }
0x38: {  	s10 =	sld [smem:$0x3FB4]  }
0x39: {  	_ = 	snop;
	(pc) =	sbr.ind lr, $3  }
0x3a: {  	_ = 	snop  }
0x3b: {  	_ = 	snop  }
0x3c: {  	p2 =	seq.s32 s10, $0x1;
	s10 =	sld [smem:$0x3FB3]  }
0x3d: {  	_ =	shalt  }
0x3e: {  	_ =	shalt  }
0x3f: {  	_ =	shalt  }
0x40: {  	_ =	shalt  }
0x41: {  	_ =	shalt  }
0x42: {  	_ =	shalt  }
0x43: {  	_ =	shalt  }
0x44: {  	_ =	shalt  }
0x45: {  	_ =	shalt  }
0x46: {  	_ =	shalt  }
0x47: {  	_ =	shalt  }
0x48: {  	_ =	shalt  }
0x49: {  	_ =	shalt  }
0x4a: {  	_ =	shalt  }
0x4b: {  	_ =	shalt  }
0x4c: {  	_ =	shalt  }
0x4d: {  	_ =	shalt  }
0x4e: {  	_ =	shalt  }
0x4f: {  	_ =	shalt  }
0x50: {  	_ =	shalt  }
0x51: {  	_ =	shalt  }
0x52: {  	_ =	shalt  }
0x53: {  	_ =	shalt  }
0x54: {  	_ =	shalt  }
0x55: {  	_ =	shalt  }
0x56: {  	_ =	shalt  }
0x57: {  	_ =	shalt  }
0x58: {  	_ =	shalt  }
0x59: {  	_ =	shalt  }
0x5a: {  	_ =	shalt  }
0x5b: {  	_ =	shalt  }
0x5c: {  	_ =	shalt  }
0x5d: {  	_ =	shalt  }
0x5e: {  	_ =	shalt  }
0x5f: {  	_ =	shalt  }
0x60: {  	_ =	shalt  }
0x61: {  	_ =	shalt  }
0x62: {  	_ =	shalt  }
0x63: {  	_ =	shalt  }
0x64: {  	_ =	shalt  }
0x65: {  	_ =	shalt  }
0x66: {  	_ =	shalt  }
0x67: {  	_ =	shalt  }
0x68: {  	_ =	shalt  }
0x69: {  	_ =	shalt  }
0x6a: {  	_ =	shalt  }
0x6b: {  	_ =	shalt  }
0x6c: {  	_ =	shalt  }
0x6d: {  	_ =	shalt  }
0x6e: {  	_ =	shalt  }
0x6f: {  	_ =	shalt  }
0x70: {  	_ =	shalt  }
0x71: {  	_ =	shalt  }
0x72: {  	_ =	shalt  }
0x73: {  	_ =	shalt  }
0x74: {  	_ =	shalt  }
0x75: {  	_ =	shalt  }
0x76: {  	_ =	shalt  }
0x77: {  	_ =	shalt  }
0x78: {  	_ =	shalt  }
0x79: {  	_ =	shalt  }
0x7a: {  	_ =	shalt  }
0x7b: {  	_ =	shalt  }
0x7c: {  	_ =	shalt  }
0x7d: {  	_ =	shalt  }
0x7e: {  	_ =	shalt  }
0x7f: {  	_ =	shalt  }
0x80: {  	_ =	shalt  }
0x81: {  	_ =	shalt  }
0x82: {  	_ =	shalt  }
0x83: {  	_ =	shalt  }
0x84: {  	_ =	shalt  }
0x85: {  	_ =	shalt  }
0x86: {  	_ =	shalt  }
0x87: {  	_ =	shalt  }
.Lfunc_end0:
.L_simem_size_0:
called_computation.1_lowered:
.L_overlay_start_0:
0x88: {  	s2 =	sld [smem:$0x3FD9]  }
0x89: {  	s3 =	sld [smem:$0x3FFE];
	_ =	sdelay $0x1  }
0x8a: {  	s1 =	srdreg.scid  }
0x8b: {  	s0 =	sand.u32 $0x1, s1  }
0x8c: {  	s16 =	sshll.u32 s0, $0xA;
	s2 =	sadd.s32 s3, s2  }
0x8d: {  	s2 =	sadd.s32 s2, s16  }
0x8e: {  	[smem:$0x3FBF] =	sst s2  }
0x8f: {  	_ = 	snop  }
0x90: {  	(tm) =	ssettm $0x1  }
0x91: {  	s17 =	sld [smem:$0x3FFB];
	_ =	sdelay $0x3  }
0x92: {  	_ =	strace s17  }
0x93: {  	s2 =	sld [smem:$0x3FFC];
	_ =	sdelay $0x3  }
0x94: {  	_ =	strace s2  }
0x95: {  	s2 =	sld [smem:$0x3FFD];
	_ =	sdelay $0x3  }
0x96: {  	_ =	strace s2  }
0x97: {  	_ =	strace $0x8FFFFFFF  }
0x98: {  	s18 =	sld [smem:$0x3FDB];
	_ =	sdelay $0x1  }
0x99: {  	s19 =	simm.s32 $_scs_section_size  }
0x9a: {  	s4 =	simm.s32 $_size__tile_overlayer_lowered;
	s5 =	simm.s32 $_tile_overlayer_lowered  }
0x9b: {  	s22 =	simm.s32 $0x1BFF;
	s21 =	sshll.u32 s5, $0x1;
	s2 =	sadd.s32 s19, s18  }
0x9c: {  	s6 =	simm.s32 $0x0;
	s20 =	sshll.u32 s4, $0x1;
	s4 =	sadd.s32 s21, s2  }
0x9d: {  	[timem:s6], [sflag:s22] =	dma.local [hbm:s4], s20  }
0x9e: {  	_ =	swait.ge [sflag:s22], s20  }
0x9f: {  	s3 =	ssub.s32 $0x0, s20;
	[sflag:s22] =	ssyncset.done $0x0  }
0xa0: {  	[sflag:s22] =	ssyncadd.s32 s3;
	_ =	sdelay $0x1  }
0xa1: {  	s23 =	simm.s32 $0x1B8B  }
0xa2: {  	_ =	swait.ge [sflag:s23], $0x1  }
0xa3: {  	[sflag:s23] =	ssyncset.done $0x0  }
0xa4: {  	s25 =	simm.s32 $0x1B8E;
	s24 =	sld [smem:$0x3FFE];
	[sflag:s23] =	ssyncadd.s32 $0xFFFFFFFF  }
0xa5: {  	s26 =	simm.s32 $execute0_lowered;
	[smem:$0x3FD2] =	sst s25  }
0xa6: {  	s4 =	sshll.u32 s26, $0x1;
	_ =	strace $0x80000049;
	[dreg:$0x1] =	wrdreg $0xFFFFFFFF  }
0xa7: {  	s28 =	simm.s32 $_size_execute0_lowered;
	s2 =	sadd.s32 s2, s4;
	[dreg:$0x0] =	wrdreg $0x0  }
0xa8: {  	s4 =	sshll.u32 s28, $0x1;
	[dreg:$0x2] =	wrdreg s2  }
0xa9: {  	[dreg:$0x3] =	wrdreg s4  }
0xaa: {  	[dreg:$0x4] =	wrdreg $0xC0  }
0xab: {  	_ =	task [dreg:s6], $0x5FFFF  }
0xac: {  	[dreg:$0x1] =	wrdreg $0xFFFFFFFF  }
0xad: {  	[dreg:$0x0] =	wrdreg $0x60  }
0xae: {  	[dreg:$0x2] =	wrdreg s24  }
0xaf: {  	[dreg:$0x3] =	wrdreg $0x0  }
0xb0: {  	[dreg:$0x4] =	wrdreg $0x9  }
0xb1: {  	_ =	task.clear_ibuf [dreg:s6], $0x5FFFF;
	_ =	strace $0x90000049  }
0xb2: {  	s29 =	simm.s32 $0x9;
	_ =	strace $0x8000004B  }
0xb3: {  	_ =	swait.ge [sflag:s29], $0x1  }
0xb4: {  	[sflag:s29] =	ssyncadd.s32 $0xFFFFFFFF  }
0xb5: {  	_ =	strace $0x9000004B  }
0xb6: {  	_ =	sfence  }
0xb7: {  	s30 =	sld [smem:$0x0];
	_ =	sdelay $0x2  }
0xb8: {  	s31 =	sshll.u32 s1, $0xD;
	s1 =	sshrl.u32 s1, $0x2  }
0xb9: {  	s3 =	sand.u32 $0x4000, s31;
	s1 =	sadd.s32 s1, s30  }
0xba: {  	s0 =	sor.u32 s3, s0;
	s1 =	sshll.u32 s1, $0x11  }
0xbb: {  	s0 =	sor.u32 s1, s0  }
0xbc: {  	s0 =	sadd.s32 $0x8F2B, s0  }
0xbd: {  	[sflag:s0] =	ssyncadd.remote.s32 $0x1  }
0xbe: {  	_ =	sfence.sel $0xFFFF  }
0xbf: {  	[dreg:$0x0] =	wrdreg $0xFFFFFFFF;
	(pc) =	sbr.abs _section_cstart, $3  }
0xc0: {  	[dreg:$0x1] =	wrdreg $0xFFFFFFFF  }
0xc1: {  	_ =	task.clear_ibuf [dreg:s6], $0x2FFFF;
	_ =	strace $0x9FFFFFFF  }
0xc2: {  	(tm) =	ssettm $0x7FFFFFFF  }
0xc3: {  	_ =	shalt  }
tec
execute0_lowered:
.L_overlay_start_1:
0x0: {  	(tag) =	ssettag $0x1  }
0x1: {  	s0 =	srdreg.scid  }
0x2: {  	s1 =	rddreg [dreg:$0x0];
	s12 =	stileid.u32  }
0x3: {  	s2 =	rddreg [dreg:$0x1];
	s16 =	simm.s32 $0x7;
	s17 =	simm.s32 $0x1E100  }
0x4: {  	s18 =	simm.s32 $0x16780;
	s28 =	simm.s32 $0x1;
	s8 =	smul.u32 $0x14000, s12  }
0x5: {  	s29 =	simm.s32 $0x5;
	s30 =	simm.s32 $0x2;
	s10 =	smul.u32 $0x50000, s12  }
0x6: {  	s31 =	simm.s32 $0x6;
	s0 =	sand.u32 $0x1, s0;
	s21 =	smul.u32 $0x2710, s12  }
0x7: {  	s5 =	sadd.s32 $0xC200, s1;
	s3 =	sshll.u32 s0, $0x4;
	s6 =	smul.u32 $0x140000, s0  }
0x8: {  	s19 =	ssub.s32 $0x2, s0;
	s0 =	smul.u32 $0x27100, s0;
	s4 =	sor.u32 s12, s3  }
0x9: {  	s3 =	simm.s32 $0x0;
	s11 =	sshrl.u32 s19, $0x1;
	s23 =	sshrl.u32 s10, $0x2  }
0xa: {  	s10 =	simm.s32 $0x14000;
	s4 =	smul.u32 $0x2710, s4;
	[smem:$0x7FF] =	sst s3  }
0xb: {  	s6 =	sadd.s32 s8, s6;
	s20 =	ssub.s32 s19, s11;
	s8 =	sadd.s32 s23, s2  }
0xc: {  	s0 =	sadd.s32 s21, s0;
	s19 =	simm.s32 $0x50;
	s21 =	simm.s32 $0x16800  }
0xd: {  	s23 =	simm.s32 $0x19100;
	_ =	strace $0x8000004A;
	s6 =	sshrl.u32 s6, $0x3  }
0xe: {  	s24 =	sadd.s32 $0x140, s0;
	s25 =	sadd.s32 $0xA0, s0;
	s13 =	sadd.s32 $0xF0, s0  }
0xf: {  	s0 =	simm.s32 $0x0;
	s7 =	sshrl.u32 s4, $0x3;
	s4 =	sadd.s32 $0x16000, s1  }
0x10: {  	s26 =	sshrl.u32 s25, $0x3;
	s9 =	sadd.s32 s7, s1;
	s7 =	sadd.s32 s5, s7  }
0x11: {  	s1 =	sadd.s32 s6, s1;
	s6 =	smax.u32 s20, $0x1;
	[dreg:$0x4] =	wrdreg s7  }
0x12: {  	s25 =	simm.s32 $0x1B900;
	s22 =	sadd.s32 $0x2400, s9;
	[dreg:$0x7] =	wrdreg s6  }
0x13: {  	s14 =	sadd.s32 s26, s5;
	s7 =	sadd.s32 $0xA, s7;
	[dreg:$0x3] =	wrdreg s22  }
0x14: {  	s20 =	simm.s32 $0x16900;
	s1 =	sadd.s32 $0x3E000, s1;
	[dreg:$0x5] =	wrdreg s7  }
0x15: {  	s26 =	simm.s32 $0x4;
	[dreg:$0x6] =	wrdreg s1;
	s1 =	sshrl.u32 s24, $0x3  }
0x16: {  	v0 =	vimm.f32 $0.0e+00;
	s24 =	simm.s32 $0x16880;
	s12 =	sadd.s32 s1, s5;
	s1 =	simm.s32 $0x3  }
.LBB2_1:
0x17: {  	s6 =	simm.s32 $0x0;
	s9 =	simm.s32 $0x200  }
.LBB2_2:
0x18: {  	p0 =	sne.s32 s9, $0x1E00;
	[tilespmem:s6+$0x1E170] =	vst v0  }
0x19: {  	[tilespmem:s6+$0x1E100] =	vst v0  }
0x1a: {  	[tilespmem:s6+$0x1E110] =	vst v0  }
.Ltmp0:
0x1b: {  	[tilespmem:s6+$0x1E120] =	vst v0;
	(pc) =	sbr.rel @p0 .LBB2_2-.Ltmp0, $4  }
0x1c: {  	[tilespmem:s6+$0x1E130] =	vst v0  }
0x1d: {  	[tilespmem:s6+$0x1E140] =	vst v0  }
0x1e: {  	[tilespmem:s6+$0x1E150] =	vst v0  }
0x1f: {  	[tilespmem:s6+$0x1E160] =	vst v0;
	s6 =	sshra.s32 s9, $0x2;
	s9 =	sadd.s32 $0x200, s9  }
0x20: {  	[tilespmem:s6+$0x1E170] =	vst v0  }
0x21: {  	[tilespmem:s6+$0x1E100] =	vst v0  }
0x22: {  	[tilespmem:s6+$0x1E110] =	vst v0  }
0x23: {  	[tilespmem:s6+$0x1E120] =	vst v0  }
0x24: {  	[tilespmem:s6+$0x1E130] =	vst v0  }
0x25: {  	[tilespmem:s6+$0x1E140] =	vst v0  }
0x26: {  	[tilespmem:s6+$0x1E150] =	vst v0  }
0x27: {  	[tilespmem:s6+$0x1E160] =	vst v0;
	s15 =	simm.s32 $0x0;
	s7 =	rddreg [dreg:$0x3]  }
0x28: {  	[tilespmem:s10], [sflag:$0x7] =	stream.linear.gather [hbm4b:s7+s15], $0x2710, $0x38;
	[tilespmem:$0x1E900] =	vst v63  }
0x29: {  	_ =	swait.ge [sflag:s16], $0x2710  }
0x2a: {  	[sflag:s16] =	ssyncset.done $0x0  }
0x2b: {  	s22 =	sadd.s32 $0x0, s8;
	[sflag:s16] =	ssyncadd.s32 $0xFFFFD8F0  }
0x2c: {  	[spmem:s22] =	stream.linear.scatter [tilespmem:s17], [sflag:$0x7], $0x800, $0x38;
	[tilespmem:$0x1E900] =	vst v63  }
0x2d: {  	s6 =	simm.s32 $0x2000;
	_ =	swait.ge [sflag:s16], $0x800  }
.LBB2_4:
0x2e: {  	s9 =	sshra.s32 s6, $0x2;
	[sflag:s16] =	ssyncset.done $0x0;
	p0 =	sne.s32 s6, $0x4E000  }
.Ltmp1:
0x2f: {  	s9 =	sadd.s32 s9, s8;
	[sflag:s16] =	ssyncadd.s32 $0xFFFFF800;
	(pc) =	sbr.rel @p0 .LBB2_4-.Ltmp1, $3  }
0x30: {  	[spmem:s9] =	stream.linear.scatter [tilespmem:s17], [sflag:$0x7], $0x800, $0x38;
	[tilespmem:$0x1E900] =	vst v63  }
0x31: {  	s6 =	sadd.s32 $0x2000, s6;
	_ =	sdelay $0x1  }
0x32: {  	_ =	swait.ge [sflag:s16], $0x800  }
0x33: {  	[sflag:s16] =	ssyncset.done $0x0  }
0x34: {  	[sflag:s16] =	ssyncadd.s32 $0xFFFFF800  }
0x35: {  	[bflag:$0x0] =	sbarrier.arrive $0xFFFF  }
0x36: {  	s6 =	simm.s32 $0x0;
	s7 =	rddreg [dreg:$0x4]  }
0x37: {  	[tilespmem:s18], [sflag:$0x4] =	stream.linear.gather [hbm4b:s7+s6], $0x50, $0x38;
	[tilespmem:$0x1E900] =	vst v63  }
0x38: {  	_ = 	snop  }
0x39: {  	[tilespmem:s20], [sflag:$0x1] =	stream.indirect.gather [hbm4b:s4+s19], $0x80, s10, s19, $0xb8;
	[tilespmem:$0x1E900] =	vst v63  }
0x3a: {  	s22 =	rddreg [dreg:$0x5]  }
0x3b: {  	[tilespmem:s21], [sflag:$0x5] =	stream.linear.gather [hbm4b:s22+s6], $0x50, $0x38;
	[tilespmem:$0x1E900] =	vst v63  }
0x3c: {  	s9 =	simm.s32 $0x14050  }
0x3d: {  	[tilespmem:s23], [sflag:$0x2] =	stream.indirect.gather [hbm4b:s4+s19], $0x80, s9, s19, $0xb8;
	[tilespmem:$0x1E900] =	vst v63  }
0x3e: {  	_ = 	snop  }
0x3f: {  	[tilespmem:s24], [sflag:$0x6] =	stream.linear.gather [hbm4b:s14+s3], $0x50, $0x38;
	[tilespmem:$0x1E900] =	vst v63  }
0x40: {  	s10 =	simm.s32 $0x140A0  }
0x41: {  	[tilespmem:s25], [sflag:$0x3] =	stream.indirect.gather [hbm4b:s4+s19], $0x80, s10, s19, $0xb8;
	[tilespmem:$0x1E900] =	vst v63  }
0x42: {  	_ =	swait.ge [sflag:s26], $0x50  }
0x43: {  	[sflag:s26] =	ssyncset.done $0x0  }
0x44: {  	[sflag:s26] =	ssyncadd.s32 $0xFFFFFFB0  }
0x45: {  	_ =	swait.ge [sflag:s28], $0x2800  }
0x46: {  	[sflag:s28] =	ssyncset.done $0x0  }
0x47: {  	[sflag:s28] =	ssyncadd.s32 $0xFFFFD800  }
0x48: {  	[spmem:s2] =	stream.indirect.scatter.add.f32 [tilespmem:s20], [sflag:$0x7], $0x80, s18, s19, $0xb8;
	[tilespmem:$0x1E900] =	vst v63  }
0x49: {  	_ =	swait.ge [sflag:s16], $0x2800  }
0x4a: {  	s11 =	sshrl.u32 s13, $0x3;
	[sflag:s16] =	ssyncset.done $0x0  }
0x4b: {  	s6 =	sadd.s32 s5, s11;
	[sflag:s16] =	ssyncadd.s32 $0xFFFFD800  }
0x4c: {  	[tilespmem:s18], [sflag:$0x4] =	stream.linear.gather [hbm4b:s6+s3], $0x50, $0x38;
	[tilespmem:$0x1E900] =	vst v63  }
0x4d: {  	s15 =	simm.s32 $0x140F0  }
0x4e: {  	[tilespmem:s20], [sflag:$0x1] =	stream.indirect.gather [hbm4b:s4+s19], $0x80, s15, s19, $0xb8;
	[tilespmem:$0x1E900] =	vst v63  }
0x4f: {  	_ =	swait.ge [sflag:s29], $0x50  }
0x50: {  	[sflag:s29] =	ssyncset.done $0x0  }
0x51: {  	[sflag:s29] =	ssyncadd.s32 $0xFFFFFFB0  }
0x52: {  	_ =	swait.ge [sflag:s30], $0x2800  }
0x53: {  	[sflag:s30] =	ssyncset.done $0x0  }
0x54: {  	[sflag:s30] =	ssyncadd.s32 $0xFFFFD800  }
0x55: {  	[spmem:s2] =	stream.indirect.scatter.add.f32 [tilespmem:s23], [sflag:$0x7], $0x80, s21, s19, $0xb8;
	[tilespmem:$0x1E900] =	vst v63  }
0x56: {  	_ =	swait.ge [sflag:s16], $0x2800  }
0x57: {  	[sflag:s16] =	ssyncset.done $0x0  }
0x58: {  	[sflag:s16] =	ssyncadd.s32 $0xFFFFD800  }
0x59: {  	[tilespmem:s21], [sflag:$0x5] =	stream.linear.gather [hbm4b:s12+s3], $0x50, $0x38;
	[tilespmem:$0x1E900] =	vst v63  }
0x5a: {  	s22 =	simm.s32 $0x14140  }
0x5b: {  	[tilespmem:s23], [sflag:$0x2] =	stream.indirect.gather [hbm4b:s4+s19], $0x80, s22, s19, $0xb8;
	[tilespmem:$0x1E900] =	vst v63  }
0x5c: {  	_ =	swait.ge [sflag:s31], $0x50  }
0x5d: {  	[sflag:s31] =	ssyncset.done $0x0  }
0x5e: {  	[sflag:s31] =	ssyncadd.s32 $0xFFFFFFB0  }
0x5f: {  	_ =	swait.ge [sflag:s1], $0x2800  }
0x60: {  	[sflag:s1] =	ssyncset.done $0x0  }
0x61: {  	[sflag:s1] =	ssyncadd.s32 $0xFFFFD800  }
0x62: {  	[spmem:s2] =	stream.indirect.scatter.add.f32 [tilespmem:s25], [sflag:$0x7], $0x80, s24, s19, $0xb8;
	[tilespmem:$0x1E900] =	vst v63  }
0x63: {  	s9 =	sadd.s32 $0xF0, s13;
	s10 =	simm.s32 $0x3C0;
	_ =	swait.ge [sflag:s16], $0x2800  }
0x64: {  	s6 =	sadd.s32 $0x1E, s12;
	s22 =	sadd.s32 $0x1E, s14;
	[sflag:s16] =	ssyncset.done $0x0  }
.LBB2_6:
0x65: {  	s11 =	smov.u32 s10  }
0x66: {  	s15 =	sshra.s32 s10, $0x2;
	[sflag:s16] =	ssyncadd.s32 $0xFFFFD800;
	s11 =	sadd.s32 $0x3C0, s10  }
0x67: {  	[tilespmem:s24], [sflag:$0x6] =	stream.linear.gather [hbm4b:s22+s3], $0x50, $0x38;
	[tilespmem:$0x1E900] =	vst v63  }
0x68: {  	p0 =	sne.s32 s10, $0x9600;
	s7 =	sadd.s32 $0x140A0, s15  }
0x69: {  	[tilespmem:s25], [sflag:$0x3] =	stream.indirect.gather [hbm4b:s4+s19], $0x80, s7, s19, $0xb8;
	[tilespmem:$0x1E900] =	vst v63  }
0x6a: {  	_ =	swait.ge [sflag:s26], $0x50  }
0x6b: {  	[sflag:s26] =	ssyncset.done $0x0  }
0x6c: {  	[sflag:s26] =	ssyncadd.s32 $0xFFFFFFB0  }
0x6d: {  	_ =	swait.ge [sflag:s28], $0x2800  }
0x6e: {  	[sflag:s28] =	ssyncset.done $0x0  }
0x6f: {  	[sflag:s28] =	ssyncadd.s32 $0xFFFFD800  }
0x70: {  	[spmem:s2] =	stream.indirect.scatter.add.f32 [tilespmem:s20], [sflag:$0x7], $0x80, s18, s19, $0xb8;
	[tilespmem:$0x1E900] =	vst v63  }
0x71: {  	_ =	swait.ge [sflag:s16], $0x2800  }
0x72: {  	s7 =	sshrl.u32 s9, $0x3;
	[sflag:s16] =	ssyncset.done $0x0  }
0x73: {  	s7 =	sadd.s32 s5, s7;
	[sflag:s16] =	ssyncadd.s32 $0xFFFFD800  }
0x74: {  	[tilespmem:s18], [sflag:$0x4] =	stream.linear.gather [hbm4b:s7+s3], $0x50, $0x38;
	[tilespmem:$0x1E900] =	vst v63  }
0x75: {  	s7 =	sadd.s32 $0x140F0, s15  }
0x76: {  	[tilespmem:s20], [sflag:$0x1] =	stream.indirect.gather [hbm4b:s4+s19], $0x80, s7, s19, $0xb8;
	[tilespmem:$0x1E900] =	vst v63  }
0x77: {  	_ =	swait.ge [sflag:s29], $0x50  }
0x78: {  	[sflag:s29] =	ssyncset.done $0x0  }
0x79: {  	[sflag:s29] =	ssyncadd.s32 $0xFFFFFFB0  }
0x7a: {  	_ =	swait.ge [sflag:s30], $0x2800  }
0x7b: {  	[sflag:s30] =	ssyncset.done $0x0  }
0x7c: {  	[sflag:s30] =	ssyncadd.s32 $0xFFFFD800  }
0x7d: {  	[spmem:s2] =	stream.indirect.scatter.add.f32 [tilespmem:s23], [sflag:$0x7], $0x80, s21, s19, $0xb8;
	[tilespmem:$0x1E900] =	vst v63  }
0x7e: {  	_ =	swait.ge [sflag:s16], $0x2800  }
0x7f: {  	[sflag:s16] =	ssyncset.done $0x0  }
0x80: {  	[sflag:s16] =	ssyncadd.s32 $0xFFFFD800  }
0x81: {  	[tilespmem:s21], [sflag:$0x5] =	stream.linear.gather [hbm4b:s6+s3], $0x50, $0x38;
	[tilespmem:$0x1E900] =	vst v63  }
0x82: {  	s7 =	sadd.s32 $0x14140, s15  }
0x83: {  	[tilespmem:s23], [sflag:$0x2] =	stream.indirect.gather [hbm4b:s4+s19], $0x80, s7, s19, $0xb8;
	[tilespmem:$0x1E900] =	vst v63  }
0x84: {  	_ =	swait.ge [sflag:s31], $0x50  }
0x85: {  	[sflag:s31] =	ssyncset.done $0x0  }
0x86: {  	[sflag:s31] =	ssyncadd.s32 $0xFFFFFFB0  }
0x87: {  	_ =	swait.ge [sflag:s1], $0x2800  }
.Ltmp2:
0x88: {  	[sflag:s1] =	ssyncset.done $0x0;
	(pc) =	sbr.rel @p0 .LBB2_6-.Ltmp2, $4  }
0x89: {  	[sflag:s1] =	ssyncadd.s32 $0xFFFFD800  }
0x8a: {  	[spmem:s2] =	stream.indirect.scatter.add.f32 [tilespmem:s25], [sflag:$0x7], $0x80, s24, s19, $0xb8;
	[tilespmem:$0x1E900] =	vst v63  }
0x8b: {  	s22 =	sadd.s32 $0x1E, s22;
	s10 =	smov.u32 s11;
	_ =	swait.ge [sflag:s16], $0x2800  }
0x8c: {  	s9 =	sadd.s32 $0xF0, s9;
	s6 =	sadd.s32 $0x1E, s6;
	[sflag:s16] =	ssyncset.done $0x0  }
0x8d: {  	[sflag:s16] =	ssyncadd.s32 $0xFFFFD800  }
0x8e: {  	_ =	swait.ge [sflag:s26], $0x50  }
0x8f: {  	[sflag:s26] =	ssyncset.done $0x0  }
0x90: {  	[sflag:s26] =	ssyncadd.s32 $0xFFFFFFB0  }
0x91: {  	_ =	swait.ge [sflag:s28], $0x2800  }
0x92: {  	[sflag:s28] =	ssyncset.done $0x0  }
0x93: {  	[sflag:s28] =	ssyncadd.s32 $0xFFFFD800  }
0x94: {  	[spmem:s2] =	stream.indirect.scatter.add.f32 [tilespmem:s20], [sflag:$0x7], $0x80, s18, s19, $0xb8;
	[tilespmem:$0x1E900] =	vst v63  }
0x95: {  	_ =	swait.ge [sflag:s16], $0x2800  }
0x96: {  	[sflag:s16] =	ssyncset.done $0x0  }
0x97: {  	[sflag:s16] =	ssyncadd.s32 $0xFFFFD800  }
0x98: {  	_ =	swait.ge [sflag:s29], $0x50  }
0x99: {  	[sflag:s29] =	ssyncset.done $0x0  }
0x9a: {  	[sflag:s29] =	ssyncadd.s32 $0xFFFFFFB0  }
0x9b: {  	_ =	swait.ge [sflag:s30], $0x2800  }
0x9c: {  	[sflag:s30] =	ssyncset.done $0x0  }
0x9d: {  	[sflag:s30] =	ssyncadd.s32 $0xFFFFD800  }
0x9e: {  	[spmem:s2] =	stream.indirect.scatter.add.f32 [tilespmem:s23], [sflag:$0x7], $0x80, s21, s19, $0xb8;
	[tilespmem:$0x1E900] =	vst v63  }
0x9f: {  	_ =	swait.ge [sflag:s16], $0x2800  }
0xa0: {  	[sflag:s16] =	ssyncset.done $0x0  }
0xa1: {  	s6 =	stileid.u32;
	[sflag:s16] =	ssyncadd.s32 $0xFFFFD800  }
0xa2: {  	s6 =	sshll.u32 s6, $0x6;
	[bflag:$0x0] =	sbarrier.arrive $0xFFFF  }
0xa3: {  	s7 =	sshrl.u32 s8, $0x3;
	s6 =	sor.u32 $0x1C07, s6;
	s9 =	rddreg [dreg:$0x6]  }
0xa4: {  	[hbm:s9], [sflag:s6] =	dma.local [spmem:s7], $0x2800  }
0xa5: {  	_ =	swait.ge [sflag:s16], $0x2800  }
0xa6: {  	s0 =	sadd.s32 $0x1, s0;
	s22 =	rddreg [dreg:$0x7]  }
0xa7: {  	p0 =	sne.s32 s0, s22  }
.Ltmp3:
0xa8: {  	_ = 	snop;
	(pc) =	sbr.rel @p0 .LBB2_1-.Ltmp3, $3  }
0xa9: {  	_ =	sdelay $0x1  }
0xaa: {  	[sflag:s16] =	ssyncset.done $0x0  }
0xab: {  	s10 =	simm.s32 $0x14000;
	[sflag:s16] =	ssyncadd.s32 $0xFFFFD800  }
0xac: {  	_ =	sfence.sel $0x180000  }
0xad: {  	[bflag:$0x0] =	sbarrier.arrive $0xFFFF  }
0xae: {  	_ =	strace $0x9000004A  }
0xaf: {  	s0 =	stileid.u32;
	[bflag:$0x2] =	sbarrier.arrive $0xFFFF  }
0xb0: {  	p0 =	sne.s32 s0, $0x0;
	s0 =	rddreg [dreg:$0x2]  }
0xb1: {  	s0 =	sadd.s32 @!p0 $0x100000, s0  }
0xb2: {  	[sflag:s0] =	ssyncadd.tile.s32 @!p0 $0x1;
	_ =	shalt  }
.Lfunc_end2:
_tile_overlayer_lowered:
.L_overlay_start_2:
0xb3: {  	(tag) =	ssettag $0x2  }
0xb4: {  	s0 =	rddreg [dreg:$0x0];
	s2 =	stileid.u32  }
0xb5: {  	s1 =	rddreg [dreg:$0x1];
	p0 =	sne.s32 s2, $0x0  }
0xb6: {  	s3 =	rddreg [dreg:$0x2];
	[bflag:$0x3] =	sbarrier.arrive $0xFFFF;
	s2 =	simm.s32 @!p0 $0x1C07  }
0xb7: {  	[timem:s3], [sflag:s2] =	dma.local @!p0 [hbm:s0], s1  }
0xb8: {  	s0 =	simm.s32 @!p0 $0x7  }
0xb9: {  	_ =	swait.ge @!p0 [sflag:s0], s1  }
0xba: {  	s1 =	ssub.s32 @!p0 $0x0, s1;
	[sflag:s0] =	ssyncset.done @!p0 $0x0  }
0xbb: {  	[sflag:s0] =	ssyncadd.s32 @!p0 s1  }
0xbc: {  	[bflag:$0x3] =	sbarrier.arrive $0xFFFF  }
0xbd: {  	_ =	shalt  }

// kernel: kernel.14.cloned.1.call-start
scs
__scs_entry_jumppad:
0x0: {  	(pc) =	sbr.rel $0x88, $3  }
0x1: {  	(tag) =	ssettag $0x0;
	lr =	simm.s32 $0x1  }
0x2: {  	[smem:$0x3F98] =	sst lr;
	_ =	strace $0xD0000000  }
0x3: {  	_ = 	snop  }
0x4: {  	_ = 	snop  }
0x5: {  	_ = 	snop  }
0x6: {  	_ = 	snop  }
0x7: {  	_ = 	snop  }
__scs_overlays_trampoline_lowered:
0x8: {  	[smem:$0x3FA7] =	sst s0  }
0x9: {  	[smem:$0x3FA8] =	sst s1  }
0xa: {  	[smem:$0x3FA9] =	sst s2  }
0xb: {  	[smem:$0x3FAA] =	sst s3  }
0xc: {  	[smem:$0x3FAB] =	sst s4  }
0xd: {  	[smem:$0x3FAC] =	sst s5  }
0xe: {  	[smem:$0x3FAD] =	sst s6  }
0xf: {  	[smem:$0x3FAE] =	sst s7  }
0x10: {  	[smem:$0x3FAF] =	sst s8  }
0x11: {  	[smem:$0x3FB0] =	sst s9;
	s0 =	simm.s32 @!p0 $0x0  }
0x12: {  	s1 =	sld [smem:$0x3F96];
	s0 =	simm.s32 @p0 $0x1  }
0x13: {  	[smem:$0x3FB1] =	sst s0;
	s0 =	simm.s32 @!p1 $0x0  }
0x14: {  	s2 =	sld [smem:$0x3F95];
	s0 =	simm.s32 @p1 $0x1  }
0x15: {  	[smem:$0x3FB2] =	sst s0;
	s0 =	simm.s32 @!p2 $0x0  }
0x16: {  	s3 =	sld [smem:$0x3FDB];
	s0 =	simm.s32 @p2 $0x1  }
0x17: {  	s4 =	simm.s32 $0x1BF5;
	[smem:$0x3FB4] =	sst s0  }
0x18: {  	s0 =	sld [smem:$0x3F97];
	_ =	swait.ge [sflag:s4], $0x0  }
0x19: {  	s7 =	sld [smem:$0x3F98]  }
0x1a: {  	s8 =	sadd.s32 $0xFFFFE003, lr  }
0x1b: {  	s9 =	sadd.s32 $0xFFFFFEF7, lr;
	s5 =	simm.s32 $0xFFFFFFFF;
	p2 =	slt.u32 s8, $0xFFFFF086  }
0x1c: {  	p1 =	slt.u32 s9, $0xF7A;
	s5 =	simm.s32 @!p2 $0x0  }
0x1d: {  	s5 =	simm.s32 @p1 $0x1;
	p0 =	seq.s32 s7, s2  }
0x1e: {  	s7 =	smul.u32 @!p0 $0xF7A, s2;
	p2 =	seq.s32 @!p0 s5, $0x0  }
0x1f: {  	s9 =	smul.u32 $0xF7A, s1;
	s8 =	simm.s32 @!p0 $0x1BF5;
	p2 =	por !p2, p0  }
0x20: {  	[sflag:s8] =	ssyncset.s32 @!p0 $0xFFFFF086;
	s6 =	sadd.s32 @!p0 s3, s7;
	s7 =	simm.s32 @!p0 $0x108  }
0x21: {  	s3 =	sadd.s32 s3, s9;
	s6 =	sadd.s32 @!p0 $0x88, s6;
	s7 =	simm.s32 @p2 $0x1082  }
0x22: {  	[simem:s7], [sflag:s8] =	dma.local @!p0 [hbm:s6], $0xF7A  }
0x23: {  	s9 =	sor.u32 $0xD0000000, s2;
	s6 =	simm.s32 $0x108;
	_ =	swait.ge @!p0 [sflag:s8], $0x0  }
0x24: {  	s3 =	sadd.s32 $0x88, s3;
	s6 =	simm.s32 @!p1 $0x1082;
	[sflag:s4] =	ssyncset.s32 $0xFFFFF086  }
0x25: {  	[simem:s6], [sflag:s4] =	dma.local [hbm:s3], $0xF7A  }
0x26: {  	[smem:$0x3F98] =	sst s1;
	(tag) =	ssettag s2;
	_ =	strace s9  }
0x27: {  	s1 =	sld [smem:$0x3FA8]  }
0x28: {  	s2 =	sld [smem:$0x3FA9]  }
0x29: {  	s4 =	sld [smem:$0x3FAB]  }
0x2a: {  	p0 =	seq.s32 s5, $0x0;
	s5 =	sld [smem:$0x3FAC]  }
0x2b: {  	s6 =	sld [smem:$0x3FAD]  }
0x2c: {  	s7 =	sld [smem:$0x3FAE]  }
0x2d: {  	s3 =	simm.s32 $0x108;
	s8 =	sld [smem:$0x3FAF]  }
0x2e: {  	s3 =	simm.s32 @!p0 $0x1082;
	s9 =	sld [smem:$0x3FB0]  }
0x2f: {  	lr =	sadd.s32 s0, s3;
	s0 =	sld [smem:$0x3FA7]  }
0x30: {  	s3 =	sld [smem:$0x3FAA]  }
0x31: {  	[smem:$0x3FB3] =	sst s10  }
0x32: {  	s10 =	sld [smem:$0x3FB1];
	_ =	sdelay $0x3  }
0x33: {  	p0 =	seq.s32 s10, $0x1;
	s10 =	sld [smem:$0x3FB3];
	_ =	sdelay $0x3  }
0x34: {  	[smem:$0x3FB3] =	sst s10  }
0x35: {  	s10 =	sld [smem:$0x3FB2];
	_ =	sdelay $0x3  }
0x36: {  	p1 =	seq.s32 s10, $0x1;
	s10 =	sld [smem:$0x3FB3];
	_ =	sdelay $0x3  }
0x37: {  	[smem:$0x3FB3] =	sst s10  }
0x38: {  	s10 =	sld [smem:$0x3FB4]  }
0x39: {  	_ = 	snop;
	(pc) =	sbr.ind lr, $3  }
0x3a: {  	_ = 	snop  }
0x3b: {  	_ = 	snop  }
0x3c: {  	p2 =	seq.s32 s10, $0x1;
	s10 =	sld [smem:$0x3FB3]  }
0x3d: {  	_ =	shalt  }
0x3e: {  	_ =	shalt  }
0x3f: {  	_ =	shalt  }
0x40: {  	_ =	shalt  }
0x41: {  	_ =	shalt  }
0x42: {  	_ =	shalt  }
0x43: {  	_ =	shalt  }
0x44: {  	_ =	shalt  }
0x45: {  	_ =	shalt  }
0x46: {  	_ =	shalt  }
0x47: {  	_ =	shalt  }
0x48: {  	_ =	shalt  }
0x49: {  	_ =	shalt  }
0x4a: {  	_ =	shalt  }
0x4b: {  	_ =	shalt  }
0x4c: {  	_ =	shalt  }
0x4d: {  	_ =	shalt  }
0x4e: {  	_ =	shalt  }
0x4f: {  	_ =	shalt  }
0x50: {  	_ =	shalt  }
0x51: {  	_ =	shalt  }
0x52: {  	_ =	shalt  }
0x53: {  	_ =	shalt  }
0x54: {  	_ =	shalt  }
0x55: {  	_ =	shalt  }
0x56: {  	_ =	shalt  }
0x57: {  	_ =	shalt  }
0x58: {  	_ =	shalt  }
0x59: {  	_ =	shalt  }
0x5a: {  	_ =	shalt  }
0x5b: {  	_ =	shalt  }
0x5c: {  	_ =	shalt  }
0x5d: {  	_ =	shalt  }
0x5e: {  	_ =	shalt  }
0x5f: {  	_ =	shalt  }
0x60: {  	_ =	shalt  }
0x61: {  	_ =	shalt  }
0x62: {  	_ =	shalt  }
0x63: {  	_ =	shalt  }
0x64: {  	_ =	shalt  }
0x65: {  	_ =	shalt  }
0x66: {  	_ =	shalt  }
0x67: {  	_ =	shalt  }
0x68: {  	_ =	shalt  }
0x69: {  	_ =	shalt  }
0x6a: {  	_ =	shalt  }
0x6b: {  	_ =	shalt  }
0x6c: {  	_ =	shalt  }
0x6d: {  	_ =	shalt  }
0x6e: {  	_ =	shalt  }
0x6f: {  	_ =	shalt  }
0x70: {  	_ =	shalt  }
0x71: {  	_ =	shalt  }
0x72: {  	_ =	shalt  }
0x73: {  	_ =	shalt  }
0x74: {  	_ =	shalt  }
0x75: {  	_ =	shalt  }
0x76: {  	_ =	shalt  }
0x77: {  	_ =	shalt  }
0x78: {  	_ =	shalt  }
0x79: {  	_ =	shalt  }
0x7a: {  	_ =	shalt  }
0x7b: {  	_ =	shalt  }
0x7c: {  	_ =	shalt  }
0x7d: {  	_ =	shalt  }
0x7e: {  	_ =	shalt  }
0x7f: {  	_ =	shalt  }
0x80: {  	_ =	shalt  }
0x81: {  	_ =	shalt  }
0x82: {  	_ =	shalt  }
0x83: {  	_ =	shalt  }
0x84: {  	_ =	shalt  }
0x85: {  	_ =	shalt  }
0x86: {  	_ =	shalt  }
0x87: {  	_ =	shalt  }
.Lfunc_end0:
.L_simem_size_0:
called_computation.2_lowered:
.L_overlay_start_0:
0x88: {  	s2 =	sld [smem:$0x3FD9]  }
0x89: {  	s3 =	sld [smem:$0x3FFE];
	_ =	sdelay $0x1  }
0x8a: {  	s1 =	srdreg.scid  }
0x8b: {  	s0 =	sand.u32 $0x1, s1  }
0x8c: {  	s16 =	sshll.u32 s0, $0xA;
	s2 =	sadd.s32 s3, s2  }
0x8d: {  	s2 =	sadd.s32 s2, s16  }
0x8e: {  	[smem:$0x3FBF] =	sst s2  }
0x8f: {  	_ = 	snop  }
0x90: {  	(tm) =	ssettm $0x1  }
0x91: {  	s17 =	sld [smem:$0x3FFB];
	_ =	sdelay $0x3  }
0x92: {  	_ =	strace s17  }
0x93: {  	s2 =	sld [smem:$0x3FFC];
	_ =	sdelay $0x3  }
0x94: {  	_ =	strace s2  }
0x95: {  	s2 =	sld [smem:$0x3FFD];
	_ =	sdelay $0x3  }
0x96: {  	_ =	strace s2  }
0x97: {  	_ =	strace $0x8FFFFFFF  }
0x98: {  	s18 =	sld [smem:$0x3FDB];
	_ =	sdelay $0x1  }
0x99: {  	s19 =	simm.s32 $_scs_section_size  }
0x9a: {  	s4 =	simm.s32 $_size__tile_overlayer_lowered;
	s5 =	simm.s32 $_tile_overlayer_lowered  }
0x9b: {  	s22 =	simm.s32 $0x1BFF;
	s21 =	sshll.u32 s5, $0x1;
	s2 =	sadd.s32 s19, s18  }
0x9c: {  	s6 =	simm.s32 $0x0;
	s20 =	sshll.u32 s4, $0x1;
	s4 =	sadd.s32 s21, s2  }
0x9d: {  	[timem:s6], [sflag:s22] =	dma.local [hbm:s4], s20  }
0x9e: {  	_ =	swait.ge [sflag:s22], s20  }
0x9f: {  	s3 =	ssub.s32 $0x0, s20;
	[sflag:s22] =	ssyncset.done $0x0  }
0xa0: {  	[sflag:s22] =	ssyncadd.s32 s3;
	_ =	sdelay $0x1  }
0xa1: {  	s23 =	simm.s32 $0x1B8B  }
0xa2: {  	_ =	swait.ge [sflag:s23], $0x1  }
0xa3: {  	[sflag:s23] =	ssyncset.done $0x0  }
0xa4: {  	s25 =	simm.s32 $0x1B8E;
	s24 =	sld [smem:$0x3FFE];
	[sflag:s23] =	ssyncadd.s32 $0xFFFFFFFF  }
0xa5: {  	s26 =	simm.s32 $execute0_lowered;
	[smem:$0x3FD2] =	sst s25  }
0xa6: {  	s4 =	sshll.u32 s26, $0x1;
	_ =	strace $0x8000004C;
	[dreg:$0x1] =	wrdreg $0xFFFFFFFF  }
0xa7: {  	s28 =	simm.s32 $_size_execute0_lowered;
	s2 =	sadd.s32 s2, s4;
	[dreg:$0x0] =	wrdreg $0x0  }
0xa8: {  	s4 =	sshll.u32 s28, $0x1;
	[dreg:$0x2] =	wrdreg s2  }
0xa9: {  	[dreg:$0x3] =	wrdreg s4  }
0xaa: {  	[dreg:$0x4] =	wrdreg $0xC0  }
0xab: {  	_ =	task [dreg:s6], $0x5FFFF  }
0xac: {  	[dreg:$0x1] =	wrdreg $0xFFFFFFFF  }
0xad: {  	[dreg:$0x0] =	wrdreg $0x60  }
0xae: {  	[dreg:$0x2] =	wrdreg s24  }
0xaf: {  	[dreg:$0x3] =	wrdreg $0x0  }
0xb0: {  	[dreg:$0x4] =	wrdreg $0x9  }
0xb1: {  	_ =	task.clear_ibuf [dreg:s6], $0x5FFFF;
	_ =	strace $0x9000004C  }
0xb2: {  	s29 =	simm.s32 $0x9;
	_ =	strace $0x8000004E  }
0xb3: {  	_ =	swait.ge [sflag:s29], $0x1  }
0xb4: {  	[sflag:s29] =	ssyncadd.s32 $0xFFFFFFFF  }
0xb5: {  	_ =	strace $0x9000004E  }
0xb6: {  	_ =	sfence  }
0xb7: {  	s30 =	sld [smem:$0x0];
	_ =	sdelay $0x2  }
0xb8: {  	s31 =	sshll.u32 s1, $0xD;
	s1 =	sshrl.u32 s1, $0x2  }
0xb9: {  	s3 =	sand.u32 $0x4000, s31;
	s1 =	sadd.s32 s1, s30  }
0xba: {  	s0 =	sor.u32 s3, s0;
	s1 =	sshll.u32 s1, $0x11  }
0xbb: {  	s0 =	sor.u32 s1, s0  }
0xbc: {  	s0 =	sadd.s32 $0x8F2B, s0  }
0xbd: {  	[sflag:s0] =	ssyncadd.remote.s32 $0x1  }
0xbe: {  	_ =	sfence.sel $0xFFFF  }
0xbf: {  	[dreg:$0x0] =	wrdreg $0xFFFFFFFF;
	(pc) =	sbr.abs _section_cstart, $3  }
0xc0: {  	[dreg:$0x1] =	wrdreg $0xFFFFFFFF  }
0xc1: {  	_ =	task.clear_ibuf [dreg:s6], $0x2FFFF;
	_ =	strace $0x9FFFFFFF  }
0xc2: {  	(tm) =	ssettm $0x7FFFFFFF  }
0xc3: {  	_ =	shalt  }
tec
execute0_lowered:
.L_overlay_start_1:
0x0: {  	(tag) =	ssettag $0x1  }
0x1: {  	s0 =	srdreg.scid  }
0x2: {  	s1 =	rddreg [dreg:$0x0];
	s12 =	stileid.u32  }
0x3: {  	s2 =	rddreg [dreg:$0x1];
	s16 =	simm.s32 $0x7;
	s17 =	simm.s32 $0x1E100  }
0x4: {  	s18 =	simm.s32 $0x16780;
	s28 =	simm.s32 $0x1;
	s8 =	smul.u32 $0x14000, s12  }
0x5: {  	s29 =	simm.s32 $0x5;
	s30 =	simm.s32 $0x2;
	s10 =	smul.u32 $0x50000, s12  }
0x6: {  	s31 =	simm.s32 $0x6;
	s0 =	sand.u32 $0x1, s0;
	s21 =	smul.u32 $0x2710, s12  }
0x7: {  	s5 =	sadd.s32 $0xC200, s1;
	s3 =	sshll.u32 s0, $0x4;
	s6 =	smul.u32 $0x140000, s0  }
0x8: {  	s19 =	ssub.s32 $0x2, s0;
	s0 =	smul.u32 $0x27100, s0;
	s4 =	sor.u32 s12, s3  }
0x9: {  	s3 =	simm.s32 $0x0;
	s11 =	sshrl.u32 s19, $0x1;
	s23 =	sshrl.u32 s10, $0x2  }
0xa: {  	s10 =	simm.s32 $0x14000;
	s4 =	smul.u32 $0x2710, s4;
	[smem:$0x7FF] =	sst s3  }
0xb: {  	s6 =	sadd.s32 s8, s6;
	s20 =	ssub.s32 s19, s11;
	s8 =	sadd.s32 s23, s2  }
0xc: {  	s0 =	sadd.s32 s21, s0;
	s19 =	simm.s32 $0x50;
	s21 =	simm.s32 $0x16800  }
0xd: {  	s23 =	simm.s32 $0x19100;
	_ =	strace $0x8000004D;
	s6 =	sshrl.u32 s6, $0x3  }
0xe: {  	s24 =	sadd.s32 $0x140, s0;
	s25 =	sadd.s32 $0xA0, s0;
	s13 =	sadd.s32 $0xF0, s0  }
0xf: {  	s0 =	simm.s32 $0x0;
	s7 =	sshrl.u32 s4, $0x3;
	s4 =	sadd.s32 $0x16000, s1  }
0x10: {  	s26 =	sshrl.u32 s25, $0x3;
	s9 =	sadd.s32 s7, s1;
	s7 =	sadd.s32 s5, s7  }
0x11: {  	s1 =	sadd.s32 s6, s1;
	s6 =	smax.u32 s20, $0x1;
	[dreg:$0x4] =	wrdreg s7  }
0x12: {  	s25 =	simm.s32 $0x1B900;
	s22 =	sadd.s32 $0x2400, s9;
	[dreg:$0x7] =	wrdreg s6  }
0x13: {  	s14 =	sadd.s32 s26, s5;
	s7 =	sadd.s32 $0xA, s7;
	[dreg:$0x3] =	wrdreg s22  }
0x14: {  	s20 =	simm.s32 $0x16900;
	s1 =	sadd.s32 $0x3E000, s1;
	[dreg:$0x5] =	wrdreg s7  }
0x15: {  	s26 =	simm.s32 $0x4;
	[dreg:$0x6] =	wrdreg s1;
	s1 =	sshrl.u32 s24, $0x3  }
0x16: {  	v0 =	vimm.f32 $0.0e+00;
	s24 =	simm.s32 $0x16880;
	s12 =	sadd.s32 s1, s5;
	s1 =	simm.s32 $0x3  }
.LBB2_1:
0x17: {  	s6 =	simm.s32 $0x0;
	s9 =	simm.s32 $0x200  }
.LBB2_2:
0x18: {  	p0 =	sne.s32 s9, $0x1E00;
	[tilespmem:s6+$0x1E170] =	vst v0  }
0x19: {  	[tilespmem:s6+$0x1E100] =	vst v0  }
0x1a: {  	[tilespmem:s6+$0x1E110] =	vst v0  }
.Ltmp0:
0x1b: {  	[tilespmem:s6+$0x1E120] =	vst v0;
	(pc) =	sbr.rel @p0 .LBB2_2-.Ltmp0, $4  }
0x1c: {  	[tilespmem:s6+$0x1E130] =	vst v0  }
0x1d: {  	[tilespmem:s6+$0x1E140] =	vst v0  }
0x1e: {  	[tilespmem:s6+$0x1E150] =	vst v0  }
0x1f: {  	[tilespmem:s6+$0x1E160] =	vst v0;
	s6 =	sshra.s32 s9, $0x2;
	s9 =	sadd.s32 $0x200, s9  }
0x20: {  	[tilespmem:s6+$0x1E170] =	vst v0  }
0x21: {  	[tilespmem:s6+$0x1E100] =	vst v0  }
0x22: {  	[tilespmem:s6+$0x1E110] =	vst v0  }
0x23: {  	[tilespmem:s6+$0x1E120] =	vst v0  }
0x24: {  	[tilespmem:s6+$0x1E130] =	vst v0  }
0x25: {  	[tilespmem:s6+$0x1E140] =	vst v0  }
0x26: {  	[tilespmem:s6+$0x1E150] =	vst v0  }
0x27: {  	[tilespmem:s6+$0x1E160] =	vst v0;
	s15 =	simm.s32 $0x0;
	s7 =	rddreg [dreg:$0x3]  }
0x28: {  	[tilespmem:s10], [sflag:$0x7] =	stream.linear.gather [hbm4b:s7+s15], $0x2710, $0x38;
	[tilespmem:$0x1E900] =	vst v63  }
0x29: {  	_ =	swait.ge [sflag:s16], $0x2710  }
0x2a: {  	[sflag:s16] =	ssyncset.done $0x0  }
0x2b: {  	s22 =	sadd.s32 $0x0, s8;
	[sflag:s16] =	ssyncadd.s32 $0xFFFFD8F0  }
0x2c: {  	[spmem:s22] =	stream.linear.scatter [tilespmem:s17], [sflag:$0x7], $0x800, $0x38;
	[tilespmem:$0x1E900] =	vst v63  }
0x2d: {  	s6 =	simm.s32 $0x2000;
	_ =	swait.ge [sflag:s16], $0x800  }
.LBB2_4:
0x2e: {  	s9 =	sshra.s32 s6, $0x2;
	[sflag:s16] =	ssyncset.done $0x0;
	p0 =	sne.s32 s6, $0x4E000  }
.Ltmp1:
0x2f: {  	s9 =	sadd.s32 s9, s8;
	[sflag:s16] =	ssyncadd.s32 $0xFFFFF800;
	(pc) =	sbr.rel @p0 .LBB2_4-.Ltmp1, $3  }
0x30: {  	[spmem:s9] =	stream.linear.scatter [tilespmem:s17], [sflag:$0x7], $0x800, $0x38;
	[tilespmem:$0x1E900] =	vst v63  }
0x31: {  	s6 =	sadd.s32 $0x2000, s6;
	_ =	sdelay $0x1  }
0x32: {  	_ =	swait.ge [sflag:s16], $0x800  }
0x33: {  	[sflag:s16] =	ssyncset.done $0x0  }
0x34: {  	[sflag:s16] =	ssyncadd.s32 $0xFFFFF800  }
0x35: {  	[bflag:$0x0] =	sbarrier.arrive $0xFFFF  }
0x36: {  	s6 =	simm.s32 $0x0;
	s7 =	rddreg [dreg:$0x4]  }
0x37: {  	[tilespmem:s18], [sflag:$0x4] =	stream.linear.gather [hbm4b:s7+s6], $0x50, $0x38;
	[tilespmem:$0x1E900] =	vst v63  }
0x38: {  	_ = 	snop  }
0x39: {  	[tilespmem:s20], [sflag:$0x1] =	stream.indirect.gather [hbm4b:s4+s19], $0x80, s10, s19, $0xb8;
	[tilespmem:$0x1E900] =	vst v63  }
0x3a: {  	s22 =	rddreg [dreg:$0x5]  }
0x3b: {  	[tilespmem:s21], [sflag:$0x5] =	stream.linear.gather [hbm4b:s22+s6], $0x50, $0x38;
	[tilespmem:$0x1E900] =	vst v63  }
0x3c: {  	s9 =	simm.s32 $0x14050  }
0x3d: {  	[tilespmem:s23], [sflag:$0x2] =	stream.indirect.gather [hbm4b:s4+s19], $0x80, s9, s19, $0xb8;
	[tilespmem:$0x1E900] =	vst v63  }
0x3e: {  	_ = 	snop  }
0x3f: {  	[tilespmem:s24], [sflag:$0x6] =	stream.linear.gather [hbm4b:s14+s3], $0x50, $0x38;
	[tilespmem:$0x1E900] =	vst v63  }
0x40: {  	s10 =	simm.s32 $0x140A0  }
0x41: {  	[tilespmem:s25], [sflag:$0x3] =	stream.indirect.gather [hbm4b:s4+s19], $0x80, s10, s19, $0xb8;
	[tilespmem:$0x1E900] =	vst v63  }
0x42: {  	_ =	swait.ge [sflag:s26], $0x50  }
0x43: {  	[sflag:s26] =	ssyncset.done $0x0  }
0x44: {  	[sflag:s26] =	ssyncadd.s32 $0xFFFFFFB0  }
0x45: {  	_ =	swait.ge [sflag:s28], $0x2800  }
0x46: {  	[sflag:s28] =	ssyncset.done $0x0  }
0x47: {  	[sflag:s28] =	ssyncadd.s32 $0xFFFFD800  }
0x48: {  	[spmem:s2] =	stream.indirect.scatter.add.f32 [tilespmem:s20], [sflag:$0x7], $0x80, s18, s19, $0xb8;
	[tilespmem:$0x1E900] =	vst v63  }
0x49: {  	_ =	swait.ge [sflag:s16], $0x2800  }
0x4a: {  	s11 =	sshrl.u32 s13, $0x3;
	[sflag:s16] =	ssyncset.done $0x0  }
0x4b: {  	s6 =	sadd.s32 s5, s11;
	[sflag:s16] =	ssyncadd.s32 $0xFFFFD800  }
0x4c: {  	[tilespmem:s18], [sflag:$0x4] =	stream.linear.gather [hbm4b:s6+s3], $0x50, $0x38;
	[tilespmem:$0x1E900] =	vst v63  }
0x4d: {  	s15 =	simm.s32 $0x140F0  }
0x4e: {  	[tilespmem:s20], [sflag:$0x1] =	stream.indirect.gather [hbm4b:s4+s19], $0x80, s15, s19, $0xb8;
	[tilespmem:$0x1E900] =	vst v63  }
0x4f: {  	_ =	swait.ge [sflag:s29], $0x50  }
0x50: {  	[sflag:s29] =	ssyncset.done $0x0  }
0x51: {  	[sflag:s29] =	ssyncadd.s32 $0xFFFFFFB0  }
0x52: {  	_ =	swait.ge [sflag:s30], $0x2800  }
0x53: {  	[sflag:s30] =	ssyncset.done $0x0  }
0x54: {  	[sflag:s30] =	ssyncadd.s32 $0xFFFFD800  }
0x55: {  	[spmem:s2] =	stream.indirect.scatter.add.f32 [tilespmem:s23], [sflag:$0x7], $0x80, s21, s19, $0xb8;
	[tilespmem:$0x1E900] =	vst v63  }
0x56: {  	_ =	swait.ge [sflag:s16], $0x2800  }
0x57: {  	[sflag:s16] =	ssyncset.done $0x0  }
0x58: {  	[sflag:s16] =	ssyncadd.s32 $0xFFFFD800  }
0x59: {  	[tilespmem:s21], [sflag:$0x5] =	stream.linear.gather [hbm4b:s12+s3], $0x50, $0x38;
	[tilespmem:$0x1E900] =	vst v63  }
0x5a: {  	s22 =	simm.s32 $0x14140  }
0x5b: {  	[tilespmem:s23], [sflag:$0x2] =	stream.indirect.gather [hbm4b:s4+s19], $0x80, s22, s19, $0xb8;
	[tilespmem:$0x1E900] =	vst v63  }
0x5c: {  	_ =	swait.ge [sflag:s31], $0x50  }
0x5d: {  	[sflag:s31] =	ssyncset.done $0x0  }
0x5e: {  	[sflag:s31] =	ssyncadd.s32 $0xFFFFFFB0  }
0x5f: {  	_ =	swait.ge [sflag:s1], $0x2800  }
0x60: {  	[sflag:s1] =	ssyncset.done $0x0  }
0x61: {  	[sflag:s1] =	ssyncadd.s32 $0xFFFFD800  }
0x62: {  	[spmem:s2] =	stream.indirect.scatter.add.f32 [tilespmem:s25], [sflag:$0x7], $0x80, s24, s19, $0xb8;
	[tilespmem:$0x1E900] =	vst v63  }
0x63: {  	s9 =	sadd.s32 $0xF0, s13;
	s10 =	simm.s32 $0x3C0;
	_ =	swait.ge [sflag:s16], $0x2800  }
0x64: {  	s6 =	sadd.s32 $0x1E, s12;
	s22 =	sadd.s32 $0x1E, s14;
	[sflag:s16] =	ssyncset.done $0x0  }
.LBB2_6:
0x65: {  	s11 =	smov.u32 s10  }
0x66: {  	s15 =	sshra.s32 s10, $0x2;
	[sflag:s16] =	ssyncadd.s32 $0xFFFFD800;
	s11 =	sadd.s32 $0x3C0, s10  }
0x67: {  	[tilespmem:s24], [sflag:$0x6] =	stream.linear.gather [hbm4b:s22+s3], $0x50, $0x38;
	[tilespmem:$0x1E900] =	vst v63  }
0x68: {  	p0 =	sne.s32 s10, $0x9600;
	s7 =	sadd.s32 $0x140A0, s15  }
0x69: {  	[tilespmem:s25], [sflag:$0x3] =	stream.indirect.gather [hbm4b:s4+s19], $0x80, s7, s19, $0xb8;
	[tilespmem:$0x1E900] =	vst v63  }
0x6a: {  	_ =	swait.ge [sflag:s26], $0x50  }
0x6b: {  	[sflag:s26] =	ssyncset.done $0x0  }
0x6c: {  	[sflag:s26] =	ssyncadd.s32 $0xFFFFFFB0  }
0x6d: {  	_ =	swait.ge [sflag:s28], $0x2800  }
0x6e: {  	[sflag:s28] =	ssyncset.done $0x0  }
0x6f: {  	[sflag:s28] =	ssyncadd.s32 $0xFFFFD800  }
0x70: {  	[spmem:s2] =	stream.indirect.scatter.add.f32 [tilespmem:s20], [sflag:$0x7], $0x80, s18, s19, $0xb8;
	[tilespmem:$0x1E900] =	vst v63  }
0x71: {  	_ =	swait.ge [sflag:s16], $0x2800  }
0x72: {  	s7 =	sshrl.u32 s9, $0x3;
	[sflag:s16] =	ssyncset.done $0x0  }
0x73: {  	s7 =	sadd.s32 s5, s7;
	[sflag:s16] =	ssyncadd.s32 $0xFFFFD800  }
0x74: {  	[tilespmem:s18], [sflag:$0x4] =	stream.linear.gather [hbm4b:s7+s3], $0x50, $0x38;
	[tilespmem:$0x1E900] =	vst v63  }
0x75: {  	s7 =	sadd.s32 $0x140F0, s15  }
0x76: {  	[tilespmem:s20], [sflag:$0x1] =	stream.indirect.gather [hbm4b:s4+s19], $0x80, s7, s19, $0xb8;
	[tilespmem:$0x1E900] =	vst v63  }
0x77: {  	_ =	swait.ge [sflag:s29], $0x50  }
0x78: {  	[sflag:s29] =	ssyncset.done $0x0  }
0x79: {  	[sflag:s29] =	ssyncadd.s32 $0xFFFFFFB0  }
0x7a: {  	_ =	swait.ge [sflag:s30], $0x2800  }
0x7b: {  	[sflag:s30] =	ssyncset.done $0x0  }
0x7c: {  	[sflag:s30] =	ssyncadd.s32 $0xFFFFD800  }
0x7d: {  	[spmem:s2] =	stream.indirect.scatter.add.f32 [tilespmem:s23], [sflag:$0x7], $0x80, s21, s19, $0xb8;
	[tilespmem:$0x1E900] =	vst v63  }
0x7e: {  	_ =	swait.ge [sflag:s16], $0x2800  }
0x7f: {  	[sflag:s16] =	ssyncset.done $0x0  }
0x80: {  	[sflag:s16] =	ssyncadd.s32 $0xFFFFD800  }
0x81: {  	[tilespmem:s21], [sflag:$0x5] =	stream.linear.gather [hbm4b:s6+s3], $0x50, $0x38;
	[tilespmem:$0x1E900] =	vst v63  }
0x82: {  	s7 =	sadd.s32 $0x14140, s15  }
0x83: {  	[tilespmem:s23], [sflag:$0x2] =	stream.indirect.gather [hbm4b:s4+s19], $0x80, s7, s19, $0xb8;
	[tilespmem:$0x1E900] =	vst v63  }
0x84: {  	_ =	swait.ge [sflag:s31], $0x50  }
0x85: {  	[sflag:s31] =	ssyncset.done $0x0  }
0x86: {  	[sflag:s31] =	ssyncadd.s32 $0xFFFFFFB0  }
0x87: {  	_ =	swait.ge [sflag:s1], $0x2800  }
.Ltmp2:
0x88: {  	[sflag:s1] =	ssyncset.done $0x0;
	(pc) =	sbr.rel @p0 .LBB2_6-.Ltmp2, $4  }
0x89: {  	[sflag:s1] =	ssyncadd.s32 $0xFFFFD800  }
0x8a: {  	[spmem:s2] =	stream.indirect.scatter.add.f32 [tilespmem:s25], [sflag:$0x7], $0x80, s24, s19, $0xb8;
	[tilespmem:$0x1E900] =	vst v63  }
0x8b: {  	s22 =	sadd.s32 $0x1E, s22;
	s10 =	smov.u32 s11;
	_ =	swait.ge [sflag:s16], $0x2800  }
0x8c: {  	s9 =	sadd.s32 $0xF0, s9;
	s6 =	sadd.s32 $0x1E, s6;
	[sflag:s16] =	ssyncset.done $0x0  }
0x8d: {  	[sflag:s16] =	ssyncadd.s32 $0xFFFFD800  }
0x8e: {  	_ =	swait.ge [sflag:s26], $0x50  }
0x8f: {  	[sflag:s26] =	ssyncset.done $0x0  }
0x90: {  	[sflag:s26] =	ssyncadd.s32 $0xFFFFFFB0  }
0x91: {  	_ =	swait.ge [sflag:s28], $0x2800  }
0x92: {  	[sflag:s28] =	ssyncset.done $0x0  }
0x93: {  	[sflag:s28] =	ssyncadd.s32 $0xFFFFD800  }
0x94: {  	[spmem:s2] =	stream.indirect.scatter.add.f32 [tilespmem:s20], [sflag:$0x7], $0x80, s18, s19, $0xb8;
	[tilespmem:$0x1E900] =	vst v63  }
0x95: {  	_ =	swait.ge [sflag:s16], $0x2800  }
0x96: {  	[sflag:s16] =	ssyncset.done $0x0  }
0x97: {  	[sflag:s16] =	ssyncadd.s32 $0xFFFFD800  }
0x98: {  	_ =	swait.ge [sflag:s29], $0x50  }
0x99: {  	[sflag:s29] =	ssyncset.done $0x0  }
0x9a: {  	[sflag:s29] =	ssyncadd.s32 $0xFFFFFFB0  }
0x9b: {  	_ =	swait.ge [sflag:s30], $0x2800  }
0x9c: {  	[sflag:s30] =	ssyncset.done $0x0  }
0x9d: {  	[sflag:s30] =	ssyncadd.s32 $0xFFFFD800  }
0x9e: {  	[spmem:s2] =	stream.indirect.scatter.add.f32 [tilespmem:s23], [sflag:$0x7], $0x80, s21, s19, $0xb8;
	[tilespmem:$0x1E900] =	vst v63  }
0x9f: {  	_ =	swait.ge [sflag:s16], $0x2800  }
0xa0: {  	[sflag:s16] =	ssyncset.done $0x0  }
0xa1: {  	s6 =	stileid.u32;
	[sflag:s16] =	ssyncadd.s32 $0xFFFFD800  }
0xa2: {  	s6 =	sshll.u32 s6, $0x6;
	[bflag:$0x0] =	sbarrier.arrive $0xFFFF  }
0xa3: {  	s7 =	sshrl.u32 s8, $0x3;
	s6 =	sor.u32 $0x1C07, s6;
	s9 =	rddreg [dreg:$0x6]  }
0xa4: {  	[hbm:s9], [sflag:s6] =	dma.local [spmem:s7], $0x2800  }
0xa5: {  	_ =	swait.ge [sflag:s16], $0x2800  }
0xa6: {  	s0 =	sadd.s32 $0x1, s0;
	s22 =	rddreg [dreg:$0x7]  }
0xa7: {  	p0 =	sne.s32 s0, s22  }
.Ltmp3:
0xa8: {  	_ = 	snop;
	(pc) =	sbr.rel @p0 .LBB2_1-.Ltmp3, $3  }
0xa9: {  	_ =	sdelay $0x1  }
0xaa: {  	[sflag:s16] =	ssyncset.done $0x0  }
0xab: {  	s10 =	simm.s32 $0x14000;
	[sflag:s16] =	ssyncadd.s32 $0xFFFFD800  }
0xac: {  	_ =	sfence.sel $0x180000  }
0xad: {  	[bflag:$0x0] =	sbarrier.arrive $0xFFFF  }
0xae: {  	_ =	strace $0x9000004D  }
0xaf: {  	s0 =	stileid.u32;
	[bflag:$0x2] =	sbarrier.arrive $0xFFFF  }
0xb0: {  	p0 =	sne.s32 s0, $0x0;
	s0 =	rddreg [dreg:$0x2]  }
0xb1: {  	s0 =	sadd.s32 @!p0 $0x100000, s0  }
0xb2: {  	[sflag:s0] =	ssyncadd.tile.s32 @!p0 $0x1;
	_ =	shalt  }
.Lfunc_end2:
_tile_overlayer_lowered:
.L_overlay_start_2:
0xb3: {  	(tag) =	ssettag $0x2  }
0xb4: {  	s0 =	rddreg [dreg:$0x0];
	s2 =	stileid.u32  }
0xb5: {  	s1 =	rddreg [dreg:$0x1];
	p0 =	sne.s32 s2, $0x0  }
0xb6: {  	s3 =	rddreg [dreg:$0x2];
	[bflag:$0x3] =	sbarrier.arrive $0xFFFF;
	s2 =	simm.s32 @!p0 $0x1C07  }
0xb7: {  	[timem:s3], [sflag:s2] =	dma.local @!p0 [hbm:s0], s1  }
0xb8: {  	s0 =	simm.s32 @!p0 $0x7  }
0xb9: {  	_ =	swait.ge @!p0 [sflag:s0], s1  }
0xba: {  	s1 =	ssub.s32 @!p0 $0x0, s1;
	[sflag:s0] =	ssyncset.done @!p0 $0x0  }
0xbb: {  	[sflag:s0] =	ssyncadd.s32 @!p0 s1  }
0xbc: {  	[bflag:$0x3] =	sbarrier.arrive $0xFFFF  }
0xbd: {  	_ =	shalt  }

// kernel: kernel.8.cloned.1.call-start
scs
__scs_entry_jumppad:
0x0: {  	(pc) =	sbr.rel $0x88, $3  }
0x1: {  	(tag) =	ssettag $0x0;
	lr =	simm.s32 $0x1  }
0x2: {  	[smem:$0x3F98] =	sst lr;
	_ =	strace $0xD0000000  }
0x3: {  	_ = 	snop  }
0x4: {  	_ = 	snop  }
0x5: {  	_ = 	snop  }
0x6: {  	_ = 	snop  }
0x7: {  	_ = 	snop  }
__scs_overlays_trampoline_lowered:
0x8: {  	[smem:$0x3FA7] =	sst s0  }
0x9: {  	[smem:$0x3FA8] =	sst s1  }
0xa: {  	[smem:$0x3FA9] =	sst s2  }
0xb: {  	[smem:$0x3FAA] =	sst s3  }
0xc: {  	[smem:$0x3FAB] =	sst s4  }
0xd: {  	[smem:$0x3FAC] =	sst s5  }
0xe: {  	[smem:$0x3FAD] =	sst s6  }
0xf: {  	[smem:$0x3FAE] =	sst s7  }
0x10: {  	[smem:$0x3FAF] =	sst s8  }
0x11: {  	[smem:$0x3FB0] =	sst s9;
	s0 =	simm.s32 @!p0 $0x0  }
0x12: {  	s1 =	sld [smem:$0x3F96];
	s0 =	simm.s32 @p0 $0x1  }
0x13: {  	[smem:$0x3FB1] =	sst s0;
	s0 =	simm.s32 @!p1 $0x0  }
0x14: {  	s2 =	sld [smem:$0x3F95];
	s0 =	simm.s32 @p1 $0x1  }
0x15: {  	[smem:$0x3FB2] =	sst s0;
	s0 =	simm.s32 @!p2 $0x0  }
0x16: {  	s3 =	sld [smem:$0x3FDB];
	s0 =	simm.s32 @p2 $0x1  }
0x17: {  	s4 =	simm.s32 $0x1BF5;
	[smem:$0x3FB4] =	sst s0  }
0x18: {  	s0 =	sld [smem:$0x3F97];
	_ =	swait.ge [sflag:s4], $0x0  }
0x19: {  	s7 =	sld [smem:$0x3F98]  }
0x1a: {  	s8 =	sadd.s32 $0xFFFFE003, lr  }
0x1b: {  	s9 =	sadd.s32 $0xFFFFFEF7, lr;
	s5 =	simm.s32 $0xFFFFFFFF;
	p2 =	slt.u32 s8, $0xFFFFF086  }
0x1c: {  	p1 =	slt.u32 s9, $0xF7A;
	s5 =	simm.s32 @!p2 $0x0  }
0x1d: {  	s5 =	simm.s32 @p1 $0x1;
	p0 =	seq.s32 s7, s2  }
0x1e: {  	s7 =	smul.u32 @!p0 $0xF7A, s2;
	p2 =	seq.s32 @!p0 s5, $0x0  }
0x1f: {  	s9 =	smul.u32 $0xF7A, s1;
	s8 =	simm.s32 @!p0 $0x1BF5;
	p2 =	por !p2, p0  }
0x20: {  	[sflag:s8] =	ssyncset.s32 @!p0 $0xFFFFF086;
	s6 =	sadd.s32 @!p0 s3, s7;
	s7 =	simm.s32 @!p0 $0x108  }
0x21: {  	s3 =	sadd.s32 s3, s9;
	s6 =	sadd.s32 @!p0 $0x88, s6;
	s7 =	simm.s32 @p2 $0x1082  }
0x22: {  	[simem:s7], [sflag:s8] =	dma.local @!p0 [hbm:s6], $0xF7A  }
0x23: {  	s9 =	sor.u32 $0xD0000000, s2;
	s6 =	simm.s32 $0x108;
	_ =	swait.ge @!p0 [sflag:s8], $0x0  }
0x24: {  	s3 =	sadd.s32 $0x88, s3;
	s6 =	simm.s32 @!p1 $0x1082;
	[sflag:s4] =	ssyncset.s32 $0xFFFFF086  }
0x25: {  	[simem:s6], [sflag:s4] =	dma.local [hbm:s3], $0xF7A  }
0x26: {  	[smem:$0x3F98] =	sst s1;
	(tag) =	ssettag s2;
	_ =	strace s9  }
0x27: {  	s1 =	sld [smem:$0x3FA8]  }
0x28: {  	s2 =	sld [smem:$0x3FA9]  }
0x29: {  	s4 =	sld [smem:$0x3FAB]  }
0x2a: {  	p0 =	seq.s32 s5, $0x0;
	s5 =	sld [smem:$0x3FAC]  }
0x2b: {  	s6 =	sld [smem:$0x3FAD]  }
0x2c: {  	s7 =	sld [smem:$0x3FAE]  }
0x2d: {  	s3 =	simm.s32 $0x108;
	s8 =	sld [smem:$0x3FAF]  }
0x2e: {  	s3 =	simm.s32 @!p0 $0x1082;
	s9 =	sld [smem:$0x3FB0]  }
0x2f: {  	lr =	sadd.s32 s0, s3;
	s0 =	sld [smem:$0x3FA7]  }
0x30: {  	s3 =	sld [smem:$0x3FAA]  }
0x31: {  	[smem:$0x3FB3] =	sst s10  }
0x32: {  	s10 =	sld [smem:$0x3FB1];
	_ =	sdelay $0x3  }
0x33: {  	p0 =	seq.s32 s10, $0x1;
	s10 =	sld [smem:$0x3FB3];
	_ =	sdelay $0x3  }
0x34: {  	[smem:$0x3FB3] =	sst s10  }
0x35: {  	s10 =	sld [smem:$0x3FB2];
	_ =	sdelay $0x3  }
0x36: {  	p1 =	seq.s32 s10, $0x1;
	s10 =	sld [smem:$0x3FB3];
	_ =	sdelay $0x3  }
0x37: {  	[smem:$0x3FB3] =	sst s10  }
0x38: {  	s10 =	sld [smem:$0x3FB4]  }
0x39: {  	_ = 	snop;
	(pc) =	sbr.ind lr, $3  }
0x3a: {  	_ = 	snop  }
0x3b: {  	_ = 	snop  }
0x3c: {  	p2 =	seq.s32 s10, $0x1;
	s10 =	sld [smem:$0x3FB3]  }
0x3d: {  	_ =	shalt  }
0x3e: {  	_ =	shalt  }
0x3f: {  	_ =	shalt  }
0x40: {  	_ =	shalt  }
0x41: {  	_ =	shalt  }
0x42: {  	_ =	shalt  }
0x43: {  	_ =	shalt  }
0x44: {  	_ =	shalt  }
0x45: {  	_ =	shalt  }
0x46: {  	_ =	shalt  }
0x47: {  	_ =	shalt  }
0x48: {  	_ =	shalt  }
0x49: {  	_ =	shalt  }
0x4a: {  	_ =	shalt  }
0x4b: {  	_ =	shalt  }
0x4c: {  	_ =	shalt  }
0x4d: {  	_ =	shalt  }
0x4e: {  	_ =	shalt  }
0x4f: {  	_ =	shalt  }
0x50: {  	_ =	shalt  }
0x51: {  	_ =	shalt  }
0x52: {  	_ =	shalt  }
0x53: {  	_ =	shalt  }
0x54: {  	_ =	shalt  }
0x55: {  	_ =	shalt  }
0x56: {  	_ =	shalt  }
0x57: {  	_ =	shalt  }
0x58: {  	_ =	shalt  }
0x59: {  	_ =	shalt  }
0x5a: {  	_ =	shalt  }
0x5b: {  	_ =	shalt  }
0x5c: {  	_ =	shalt  }
0x5d: {  	_ =	shalt  }
0x5e: {  	_ =	shalt  }
0x5f: {  	_ =	shalt  }
0x60: {  	_ =	shalt  }
0x61: {  	_ =	shalt  }
0x62: {  	_ =	shalt  }
0x63: {  	_ =	shalt  }
0x64: {  	_ =	shalt  }
0x65: {  	_ =	shalt  }
0x66: {  	_ =	shalt  }
0x67: {  	_ =	shalt  }
0x68: {  	_ =	shalt  }
0x69: {  	_ =	shalt  }
0x6a: {  	_ =	shalt  }
0x6b: {  	_ =	shalt  }
0x6c: {  	_ =	shalt  }
0x6d: {  	_ =	shalt  }
0x6e: {  	_ =	shalt  }
0x6f: {  	_ =	shalt  }
0x70: {  	_ =	shalt  }
0x71: {  	_ =	shalt  }
0x72: {  	_ =	shalt  }
0x73: {  	_ =	shalt  }
0x74: {  	_ =	shalt  }
0x75: {  	_ =	shalt  }
0x76: {  	_ =	shalt  }
0x77: {  	_ =	shalt  }
0x78: {  	_ =	shalt  }
0x79: {  	_ =	shalt  }
0x7a: {  	_ =	shalt  }
0x7b: {  	_ =	shalt  }
0x7c: {  	_ =	shalt  }
0x7d: {  	_ =	shalt  }
0x7e: {  	_ =	shalt  }
0x7f: {  	_ =	shalt  }
0x80: {  	_ =	shalt  }
0x81: {  	_ =	shalt  }
0x82: {  	_ =	shalt  }
0x83: {  	_ =	shalt  }
0x84: {  	_ =	shalt  }
0x85: {  	_ =	shalt  }
0x86: {  	_ =	shalt  }
0x87: {  	_ =	shalt  }
.Lfunc_end0:
.L_simem_size_0:
called_computation_lowered:
.L_overlay_start_0:
0x88: {  	s2 =	sld [smem:$0x3FD9]  }
0x89: {  	s3 =	sld [smem:$0x3FFE];
	_ =	sdelay $0x1  }
0x8a: {  	s1 =	srdreg.scid  }
0x8b: {  	s0 =	sand.u32 $0x1, s1  }
0x8c: {  	s16 =	sshll.u32 s0, $0xA;
	s2 =	sadd.s32 s3, s2  }
0x8d: {  	s2 =	sadd.s32 s2, s16  }
0x8e: {  	[smem:$0x3FBF] =	sst s2  }
0x8f: {  	_ = 	snop  }
0x90: {  	(tm) =	ssettm $0x1  }
0x91: {  	s17 =	sld [smem:$0x3FFB];
	_ =	sdelay $0x3  }
0x92: {  	_ =	strace s17  }
0x93: {  	s2 =	sld [smem:$0x3FFC];
	_ =	sdelay $0x3  }
0x94: {  	_ =	strace s2  }
0x95: {  	s2 =	sld [smem:$0x3FFD];
	_ =	sdelay $0x3  }
0x96: {  	_ =	strace s2  }
0x97: {  	_ =	strace $0x8FFFFFFF  }
0x98: {  	s18 =	sld [smem:$0x3FDB];
	_ =	sdelay $0x1  }
0x99: {  	s19 =	simm.s32 $_scs_section_size  }
0x9a: {  	s4 =	simm.s32 $_size__tile_overlayer_lowered;
	s5 =	simm.s32 $_tile_overlayer_lowered  }
0x9b: {  	s22 =	simm.s32 $0x1BFF;
	s21 =	sshll.u32 s5, $0x1;
	s2 =	sadd.s32 s19, s18  }
0x9c: {  	s6 =	simm.s32 $0x0;
	s20 =	sshll.u32 s4, $0x1;
	s4 =	sadd.s32 s21, s2  }
0x9d: {  	[timem:s6], [sflag:s22] =	dma.local [hbm:s4], s20  }
0x9e: {  	_ =	swait.ge [sflag:s22], s20  }
0x9f: {  	s3 =	ssub.s32 $0x0, s20;
	[sflag:s22] =	ssyncset.done $0x0  }
0xa0: {  	[sflag:s22] =	ssyncadd.s32 s3;
	_ =	sdelay $0x1  }
0xa1: {  	s23 =	simm.s32 $0x1B8B  }
0xa2: {  	_ =	swait.ge [sflag:s23], $0x1  }
0xa3: {  	[sflag:s23] =	ssyncset.done $0x0  }
0xa4: {  	s25 =	simm.s32 $0x1B8E;
	s24 =	sld [smem:$0x3FFE];
	[sflag:s23] =	ssyncadd.s32 $0xFFFFFFFF  }
0xa5: {  	s26 =	simm.s32 $execute0_lowered;
	[smem:$0x3FD2] =	sst s25  }
0xa6: {  	s4 =	sshll.u32 s26, $0x1;
	_ =	strace $0x80000046;
	[dreg:$0x1] =	wrdreg $0xFFFFFFFF  }
0xa7: {  	s28 =	simm.s32 $_size_execute0_lowered;
	s2 =	sadd.s32 s2, s4;
	[dreg:$0x0] =	wrdreg $0x0  }
0xa8: {  	s4 =	sshll.u32 s28, $0x1;
	[dreg:$0x2] =	wrdreg s2  }
0xa9: {  	[dreg:$0x3] =	wrdreg s4  }
0xaa: {  	[dreg:$0x4] =	wrdreg $0xC0  }
0xab: {  	_ =	task [dreg:s6], $0x5FFFF  }
0xac: {  	[dreg:$0x1] =	wrdreg $0xFFFFFFFF  }
0xad: {  	[dreg:$0x0] =	wrdreg $0x60  }
0xae: {  	[dreg:$0x2] =	wrdreg s24  }
0xaf: {  	[dreg:$0x3] =	wrdreg $0x0  }
0xb0: {  	[dreg:$0x4] =	wrdreg $0x9  }
0xb1: {  	_ =	task.clear_ibuf [dreg:s6], $0x5FFFF;
	_ =	strace $0x90000046  }
0xb2: {  	s29 =	simm.s32 $0x9;
	_ =	strace $0x80000048  }
0xb3: {  	_ =	swait.ge [sflag:s29], $0x1  }
0xb4: {  	[sflag:s29] =	ssyncadd.s32 $0xFFFFFFFF  }
0xb5: {  	_ =	strace $0x90000048  }
0xb6: {  	_ =	sfence  }
0xb7: {  	s30 =	sld [smem:$0x0];
	_ =	sdelay $0x2  }
0xb8: {  	s31 =	sshll.u32 s1, $0xD;
	s1 =	sshrl.u32 s1, $0x2  }
0xb9: {  	s3 =	sand.u32 $0x4000, s31;
	s1 =	sadd.s32 s1, s30  }
0xba: {  	s0 =	sor.u32 s3, s0;
	s1 =	sshll.u32 s1, $0x11  }
0xbb: {  	s0 =	sor.u32 s1, s0  }
0xbc: {  	s0 =	sadd.s32 $0x8F2B, s0  }
0xbd: {  	[sflag:s0] =	ssyncadd.remote.s32 $0x1  }
0xbe: {  	_ =	sfence.sel $0xFFFF  }
0xbf: {  	[dreg:$0x0] =	wrdreg $0xFFFFFFFF;
	(pc) =	sbr.abs _section_cstart, $3  }
0xc0: {  	[dreg:$0x1] =	wrdreg $0xFFFFFFFF  }
0xc1: {  	_ =	task.clear_ibuf [dreg:s6], $0x2FFFF;
	_ =	strace $0x9FFFFFFF  }
0xc2: {  	(tm) =	ssettm $0x7FFFFFFF  }
0xc3: {  	_ =	shalt  }
tec
execute0_lowered:
.L_overlay_start_1:
0x0: {  	(tag) =	ssettag $0x1  }
0x1: {  	s0 =	rddreg [dreg:$0x0]  }
0x2: {  	s1 =	rddreg [dreg:$0x1];
	s2 =	srdreg.scid  }
0x3: {  	s3 =	simm.s32 $0x0;
	s10 =	stileid.u32;
	s15 =	simm.s32 $0x7  }
0x4: {  	s16 =	simm.s32 $0x1E100;
	s17 =	simm.s32 $0x16780;
	s18 =	simm.s32 $0x50  }
0x5: {  	s19 =	simm.s32 $0x16900;
	s20 =	simm.s32 $0x16800;
	s28 =	simm.s32 $0x5  }
0x6: {  	s29 =	simm.s32 $0x2;
	s30 =	simm.s32 $0x6;
	s6 =	smul.u32 $0x14000, s10  }
0x7: {  	s31 =	simm.s32 $0x3;
	s2 =	sand.u32 $0x1, s2;
	s8 =	smul.u32 $0x50000, s10  }
0x8: {  	[smem:$0x7FF] =	sst s3;
	s5 =	smul.u32 $0x140000, s2;
	s4 =	sshll.u32 s2, $0x4  }
0x9: {  	_ =	strace $0x80000047;
	s22 =	ssub.s32 $0x2, s2;
	s2 =	smul.u32 $0x27100, s2  }
0xa: {  	s7 =	sor.u32 s10, s4;
	s4 =	sadd.s32 $0x16000, s0;
	s9 =	sshrl.u32 s22, $0x1  }
0xb: {  	s10 =	smul.u32 $0x2710, s10;
	s23 =	sshrl.u32 s8, $0x2;
	s6 =	sadd.s32 s6, s5  }
0xc: {  	s7 =	smul.u32 $0x2710, s7;
	s5 =	sadd.s32 $0xC200, s0;
	s9 =	ssub.s32 s22, s9  }
0xd: {  	s22 =	simm.s32 $0x19100;
	s6 =	sshrl.u32 s6, $0x3;
	s2 =	sadd.s32 s10, s2  }
0xe: {  	s9 =	smax.u32 s9, $0x1;
	s0 =	sadd.s32 s6, s0;
	s7 =	sshrl.u32 s7, $0x3  }
0xf: {  	s25 =	sadd.s32 $0x140, s2;
	s26 =	sadd.s32 $0xA0, s2;
	[dreg:$0x5] =	wrdreg s9  }
0x10: {  	s12 =	sadd.s32 $0xF0, s2;
	s9 =	simm.s32 $0x14000;
	s6 =	sadd.s32 s5, s7  }
0x11: {  	s7 =	sadd.s32 s23, s1;
	s0 =	sadd.s32 $0x3E000, s0;
	s8 =	sshrl.u32 s26, $0x3  }
0x12: {  	s23 =	simm.s32 $0x16880;
	s26 =	simm.s32 $0x1;
	s24 =	sadd.s32 $0xA, s6  }
0x13: {  	[dreg:$0x4] =	wrdreg s0;
	s0 =	sshrl.u32 s25, $0x3;
	s13 =	sadd.s32 s8, s5  }
0x14: {  	s25 =	simm.s32 $0x4;
	[dreg:$0x3] =	wrdreg s24;
	s0 =	sadd.s32 s0, s5  }
0x15: {  	v0 =	vimm.f32 $0.0e+00;
	s24 =	simm.s32 $0x1B900;
	[dreg:$0x6] =	wrdreg s0;
	s0 =	simm.s32 $0x0  }
.LBB2_1:
0x16: {  	s2 =	simm.s32 $0x0;
	s8 =	simm.s32 $0x200  }
.LBB2_2:
0x17: {  	p0 =	sne.s32 s8, $0x1E00;
	[tilespmem:s2+$0x1E170] =	vst v0  }
0x18: {  	[tilespmem:s2+$0x1E100] =	vst v0  }
0x19: {  	[tilespmem:s2+$0x1E110] =	vst v0  }
.Ltmp0:
0x1a: {  	[tilespmem:s2+$0x1E120] =	vst v0;
	(pc) =	sbr.rel @p0 .LBB2_2-.Ltmp0, $4  }
0x1b: {  	[tilespmem:s2+$0x1E130] =	vst v0  }
0x1c: {  	[tilespmem:s2+$0x1E140] =	vst v0  }
0x1d: {  	[tilespmem:s2+$0x1E150] =	vst v0  }
0x1e: {  	[tilespmem:s2+$0x1E160] =	vst v0;
	s2 =	sshra.s32 s8, $0x2;
	s8 =	sadd.s32 $0x200, s8  }
0x1f: {  	[tilespmem:s2+$0x1E170] =	vst v0  }
0x20: {  	[tilespmem:s2+$0x1E100] =	vst v0  }
0x21: {  	[tilespmem:s2+$0x1E110] =	vst v0  }
0x22: {  	[tilespmem:s2+$0x1E120] =	vst v0  }
0x23: {  	[tilespmem:s2+$0x1E130] =	vst v0  }
0x24: {  	[tilespmem:s2+$0x1E140] =	vst v0  }
0x25: {  	[tilespmem:s2+$0x1E150] =	vst v0  }
0x26: {  	[tilespmem:s2+$0x1E160] =	vst v0;
	s14 =	simm.s32 $0x0  }
0x27: {  	[tilespmem:s9], [sflag:$0x7] =	stream.linear.gather [hbm4b:s6+s14], $0x2710, $0x38;
	[tilespmem:$0x1E900] =	vst v63  }
0x28: {  	_ =	swait.ge [sflag:s15], $0x2710  }
0x29: {  	[sflag:s15] =	ssyncset.done $0x0  }
0x2a: {  	s21 =	sadd.s32 $0x0, s7;
	[sflag:s15] =	ssyncadd.s32 $0xFFFFD8F0  }
0x2b: {  	[spmem:s21] =	stream.linear.scatter [tilespmem:s16], [sflag:$0x7], $0x800, $0x38;
	[tilespmem:$0x1E900] =	vst v63  }
0x2c: {  	s2 =	simm.s32 $0x2000;
	_ =	swait.ge [sflag:s15], $0x800  }
.LBB2_4:
0x2d: {  	s8 =	sshra.s32 s2, $0x2;
	[sflag:s15] =	ssyncset.done $0x0;
	p0 =	sne.s32 s2, $0x4E000  }
.Ltmp1:
0x2e: {  	s8 =	sadd.s32 s8, s7;
	[sflag:s15] =	ssyncadd.s32 $0xFFFFF800;
	(pc) =	sbr.rel @p0 .LBB2_4-.Ltmp1, $3  }
0x2f: {  	[spmem:s8] =	stream.linear.scatter [tilespmem:s16], [sflag:$0x7], $0x800, $0x38;
	[tilespmem:$0x1E900] =	vst v63  }
0x30: {  	s2 =	sadd.s32 $0x2000, s2;
	_ =	sdelay $0x1  }
0x31: {  	_ =	swait.ge [sflag:s15], $0x800  }
0x32: {  	[sflag:s15] =	ssyncset.done $0x0  }
0x33: {  	[sflag:s15] =	ssyncadd.s32 $0xFFFFF800  }
0x34: {  	s2 =	simm.s32 $0x0;
	[bflag:$0x0] =	sbarrier.arrive $0xFFFF  }
0x35: {  	[tilespmem:s17], [sflag:$0x4] =	stream.linear.gather [hbm4b:s6+s2], $0x50, $0x38;
	[tilespmem:$0x1E900] =	vst v63  }
0x36: {  	_ = 	snop  }
0x37: {  	[tilespmem:s19], [sflag:$0x1] =	stream.indirect.gather [hbm4b:s4+s18], $0x80, s9, s18, $0xb8;
	[tilespmem:$0x1E900] =	vst v63  }
0x38: {  	s21 =	rddreg [dreg:$0x3]  }
0x39: {  	[tilespmem:s20], [sflag:$0x5] =	stream.linear.gather [hbm4b:s21+s2], $0x50, $0x38;
	[tilespmem:$0x1E900] =	vst v63  }
0x3a: {  	s11 =	smov.u32 s6;
	s6 =	simm.s32 $0x14050  }
0x3b: {  	[tilespmem:s22], [sflag:$0x2] =	stream.indirect.gather [hbm4b:s4+s18], $0x80, s6, s18, $0xb8;
	[tilespmem:$0x1E900] =	vst v63  }
0x3c: {  	_ = 	snop  }
0x3d: {  	[tilespmem:s23], [sflag:$0x6] =	stream.linear.gather [hbm4b:s13+s3], $0x50, $0x38;
	[tilespmem:$0x1E900] =	vst v63  }
0x3e: {  	s8 =	simm.s32 $0x140A0  }
0x3f: {  	[tilespmem:s24], [sflag:$0x3] =	stream.indirect.gather [hbm4b:s4+s18], $0x80, s8, s18, $0xb8;
	[tilespmem:$0x1E900] =	vst v63  }
0x40: {  	_ =	swait.ge [sflag:s25], $0x50  }
0x41: {  	[sflag:s25] =	ssyncset.done $0x0  }
0x42: {  	[sflag:s25] =	ssyncadd.s32 $0xFFFFFFB0  }
0x43: {  	_ =	swait.ge [sflag:s26], $0x2800  }
0x44: {  	[sflag:s26] =	ssyncset.done $0x0  }
0x45: {  	[sflag:s26] =	ssyncadd.s32 $0xFFFFD800  }
0x46: {  	[spmem:s1] =	stream.indirect.scatter.add.f32 [tilespmem:s19], [sflag:$0x7], $0x80, s17, s18, $0xb8;
	[tilespmem:$0x1E900] =	vst v63  }
0x47: {  	_ =	swait.ge [sflag:s15], $0x2800  }
0x48: {  	s9 =	sshrl.u32 s12, $0x3;
	[sflag:s15] =	ssyncset.done $0x0  }
0x49: {  	s2 =	sadd.s32 s5, s9;
	[sflag:s15] =	ssyncadd.s32 $0xFFFFD800  }
0x4a: {  	[tilespmem:s17], [sflag:$0x4] =	stream.linear.gather [hbm4b:s2+s3], $0x50, $0x38;
	[tilespmem:$0x1E900] =	vst v63  }
0x4b: {  	s10 =	simm.s32 $0x140F0  }
0x4c: {  	[tilespmem:s19], [sflag:$0x1] =	stream.indirect.gather [hbm4b:s4+s18], $0x80, s10, s18, $0xb8;
	[tilespmem:$0x1E900] =	vst v63  }
0x4d: {  	_ =	swait.ge [sflag:s28], $0x50  }
0x4e: {  	[sflag:s28] =	ssyncset.done $0x0  }
0x4f: {  	[sflag:s28] =	ssyncadd.s32 $0xFFFFFFB0  }
0x50: {  	_ =	swait.ge [sflag:s29], $0x2800  }
0x51: {  	[sflag:s29] =	ssyncset.done $0x0  }
0x52: {  	[sflag:s29] =	ssyncadd.s32 $0xFFFFD800  }
0x53: {  	[spmem:s1] =	stream.indirect.scatter.add.f32 [tilespmem:s22], [sflag:$0x7], $0x80, s20, s18, $0xb8;
	[tilespmem:$0x1E900] =	vst v63  }
0x54: {  	_ =	swait.ge [sflag:s15], $0x2800  }
0x55: {  	[sflag:s15] =	ssyncset.done $0x0  }
0x56: {  	s14 =	rddreg [dreg:$0x6];
	[sflag:s15] =	ssyncadd.s32 $0xFFFFD800  }
0x57: {  	[tilespmem:s20], [sflag:$0x5] =	stream.linear.gather [hbm4b:s14+s3], $0x50, $0x38;
	[tilespmem:$0x1E900] =	vst v63  }
0x58: {  	s21 =	simm.s32 $0x14140  }
0x59: {  	[tilespmem:s22], [sflag:$0x2] =	stream.indirect.gather [hbm4b:s4+s18], $0x80, s21, s18, $0xb8;
	[tilespmem:$0x1E900] =	vst v63  }
0x5a: {  	_ =	swait.ge [sflag:s30], $0x50  }
0x5b: {  	[sflag:s30] =	ssyncset.done $0x0  }
0x5c: {  	[sflag:s30] =	ssyncadd.s32 $0xFFFFFFB0  }
0x5d: {  	_ =	swait.ge [sflag:s31], $0x2800  }
0x5e: {  	[sflag:s31] =	ssyncset.done $0x0  }
0x5f: {  	[sflag:s31] =	ssyncadd.s32 $0xFFFFD800  }
0x60: {  	[spmem:s1] =	stream.indirect.scatter.add.f32 [tilespmem:s24], [sflag:$0x7], $0x80, s23, s18, $0xb8;
	[tilespmem:$0x1E900] =	vst v63  }
0x61: {  	s9 =	simm.s32 $0x3C0;
	s8 =	sadd.s32 $0xF0, s12;
	_ =	swait.ge [sflag:s15], $0x2800  }
0x62: {  	s2 =	sadd.s32 $0x1E, s13;
	s21 =	sadd.s32 $0x1E, s14;
	[sflag:s15] =	ssyncset.done $0x0  }
.LBB2_6:
0x63: {  	s10 =	smov.u32 s9  }
0x64: {  	s14 =	sshra.s32 s9, $0x2;
	[sflag:s15] =	ssyncadd.s32 $0xFFFFD800;
	s10 =	sadd.s32 $0x3C0, s9  }
0x65: {  	[tilespmem:s23], [sflag:$0x6] =	stream.linear.gather [hbm4b:s2+s3], $0x50, $0x38;
	[tilespmem:$0x1E900] =	vst v63  }
0x66: {  	p0 =	sne.s32 s9, $0x9600;
	s6 =	sadd.s32 $0x140A0, s14  }
0x67: {  	[tilespmem:s24], [sflag:$0x3] =	stream.indirect.gather [hbm4b:s4+s18], $0x80, s6, s18, $0xb8;
	[tilespmem:$0x1E900] =	vst v63  }
0x68: {  	_ =	swait.ge [sflag:s25], $0x50  }
0x69: {  	[sflag:s25] =	ssyncset.done $0x0  }
0x6a: {  	[sflag:s25] =	ssyncadd.s32 $0xFFFFFFB0  }
0x6b: {  	_ =	swait.ge [sflag:s26], $0x2800  }
0x6c: {  	[sflag:s26] =	ssyncset.done $0x0  }
0x6d: {  	[sflag:s26] =	ssyncadd.s32 $0xFFFFD800  }
0x6e: {  	[spmem:s1] =	stream.indirect.scatter.add.f32 [tilespmem:s19], [sflag:$0x7], $0x80, s17, s18, $0xb8;
	[tilespmem:$0x1E900] =	vst v63  }
0x6f: {  	_ =	swait.ge [sflag:s15], $0x2800  }
0x70: {  	s6 =	sshrl.u32 s8, $0x3;
	[sflag:s15] =	ssyncset.done $0x0  }
0x71: {  	s6 =	sadd.s32 s5, s6;
	[sflag:s15] =	ssyncadd.s32 $0xFFFFD800  }
0x72: {  	[tilespmem:s17], [sflag:$0x4] =	stream.linear.gather [hbm4b:s6+s3], $0x50, $0x38;
	[tilespmem:$0x1E900] =	vst v63  }
0x73: {  	s6 =	sadd.s32 $0x140F0, s14  }
0x74: {  	[tilespmem:s19], [sflag:$0x1] =	stream.indirect.gather [hbm4b:s4+s18], $0x80, s6, s18, $0xb8;
	[tilespmem:$0x1E900] =	vst v63  }
0x75: {  	_ =	swait.ge [sflag:s28], $0x50  }
0x76: {  	[sflag:s28] =	ssyncset.done $0x0  }
0x77: {  	[sflag:s28] =	ssyncadd.s32 $0xFFFFFFB0  }
0x78: {  	_ =	swait.ge [sflag:s29], $0x2800  }
0x79: {  	[sflag:s29] =	ssyncset.done $0x0  }
0x7a: {  	[sflag:s29] =	ssyncadd.s32 $0xFFFFD800  }
0x7b: {  	[spmem:s1] =	stream.indirect.scatter.add.f32 [tilespmem:s22], [sflag:$0x7], $0x80, s20, s18, $0xb8;
	[tilespmem:$0x1E900] =	vst v63  }
0x7c: {  	_ =	swait.ge [sflag:s15], $0x2800  }
0x7d: {  	[sflag:s15] =	ssyncset.done $0x0  }
0x7e: {  	[sflag:s15] =	ssyncadd.s32 $0xFFFFD800  }
0x7f: {  	[tilespmem:s20], [sflag:$0x5] =	stream.linear.gather [hbm4b:s21+s3], $0x50, $0x38;
	[tilespmem:$0x1E900] =	vst v63  }
0x80: {  	s6 =	sadd.s32 $0x14140, s14  }
0x81: {  	[tilespmem:s22], [sflag:$0x2] =	stream.indirect.gather [hbm4b:s4+s18], $0x80, s6, s18, $0xb8;
	[tilespmem:$0x1E900] =	vst v63  }
0x82: {  	_ =	swait.ge [sflag:s30], $0x50  }
0x83: {  	[sflag:s30] =	ssyncset.done $0x0  }
0x84: {  	[sflag:s30] =	ssyncadd.s32 $0xFFFFFFB0  }
0x85: {  	_ =	swait.ge [sflag:s31], $0x2800  }
.Ltmp2:
0x86: {  	[sflag:s31] =	ssyncset.done $0x0;
	(pc) =	sbr.rel @p0 .LBB2_6-.Ltmp2, $4  }
0x87: {  	[sflag:s31] =	ssyncadd.s32 $0xFFFFD800  }
0x88: {  	[spmem:s1] =	stream.indirect.scatter.add.f32 [tilespmem:s24], [sflag:$0x7], $0x80, s23, s18, $0xb8;
	[tilespmem:$0x1E900] =	vst v63  }
0x89: {  	s2 =	sadd.s32 $0x1E, s2;
	s9 =	smov.u32 s10;
	_ =	swait.ge [sflag:s15], $0x2800  }
0x8a: {  	s8 =	sadd.s32 $0xF0, s8;
	s21 =	sadd.s32 $0x1E, s21;
	[sflag:s15] =	ssyncset.done $0x0  }
0x8b: {  	[sflag:s15] =	ssyncadd.s32 $0xFFFFD800  }
0x8c: {  	_ =	swait.ge [sflag:s25], $0x50  }
0x8d: {  	[sflag:s25] =	ssyncset.done $0x0  }
0x8e: {  	[sflag:s25] =	ssyncadd.s32 $0xFFFFFFB0  }
0x8f: {  	_ =	swait.ge [sflag:s26], $0x2800  }
0x90: {  	[sflag:s26] =	ssyncset.done $0x0  }
0x91: {  	[sflag:s26] =	ssyncadd.s32 $0xFFFFD800  }
0x92: {  	[spmem:s1] =	stream.indirect.scatter.add.f32 [tilespmem:s19], [sflag:$0x7], $0x80, s17, s18, $0xb8;
	[tilespmem:$0x1E900] =	vst v63  }
0x93: {  	_ =	swait.ge [sflag:s15], $0x2800  }
0x94: {  	[sflag:s15] =	ssyncset.done $0x0  }
0x95: {  	[sflag:s15] =	ssyncadd.s32 $0xFFFFD800  }
0x96: {  	_ =	swait.ge [sflag:s28], $0x50  }
0x97: {  	[sflag:s28] =	ssyncset.done $0x0  }
0x98: {  	[sflag:s28] =	ssyncadd.s32 $0xFFFFFFB0  }
0x99: {  	_ =	swait.ge [sflag:s29], $0x2800  }
0x9a: {  	[sflag:s29] =	ssyncset.done $0x0  }
0x9b: {  	[sflag:s29] =	ssyncadd.s32 $0xFFFFD800  }
0x9c: {  	[spmem:s1] =	stream.indirect.scatter.add.f32 [tilespmem:s22], [sflag:$0x7], $0x80, s20, s18, $0xb8;
	[tilespmem:$0x1E900] =	vst v63  }
0x9d: {  	_ =	swait.ge [sflag:s15], $0x2800  }
0x9e: {  	[sflag:s15] =	ssyncset.done $0x0  }
0x9f: {  	s2 =	stileid.u32;
	[sflag:s15] =	ssyncadd.s32 $0xFFFFD800  }
0xa0: {  	s2 =	sshll.u32 s2, $0x6;
	[bflag:$0x0] =	sbarrier.arrive $0xFFFF  }
0xa1: {  	s6 =	sshrl.u32 s7, $0x3;
	s2 =	sor.u32 $0x1C07, s2;
	s8 =	rddreg [dreg:$0x4]  }
0xa2: {  	[hbm:s8], [sflag:s2] =	dma.local [spmem:s6], $0x2800  }
0xa3: {  	_ =	swait.ge [sflag:s15], $0x2800  }
0xa4: {  	s0 =	sadd.s32 $0x1, s0;
	s21 =	rddreg [dreg:$0x5]  }
0xa5: {  	p0 =	sne.s32 s0, s21  }
.Ltmp3:
0xa6: {  	_ = 	snop;
	(pc) =	sbr.rel @p0 .LBB2_1-.Ltmp3, $3  }
0xa7: {  	_ =	sdelay $0x1  }
0xa8: {  	[sflag:s15] =	ssyncset.done $0x0  }
0xa9: {  	s9 =	simm.s32 $0x14000;
	s6 =	smov.u32 s11;
	[sflag:s15] =	ssyncadd.s32 $0xFFFFD800  }
0xaa: {  	_ =	sfence.sel $0x180000  }
0xab: {  	[bflag:$0x0] =	sbarrier.arrive $0xFFFF  }
0xac: {  	_ =	strace $0x90000047  }
0xad: {  	s0 =	stileid.u32;
	[bflag:$0x2] =	sbarrier.arrive $0xFFFF  }
0xae: {  	p0 =	sne.s32 s0, $0x0;
	s0 =	rddreg [dreg:$0x2]  }
0xaf: {  	s0 =	sadd.s32 @!p0 $0x100000, s0  }
0xb0: {  	[sflag:s0] =	ssyncadd.tile.s32 @!p0 $0x1;
	_ =	shalt  }
.Lfunc_end2:
_tile_overlayer_lowered:
.L_overlay_start_2:
0xb1: {  	(tag) =	ssettag $0x2  }
0xb2: {  	s0 =	rddreg [dreg:$0x0];
	s2 =	stileid.u32  }
0xb3: {  	s1 =	rddreg [dreg:$0x1];
	p0 =	sne.s32 s2, $0x0  }
0xb4: {  	s3 =	rddreg [dreg:$0x2];
	[bflag:$0x3] =	sbarrier.arrive $0xFFFF;
	s2 =	simm.s32 @!p0 $0x1C07  }
0xb5: {  	[timem:s3], [sflag:s2] =	dma.local @!p0 [hbm:s0], s1  }
0xb6: {  	s0 =	simm.s32 @!p0 $0x7  }
0xb7: {  	_ =	swait.ge @!p0 [sflag:s0], s1  }
0xb8: {  	s1 =	ssub.s32 @!p0 $0x0, s1;
	[sflag:s0] =	ssyncset.done @!p0 $0x0  }
0xb9: {  	[sflag:s0] =	ssyncadd.s32 @!p0 s1  }
0xba: {  	[bflag:$0x3] =	sbarrier.arrive $0xFFFF  }
0xbb: {  	_ =	shalt  }

</sc_bundles>
